<compile_context>
chip_gen: v7x
topology: tpu7x:2x2x1
jax: 0.10.2.dev20260603
libtpu: 0.0.44.dev20260713+nightly
codegen_flags: <defaults>
</compile_context>

<pallas_src>
import functools

import jax
import jax.numpy as jnp
from jax import lax
from jax.experimental import pallas as pl
from jax.experimental.pallas import tpu as pltpu
from jax.experimental.pallas import tpu_sc as plsc

N = 10000
E = 320000
D = 128

NC = 2
NS = 16
NW = NC * NS
EPW = E // NW
CH = 125
NCHUNK = EPW // CH
ZR = 40

DSTEP = 624
DSIZE = 640

RB = 5000
GRID = N // RB

_mesh = plsc.VectorSubcoreMesh(core_axis_name="c", subcore_axis_name="s")



GRP = 40
NGRP = NCHUNK // GRP
GP = GRP // 2


@functools.partial(
    pl.kernel,
    out_type=jax.ShapeDtypeStruct((NC, N, D), jnp.float32),
    mesh=_mesh,
    scratch_types=[
        pltpu.VMEM((GRP, CH), jnp.int32),
        pltpu.VMEM((GRP, CH), jnp.int32),
        pltpu.VMEM((CH, D), jnp.float32),
        pltpu.VMEM((CH, D), jnp.float32),
        pltpu.VMEM((ZR, D), jnp.float32),
        pltpu.VMEM_SHARED((N, D), jnp.float32),
        pltpu.SemaphoreType.DMA,
        pltpu.SemaphoreType.DMA,
    ],
)
def _g(t_hbm, src_hbm, dst_hbm, out_hbm,
       src_g, dst_g, rows_a, rows_b, zero_v, acc, sem_a, sem_b):
    cid = lax.axis_index("c")
    sid = lax.axis_index("s")
    wid = cid * NS + sid

    def zfill(i, c):
        zero_v[i // 8, pl.ds((i % 8) * 16, 16)] = jnp.zeros((16,), jnp.float32)
        return c

    lax.fori_loop(0, ZR * 8, zfill, 0)

    def zcopy(i, c):
        pltpu.sync_copy(zero_v, acc.at[pl.ds(sid * DSTEP + i * ZR, ZR)])
        return c

    lax.fori_loop(0, DSIZE // ZR, zcopy, 0)
    plsc.subcore_barrier()

    def group(g, c):
        gb = g * GRP
        pltpu.sync_copy(src_hbm.at[wid, pl.ds(gb, GRP)], src_g)
        pltpu.sync_copy(dst_hbm.at[wid, pl.ds(gb, GRP)], dst_g)
        pltpu.async_copy(t_hbm.at[src_g.at[0]], rows_a, sem_a)

        def pair(p, c2):
            j = 2 * p
            pltpu.make_async_copy(t_hbm.at[src_g.at[j]], rows_a, sem_a).wait()
            pltpu.async_copy(t_hbm.at[src_g.at[j + 1]], rows_b, sem_b)
            pltpu.sync_copy(rows_a, acc.at[dst_g.at[j]], add=True)
            pltpu.make_async_copy(
                t_hbm.at[src_g.at[j + 1]], rows_b, sem_b).wait()

            @pl.when(p < GP - 1)
            def _():
                pltpu.async_copy(t_hbm.at[src_g.at[j + 2]], rows_a, sem_a)

            pltpu.sync_copy(rows_b, acc.at[dst_g.at[j + 1]], add=True)
            return c2

        lax.fori_loop(0, GP, pair, 0)
        return c

    lax.fori_loop(0, NGRP, group, 0)
    plsc.subcore_barrier()
    pltpu.sync_copy(acc.at[pl.ds(sid * DSTEP, DSIZE)],
                    out_hbm.at[cid, pl.ds(sid * DSTEP, DSIZE)])


@functools.partial(
    pl.kernel,
    out_type=jax.ShapeDtypeStruct((NC, N, D), jnp.float32),
    mesh=_mesh,
    scratch_types=[
        pltpu.VMEM((NCHUNK, CH), jnp.int32),
        pltpu.VMEM((CH, D), jnp.float32),
        pltpu.VMEM((ZR, D), jnp.float32),
        pltpu.VMEM_SHARED((N, D), jnp.float32),
    ],
)
def _deg(src_hbm, out_hbm, src_v, ones_v, zero_v, acc):
    cid = lax.axis_index("c")
    sid = lax.axis_index("s")
    wid = cid * NS + sid

    e0 = jnp.where(lax.iota(jnp.int32, 16) == 0, 1.0, 0.0).astype(jnp.float32)
    z16 = jnp.zeros((16,), jnp.float32)

    def fill(i, c):
        r = i // 8
        k = i % 8
        ones_v[r, pl.ds(k * 16, 16)] = jnp.where(k == 0, e0, z16)
        return c

    lax.fori_loop(0, CH * 8, fill, 0)

    def zfill(i, c):
        zero_v[i // 8, pl.ds((i % 8) * 16, 16)] = z16
        return c

    lax.fori_loop(0, ZR * 8, zfill, 0)

    def zcopy(i, c):
        pltpu.sync_copy(zero_v, acc.at[pl.ds(sid * DSTEP + i * ZR, ZR)])
        return c

    lax.fori_loop(0, DSIZE // ZR, zcopy, 0)
    plsc.subcore_barrier()

    pltpu.sync_copy(src_hbm.at[wid], src_v)

    def body(j, c):
        pltpu.sync_copy(ones_v, acc.at[src_v.at[j]], add=True)
        return c

    lax.fori_loop(0, NCHUNK, body, 0)
    plsc.subcore_barrier()
    pltpu.sync_copy(acc.at[pl.ds(sid * DSTEP, DSIZE)],
                    out_hbm.at[cid, pl.ds(sid * DSTEP, DSIZE)])



def _tc_scale_body(deg_ref, x_ref, dis_ref, xs_ref):
    d = deg_ref[0] + deg_ref[1]
    dis = jnp.where(d > 0.0, lax.rsqrt(jnp.where(d > 0.0, d, 1.0)), 0.0)
    dis_ref[...] = dis
    xs_ref[...] = x_ref[...] * dis


def _tc_scale(deg2, x):
    return pl.pallas_call(
        _tc_scale_body,
        grid=(GRID,),
        in_specs=[
            pl.BlockSpec((NC, RB, 1), lambda i: (0, i, 0)),
            pl.BlockSpec((RB, D), lambda i: (i, 0)),
        ],
        out_specs=[
            pl.BlockSpec((RB, 1), lambda i: (i, 0)),
            pl.BlockSpec((RB, D), lambda i: (i, 0)),
        ],
        out_shape=[
            jax.ShapeDtypeStruct((N, 1), jnp.float32),
            jax.ShapeDtypeStruct((N, D), jnp.float32),
        ],
    )(deg2, x)


def _tc_y_body(u_ref, dis_ref, y_ref):
    dis = dis_ref[...]
    y_ref[...] = -(dis * dis * (u_ref[0] + u_ref[1]))


def _tc_y(u2, dis):
    return pl.pallas_call(
        _tc_y_body,
        grid=(GRID,),
        in_specs=[
            pl.BlockSpec((NC, RB, D), lambda i: (0, i, 0)),
            pl.BlockSpec((RB, 1), lambda i: (i, 0)),
        ],
        out_specs=pl.BlockSpec((RB, D), lambda i: (i, 0)),
        out_shape=jax.ShapeDtypeStruct((N, D), jnp.float32),
    )(u2, dis)


def _tc_outp_body(u_ref, dis_ref, t_ref, w_ref, outp_ref):
    dis = dis_ref[...]
    tx1 = -(dis * (u_ref[0] + u_ref[1]))
    outp_ref[...] = (
        jnp.dot(t_ref[...], w_ref[0], preferred_element_type=jnp.float32)
        + jnp.dot(tx1, w_ref[1], preferred_element_type=jnp.float32))


def _tc_outp(u2, dis, t, w):
    return pl.pallas_call(
        _tc_outp_body,
        grid=(GRID,),
        in_specs=[
            pl.BlockSpec((NC, RB, D), lambda i: (0, i, 0)),
            pl.BlockSpec((RB, 1), lambda i: (i, 0)),
            pl.BlockSpec((RB, D), lambda i: (i, 0)),
            pl.BlockSpec((3, D, D), lambda i: (0, 0, 0)),
        ],
        out_specs=pl.BlockSpec((RB, D), lambda i: (i, 0)),
        out_shape=jax.ShapeDtypeStruct((N, D), jnp.float32),
    )(u2, dis, t, w)


def _tc_mid2_body(u_ref, dis_ref, t_ref, outp_ref, w_ref, b_ref, h_ref, hs_ref):
    dis = dis_ref[...]
    tx2 = -2.0 * (dis * (u_ref[0] + u_ref[1])) - t_ref[...]
    h = jnp.maximum(
        outp_ref[...]
        + jnp.dot(tx2, w_ref[2], preferred_element_type=jnp.float32)
        + b_ref[...], 0.0)
    h_ref[...] = h
    hs_ref[...] = dis * h


def _tc_mid2(u2, dis, t, outp, w, b):
    return pl.pallas_call(
        _tc_mid2_body,
        grid=(GRID,),
        in_specs=[
            pl.BlockSpec((NC, RB, D), lambda i: (0, i, 0)),
            pl.BlockSpec((RB, 1), lambda i: (i, 0)),
            pl.BlockSpec((RB, D), lambda i: (i, 0)),
            pl.BlockSpec((RB, D), lambda i: (i, 0)),
            pl.BlockSpec((3, D, D), lambda i: (0, 0, 0)),
            pl.BlockSpec((D,), lambda i: (0,)),
        ],
        out_specs=[
            pl.BlockSpec((RB, D), lambda i: (i, 0)),
            pl.BlockSpec((RB, D), lambda i: (i, 0)),
        ],
        out_shape=[
            jax.ShapeDtypeStruct((N, D), jnp.float32),
            jax.ShapeDtypeStruct((N, D), jnp.float32),
        ],
    )(u2, dis, t, outp, w, b)


def _tc_final_body(u_ref, dis_ref, t_ref, outp_ref, w_ref, b_ref, o_ref):
    dis = dis_ref[...]
    tx2 = -2.0 * (dis * (u_ref[0] + u_ref[1])) - t_ref[...]
    o_ref[...] = jnp.maximum(
        outp_ref[...]
        + jnp.dot(tx2, w_ref[2], preferred_element_type=jnp.float32)
        + b_ref[...], 0.0)


def _tc_final(u2, dis, t, outp, w, b):
    return pl.pallas_call(
        _tc_final_body,
        grid=(GRID,),
        in_specs=[
            pl.BlockSpec((NC, RB, D), lambda i: (0, i, 0)),
            pl.BlockSpec((RB, 1), lambda i: (i, 0)),
            pl.BlockSpec((RB, D), lambda i: (i, 0)),
            pl.BlockSpec((RB, D), lambda i: (i, 0)),
            pl.BlockSpec((3, D, D), lambda i: (0, 0, 0)),
            pl.BlockSpec((D,), lambda i: (0,)),
        ],
        out_specs=pl.BlockSpec((RB, D), lambda i: (i, 0)),
        out_shape=jax.ShapeDtypeStruct((N, D), jnp.float32),
    )(u2, dis, t, outp, w, b)



def kernel(x, edge_index, W1, b1, W2, b2):
    src_r = edge_index[0].reshape(NW, NCHUNK, CH)
    dst_r = edge_index[1].reshape(NW, NCHUNK, CH)

    deg2 = jax.lax.slice(_deg(src_r), (0, 0, 0), (NC, N, 1))
    dis, xs = _tc_scale(deg2, x)

    u1 = _g(xs, src_r, dst_r)
    y1 = _tc_y(u1, dis)
    u2 = _g(y1, src_r, dst_r)
    outp = _tc_outp(u1, dis, x, W1)
    h, hs = _tc_mid2(u2, dis, x, outp, W1, b1)

    u3 = _g(hs, src_r, dst_r)
    y2 = _tc_y(u3, dis)
    u4 = _g(y2, src_r, dst_r)
    outp2 = _tc_outp(u3, dis, h, W2)
    return _tc_final(u4, dis, h, outp2, W2, b2)

# --- scband reference (transcript-rebuilt; emitter-appended) ---
"""Pipeline reference for scband-sparse-cheb-branch-89232240542461 (READ-ONLY COPY).

The authoritative reference and input builder live on the scoring server;
editing this copy changes nothing except your own understanding.
"""

import jax, jax.numpy as jnp
import numpy as np

N = 10000
E = 320000
D_IN = 128
D_HID = 128
D_OUT = 128
K = 3


def setup_inputs(seed: int = 0) -> dict:
    key = jax.random.key(seed)
    ks = jax.random.split(key, 8)
    x = jax.random.normal(ks[0], (N, D_IN), dtype=jnp.float32)
    edge_index = jax.random.randint(ks[1], (2, E), 0, N, dtype=jnp.int32)
    # ChebConv lins: K Linear(in, out, bias=False) weights, plus one bias per conv
    s1 = 1.0 / np.sqrt(D_IN)
    s2 = 1.0 / np.sqrt(D_HID)
    W1 = jax.random.uniform(ks[2], (K, D_IN, D_HID), jnp.float32, -s1, s1)
    b1 = jnp.zeros((D_HID,), jnp.float32)
    W2 = jax.random.uniform(ks[3], (K, D_HID, D_OUT), jnp.float32, -s2, s2)
    b2 = jnp.zeros((D_OUT,), jnp.float32)
    return {"x": x, "edge_index": edge_index, "W1": W1, "b1": b1, "W2": W2, "b2": b2}


def _cheb_conv(x, edge_index, W, b):
    # PyG ChebConv, normalization='sym', lambda_max=2.0 (default):
    # L = I - D^{-1/2} A D^{-1/2}; L_hat = 2L/lambda_max - I = -D^{-1/2} A D^{-1/2}
    src = edge_index[0]
    dst = edge_index[1]
    w = jnp.ones((edge_index.shape[1],), jnp.float32)
    deg = jax.ops.segment_sum(w, src, num_segments=N)
    dis = jnp.where(deg > 0, jax.lax.rsqrt(jnp.where(deg > 0, deg, 1.0)), 0.0)
    wn = dis[src] * w * dis[dst]

    def prop(t):
        # message: -wn * t[src] aggregated (sum) at dst; self-loop weight is 0
        return -jax.ops.segment_sum(wn[:, None] * t[src], dst, num_segments=N)

    Tx0 = x
    Tx1 = prop(Tx0)
    out = Tx0 @ W[0] + Tx1 @ W[1]
    Tx2 = 2.0 * prop(Tx1) - Tx0
    out = out + Tx2 @ W[2]
    return out + b


def reference(x, edge_index, W1, b1, W2, b2):
    h = _cheb_conv(x, edge_index, W1, b1)
    # norm1 = Identity; dropout p=0
    h = jax.nn.relu(h)
    out = _cheb_conv(h, edge_index, W2, b2)
    out = jax.nn.relu(out)
    return out

if __name__ == "__main__":
    import jax
    _d = setup_inputs()
    print(jax.jit(kernel)(*tuple(_d.values())))

</pallas_src>

<mosaic_0001>
#map = affine_map<(d0, d1) -> (0, 0)>
#map1 = affine_map<(d0, d1) -> (0, 0, 0)>
module attributes {stable_mosaic.version = 14 : i64} {
  func.func @_g(%arg0: i32, %arg1: i32, %arg2: memref<10000x128xf32, #tpu.memory_space<hbm>>, %arg3: memref<32x80x125xi32, #tpu.memory_space<hbm>>, %arg4: memref<32x80x125xi32, #tpu.memory_space<hbm>>, %arg5: memref<2x10000x128xf32, #tpu.memory_space<hbm>>, %arg6: memref<40x125xi32, #tpu.memory_space<vmem>>, %arg7: memref<40x125xi32, #tpu.memory_space<vmem>>, %arg8: memref<125x128xf32, #tpu.memory_space<vmem>>, %arg9: memref<125x128xf32, #tpu.memory_space<vmem>>, %arg10: memref<40x128xf32, #tpu.memory_space<vmem>>, %arg11: memref<10000x128xf32, #tpu.memory_space<vmem_shared>>, %arg12: memref<!tpu.dma_semaphore, #tpu.memory_space<semaphore_mem>>, %arg13: memref<!tpu.dma_semaphore, #tpu.memory_space<semaphore_mem>>) attributes {dimension_semantics = [#tpu.dimension_semantics<core_parallel>, #tpu.dimension_semantics<subcore_parallel>], iteration_bounds = array<i64: 2, 16>, scalar_prefetch = 0 : i64, scratch_operands = 8 : i64, tpu.core_type = #tpu.core_type<sc_vector_subcore>, window_params = [{transform_indices = #map}, {transform_indices = #map1}, {transform_indices = #map1}, {transform_indices = #map1}]} {
    %mul3A = arith.constant 16 : i32
    %mul3A_0 = arith.muli %arg0, %mul3A : i32
    %add3A = arith.addi %mul3A_0, %arg1 : i32
    %scan3A = arith.constant 0 : i32
    %scan3A_1 = arith.constant 0 : i32
    %scan3A_2 = arith.constant 320 : i32
    %scan3A_3 = arith.addi %scan3A_1, %scan3A_2 : i32
    %scan3A_4 = arith.constant 1 : i32
    scf.for %scan3A_23 = %scan3A_1 to %scan3A_3 step %scan3A_4  : i32 {
      %broadcast_in_dim3A = arith.constant 0.000000e+00 : f32
      %broadcast_in_dim3A_24 = vector.broadcast %broadcast_in_dim3A : f32 to vector<16xf32>
      %jit3A = arith.constant 8 : i32
      %div3A = arith.divsi %scan3A_23, %jit3A : i32
      %sign3A = arith.constant 0 : i32
      %sign3A_25 = arith.cmpi sgt, %scan3A_23, %sign3A : i32
      %sign3A_26 = arith.extui %sign3A_25 : i1 to i32
      %sign3A_27 = arith.constant 0 : i32
      %sign3A_28 = arith.cmpi slt, %scan3A_23, %sign3A_27 : i32
      %sign3A_29 = arith.extui %sign3A_28 : i1 to i32
      %sign3A_30 = arith.subi %sign3A_26, %sign3A_29 : i32
      %sign3A_31 = arith.constant 0 : i32
      %sign3A_32 = arith.cmpi sgt, %jit3A, %sign3A_31 : i32
      %sign3A_33 = arith.extui %sign3A_32 : i1 to i32
      %sign3A_34 = arith.constant 0 : i32
      %sign3A_35 = arith.cmpi slt, %jit3A, %sign3A_34 : i32
      %sign3A_36 = arith.extui %sign3A_35 : i1 to i32
      %sign3A_37 = arith.subi %sign3A_33, %sign3A_36 : i32
      %ne3A = arith.cmpi ne, %sign3A_30, %sign3A_37 : i32
      %rem3A = arith.remsi %scan3A_23, %jit3A : i32
      %ne3A_38 = arith.constant 0 : i32
      %ne3A_39 = arith.cmpi ne, %rem3A, %ne3A_38 : i32
      %and3A = arith.andi %ne3A, %ne3A_39 : i1
      %sub3A = arith.constant 1 : i32
      %sub3A_40 = arith.subi %div3A, %sub3A : i32
      %select_n3A = arith.select %and3A, %sub3A_40, %div3A : i32
      %jit3A_41 = arith.constant 8 : i32
      %eq3A = arith.constant 0 : i32
      %eq3A_42 = arith.cmpi eq, %jit3A_41, %eq3A : i32
      %jit3A_43 = arith.constant 1 : i32
      %select_n3A_44 = arith.select %eq3A_42, %jit3A_43, %jit3A_41 : i32
      %rem3A_45 = arith.remsi %scan3A_23, %select_n3A_44 : i32
      %ne3A_46 = arith.constant 0 : i32
      %ne3A_47 = arith.cmpi ne, %rem3A_45, %ne3A_46 : i32
      %lt3A = arith.constant 0 : i32
      %lt3A_48 = arith.cmpi slt, %rem3A_45, %lt3A : i32
      %lt3A_49 = arith.constant 0 : i32
      %lt3A_50 = arith.cmpi slt, %select_n3A_44, %lt3A_49 : i32
      %ne3A_51 = arith.xori %lt3A_48, %lt3A_50 : i1
      %and3A_52 = arith.andi %ne3A_51, %ne3A_47 : i1
      %add3A_53 = arith.addi %rem3A_45, %select_n3A_44 : i32
      %select_n3A_54 = arith.select %and3A_52, %add3A_53, %rem3A_45 : i32
      %mul3A_55 = arith.constant 16 : i32
      %mul3A_56 = arith.muli %select_n3A_54, %mul3A_55 : i32
      %swap3A = arith.index_cast %select_n3A : i32 to index
      %swap3A_57 = arith.index_cast %mul3A_56 : i32 to index
      %swap3A_58 = tpu.vector_load %arg10[%swap3A, %swap3A_57] {strides = array<i32>} : memref<40x128xf32, #tpu.memory_space<vmem>>, vector<1x16xf32>,
      %swap3A_59 = vector.shape_cast %swap3A_58 : vector<1x16xf32> to vector<16xf32>
      %swap3A_60 = vector.shape_cast %broadcast_in_dim3A_24 : vector<16xf32> to vector<1x16xf32>
      tpu.vector_store %arg10[%swap3A, %swap3A_57], %swap3A_60 {strides = array<i32>} : memref<40x128xf32, #tpu.memory_space<vmem>>, vector<1x16xf32>,
    }
    %scan3A_5 = arith.constant 320 : i32
    %scan3A_6 = arith.constant 0 : i32
    %scan3A_7 = arith.constant 0 : i32
    %scan3A_8 = arith.constant 16 : i32
    %scan3A_9 = arith.addi %scan3A_7, %scan3A_8 : i32
    %scan3A_10 = arith.constant 1 : i32
    scf.for %scan3A_23 = %scan3A_7 to %scan3A_9 step %scan3A_10  : i32 {
      %mul3A_24 = arith.constant 624 : i32
      %mul3A_25 = arith.muli %arg1, %mul3A_24 : i32
      %mul3A_26 = arith.constant 40 : i32
      %mul3A_27 = arith.muli %scan3A_23, %mul3A_26 : i32
      %add3A_28 = arith.addi %mul3A_25, %mul3A_27 : i32
      "tpu.region"() ({
        %run_scoped3A = tpu.sem_alloc : memref<!tpu.dma_semaphore, #tpu.memory_space<semaphore_mem>>
        %dma_start3A = arith.constant 0 : i32
        %dma_start3A_29 = tpu.memref_slice %arg11[%add3A_28, %dma_start3A] : memref<10000x128xf32, #tpu.memory_space<vmem_shared>> -> memref<40x128xf32, #tpu.memory_space<vmem_shared>>
        %dma_start3A_30 = arith.constant 0 : i32
        %dma_start3A_31 = tpu.memref_slice %arg11[%add3A_28, %dma_start3A_30] : memref<10000x128xf32, #tpu.memory_space<vmem_shared>> -> memref<40x128xf32, #tpu.memory_space<vmem_shared>>
        tpu.enqueue_dma source(%arg10 : memref<40x128xf32, #tpu.memory_space<vmem>>) target(%dma_start3A_31 : memref<40x128xf32, #tpu.memory_space<vmem_shared>>) target_semaphore(%run_scoped3A : memref<!tpu.dma_semaphore, #tpu.memory_space<semaphore_mem>>)
        %dma_wait3A = arith.constant 0 : i32
        %dma_wait3A_32 = tpu.memref_slice %arg11[%add3A_28, %dma_wait3A] : memref<10000x128xf32, #tpu.memory_space<vmem_shared>> -> memref<40x128xf32, #tpu.memory_space<vmem_shared>>
        %dma_wait3A_33 = arith.constant 0 : i32
        %dma_wait3A_34 = tpu.memref_slice %arg11[%add3A_28, %dma_wait3A_33] : memref<10000x128xf32, #tpu.memory_space<vmem_shared>> -> memref<40x128xf32, #tpu.memory_space<vmem_shared>>
        tpu.wait_dma2 semaphore(%run_scoped3A : memref<!tpu.dma_semaphore, #tpu.memory_space<semaphore_mem>>) src(%arg10 : memref<40x128xf32, #tpu.memory_space<vmem>>) dst(%dma_wait3A_34 : memref<40x128xf32, #tpu.memory_space<vmem_shared>>)
        tpu.yield
      }) : () -> ()
    }
    %scan3A_11 = arith.constant 16 : i32
    %barrier3A = arith.constant 0 : index
    tpu.barrier barrier_id(%barrier3A)
    %scan3A_12 = arith.constant 0 : i32
    %scan3A_13 = arith.constant 0 : i32
    %scan3A_14 = arith.constant 2 : i32
    %scan3A_15 = arith.addi %scan3A_13, %scan3A_14 : i32
    %scan3A_16 = arith.constant 1 : i32
    scf.for %scan3A_23 = %scan3A_13 to %scan3A_15 step %scan3A_16  : i32 {
      %mul3A_24 = arith.constant 40 : i32
      %mul3A_25 = arith.muli %scan3A_23, %mul3A_24 : i32
      "tpu.region"() ({
        %run_scoped3A = tpu.sem_alloc : memref<!tpu.dma_semaphore, #tpu.memory_space<semaphore_mem>>
        %dma_start3A_38 = arith.constant 0 : i32
        %dma_start3A_39 = tpu.memref_slice %arg3[%add3A, %mul3A_25, %dma_start3A_38] : memref<32x80x125xi32, #tpu.memory_space<hbm>> -> memref<1x40x125xi32, #tpu.memory_space<hbm>>
        %dma_start3A_40 = tpu.memref_squeeze %dma_start3A_39 : memref<1x40x125xi32, #tpu.memory_space<hbm>> -> memref<40x125xi32, #tpu.memory_space<hbm>>
        %dma_start3A_41 = arith.constant 0 : i32
        %dma_start3A_42 = tpu.memref_slice %arg3[%add3A, %mul3A_25, %dma_start3A_41] : memref<32x80x125xi32, #tpu.memory_space<hbm>> -> memref<1x40x125xi32, #tpu.memory_space<hbm>>
        %dma_start3A_43 = tpu.memref_squeeze %dma_start3A_42 : memref<1x40x125xi32, #tpu.memory_space<hbm>> -> memref<40x125xi32, #tpu.memory_space<hbm>>
        tpu.enqueue_dma source(%dma_start3A_43 : memref<40x125xi32, #tpu.memory_space<hbm>>) target(%arg6 : memref<40x125xi32, #tpu.memory_space<vmem>>) target_semaphore(%run_scoped3A : memref<!tpu.dma_semaphore, #tpu.memory_space<semaphore_mem>>)
        %dma_wait3A = arith.constant 0 : i32
        %dma_wait3A_44 = tpu.memref_slice %arg3[%add3A, %mul3A_25, %dma_wait3A] : memref<32x80x125xi32, #tpu.memory_space<hbm>> -> memref<1x40x125xi32, #tpu.memory_space<hbm>>
        %dma_wait3A_45 = tpu.memref_squeeze %dma_wait3A_44 : memref<1x40x125xi32, #tpu.memory_space<hbm>> -> memref<40x125xi32, #tpu.memory_space<hbm>>
        %dma_wait3A_46 = arith.constant 0 : i32
        %dma_wait3A_47 = tpu.memref_slice %arg3[%add3A, %mul3A_25, %dma_wait3A_46] : memref<32x80x125xi32, #tpu.memory_space<hbm>> -> memref<1x40x125xi32, #tpu.memory_space<hbm>>
        %dma_wait3A_48 = tpu.memref_squeeze %dma_wait3A_47 : memref<1x40x125xi32, #tpu.memory_space<hbm>> -> memref<40x125xi32, #tpu.memory_space<hbm>>
        tpu.wait_dma2 semaphore(%run_scoped3A : memref<!tpu.dma_semaphore, #tpu.memory_space<semaphore_mem>>) src(%dma_wait3A_48 : memref<40x125xi32, #tpu.memory_space<hbm>>) dst(%arg6 : memref<40x125xi32, #tpu.memory_space<vmem>>)
        tpu.yield
      }) : () -> ()
      "tpu.region"() ({
        %run_scoped3A = tpu.sem_alloc : memref<!tpu.dma_semaphore, #tpu.memory_space<semaphore_mem>>
        %dma_start3A_38 = arith.constant 0 : i32
        %dma_start3A_39 = tpu.memref_slice %arg4[%add3A, %mul3A_25, %dma_start3A_38] : memref<32x80x125xi32, #tpu.memory_space<hbm>> -> memref<1x40x125xi32, #tpu.memory_space<hbm>>
        %dma_start3A_40 = tpu.memref_squeeze %dma_start3A_39 : memref<1x40x125xi32, #tpu.memory_space<hbm>> -> memref<40x125xi32, #tpu.memory_space<hbm>>
        %dma_start3A_41 = arith.constant 0 : i32
        %dma_start3A_42 = tpu.memref_slice %arg4[%add3A, %mul3A_25, %dma_start3A_41] : memref<32x80x125xi32, #tpu.memory_space<hbm>> -> memref<1x40x125xi32, #tpu.memory_space<hbm>>
        %dma_start3A_43 = tpu.memref_squeeze %dma_start3A_42 : memref<1x40x125xi32, #tpu.memory_space<hbm>> -> memref<40x125xi32, #tpu.memory_space<hbm>>
        tpu.enqueue_dma source(%dma_start3A_43 : memref<40x125xi32, #tpu.memory_space<hbm>>) target(%arg7 : memref<40x125xi32, #tpu.memory_space<vmem>>) target_semaphore(%run_scoped3A : memref<!tpu.dma_semaphore, #tpu.memory_space<semaphore_mem>>)
        %dma_wait3A = arith.constant 0 : i32
        %dma_wait3A_44 = tpu.memref_slice %arg4[%add3A, %mul3A_25, %dma_wait3A] : memref<32x80x125xi32, #tpu.memory_space<hbm>> -> memref<1x40x125xi32, #tpu.memory_space<hbm>>
        %dma_wait3A_45 = tpu.memref_squeeze %dma_wait3A_44 : memref<1x40x125xi32, #tpu.memory_space<hbm>> -> memref<40x125xi32, #tpu.memory_space<hbm>>
        %dma_wait3A_46 = arith.constant 0 : i32
        %dma_wait3A_47 = tpu.memref_slice %arg4[%add3A, %mul3A_25, %dma_wait3A_46] : memref<32x80x125xi32, #tpu.memory_space<hbm>> -> memref<1x40x125xi32, #tpu.memory_space<hbm>>
        %dma_wait3A_48 = tpu.memref_squeeze %dma_wait3A_47 : memref<1x40x125xi32, #tpu.memory_space<hbm>> -> memref<40x125xi32, #tpu.memory_space<hbm>>
        tpu.wait_dma2 semaphore(%run_scoped3A : memref<!tpu.dma_semaphore, #tpu.memory_space<semaphore_mem>>) src(%dma_wait3A_48 : memref<40x125xi32, #tpu.memory_space<hbm>>) dst(%arg7 : memref<40x125xi32, #tpu.memory_space<vmem>>)
        tpu.yield
      }) : () -> ()
      %dma_start3A = arith.constant 0 : i32
      %dma_start3A_26 = arith.constant 0 : i32
      %dma_start3A_27 = tpu.memref_slice %arg6[%dma_start3A, %dma_start3A_26] : memref<40x125xi32, #tpu.memory_space<vmem>> -> memref<1x125xi32, #tpu.memory_space<vmem>>
      %dma_start3A_28 = tpu.memref_squeeze %dma_start3A_27 : memref<1x125xi32, #tpu.memory_space<vmem>> -> memref<125xi32, #tpu.memory_space<vmem>>
      %dma_start3A_29 = arith.constant 0 : i32
      %dma_start3A_30 = arith.constant 0 : i32
      %dma_start3A_31 = tpu.memref_slice %arg2[%dma_start3A_29, %dma_start3A_30] : memref<10000x128xf32, #tpu.memory_space<hbm>> -> memref<10000x128xf32, #tpu.memory_space<hbm>>
      tpu.enqueue_indirect_dma source(%dma_start3A_31 : memref<10000x128xf32, #tpu.memory_space<hbm>>) target(%arg8 : memref<125x128xf32, #tpu.memory_space<vmem>>) offsets(%dma_start3A_28 : memref<125xi32, #tpu.memory_space<vmem>>) semaphore(%arg12 : memref<!tpu.dma_semaphore, #tpu.memory_space<semaphore_mem>>)
      %scan3A_32 = arith.constant 0 : i32
      %scan3A_33 = arith.constant 0 : i32
      %scan3A_34 = arith.constant 20 : i32
      %scan3A_35 = arith.addi %scan3A_33, %scan3A_34 : i32
      %scan3A_36 = arith.constant 1 : i32
      scf.for %scan3A_38 = %scan3A_33 to %scan3A_35 step %scan3A_36  : i32 {
        %mul3A_39 = arith.constant 2 : i32
        %mul3A_40 = arith.muli %mul3A_39, %scan3A_38 : i32
        %dma_wait3A = arith.constant 0 : i32
        %dma_wait3A_41 = tpu.memref_slice %arg6[%mul3A_40, %dma_wait3A] : memref<40x125xi32, #tpu.memory_space<vmem>> -> memref<1x125xi32, #tpu.memory_space<vmem>>
        %dma_wait3A_42 = tpu.memref_squeeze %dma_wait3A_41 : memref<1x125xi32, #tpu.memory_space<vmem>> -> memref<125xi32, #tpu.memory_space<vmem>>
        %dma_wait3A_43 = arith.constant 0 : i32
        %dma_wait3A_44 = arith.constant 0 : i32
        %dma_wait3A_45 = tpu.memref_slice %arg2[%dma_wait3A_43, %dma_wait3A_44] : memref<10000x128xf32, #tpu.memory_space<hbm>> -> memref<10000x128xf32, #tpu.memory_space<hbm>>
        tpu.wait_indirect_dma semaphore(%arg12 : memref<!tpu.dma_semaphore, #tpu.memory_space<semaphore_mem>>) src(%dma_wait3A_45 : memref<10000x128xf32, #tpu.memory_space<hbm>>) dst(%arg8 : memref<125x128xf32, #tpu.memory_space<vmem>>)
        %add3A_46 = arith.constant 1 : i32
        %add3A_47 = arith.addi %mul3A_40, %add3A_46 : i32
        %dma_start3A_48 = arith.constant 0 : i32
        %dma_start3A_49 = tpu.memref_slice %arg6[%add3A_47, %dma_start3A_48] : memref<40x125xi32, #tpu.memory_space<vmem>> -> memref<1x125xi32, #tpu.memory_space<vmem>>
        %dma_start3A_50 = tpu.memref_squeeze %dma_start3A_49 : memref<1x125xi32, #tpu.memory_space<vmem>> -> memref<125xi32, #tpu.memory_space<vmem>>
        %dma_start3A_51 = arith.constant 0 : i32
        %dma_start3A_52 = arith.constant 0 : i32
        %dma_start3A_53 = tpu.memref_slice %arg2[%dma_start3A_51, %dma_start3A_52] : memref<10000x128xf32, #tpu.memory_space<hbm>> -> memref<10000x128xf32, #tpu.memory_space<hbm>>
        tpu.enqueue_indirect_dma source(%dma_start3A_53 : memref<10000x128xf32, #tpu.memory_space<hbm>>) target(%arg9 : memref<125x128xf32, #tpu.memory_space<vmem>>) offsets(%dma_start3A_50 : memref<125xi32, #tpu.memory_space<vmem>>) semaphore(%arg13 : memref<!tpu.dma_semaphore, #tpu.memory_space<semaphore_mem>>)
        "tpu.region"() ({
          %run_scoped3A = tpu.sem_alloc : memref<!tpu.dma_semaphore, #tpu.memory_space<semaphore_mem>>
          %dma_start3A_66 = arith.constant 0 : i32
          %dma_start3A_67 = tpu.memref_slice %arg7[%mul3A_40, %dma_start3A_66] : memref<40x125xi32, #tpu.memory_space<vmem>> -> memref<1x125xi32, #tpu.memory_space<vmem>>
          %dma_start3A_68 = tpu.memref_squeeze %dma_start3A_67 : memref<1x125xi32, #tpu.memory_space<vmem>> -> memref<125xi32, #tpu.memory_space<vmem>>
          %dma_start3A_69 = arith.constant 0 : i32
          %dma_start3A_70 = arith.constant 0 : i32
          %dma_start3A_71 = tpu.memref_slice %arg11[%dma_start3A_69, %dma_start3A_70] : memref<10000x128xf32, #tpu.memory_space<vmem_shared>> -> memref<10000x128xf32, #tpu.memory_space<vmem_shared>>
          tpu.enqueue_indirect_dma source(%arg8 : memref<125x128xf32, #tpu.memory_space<vmem>>) target(%dma_start3A_71 : memref<10000x128xf32, #tpu.memory_space<vmem_shared>>) offsets(%dma_start3A_68 : memref<125xi32, #tpu.memory_space<vmem>>) semaphore(%run_scoped3A : memref<!tpu.dma_semaphore, #tpu.memory_space<semaphore_mem>>) {add = true}
          %dma_wait3A_72 = arith.constant 0 : i32
          %dma_wait3A_73 = tpu.memref_slice %arg7[%mul3A_40, %dma_wait3A_72] : memref<40x125xi32, #tpu.memory_space<vmem>> -> memref<1x125xi32, #tpu.memory_space<vmem>>
          %dma_wait3A_74 = tpu.memref_squeeze %dma_wait3A_73 : memref<1x125xi32, #tpu.memory_space<vmem>> -> memref<125xi32, #tpu.memory_space<vmem>>
          %dma_wait3A_75 = arith.constant 0 : i32
          %dma_wait3A_76 = arith.constant 0 : i32
          %dma_wait3A_77 = tpu.memref_slice %arg11[%dma_wait3A_75, %dma_wait3A_76] : memref<10000x128xf32, #tpu.memory_space<vmem_shared>> -> memref<10000x128xf32, #tpu.memory_space<vmem_shared>>
          tpu.wait_indirect_dma semaphore(%run_scoped3A : memref<!tpu.dma_semaphore, #tpu.memory_space<semaphore_mem>>) src(%arg8 : memref<125x128xf32, #tpu.memory_space<vmem>>) dst(%dma_wait3A_77 : memref<10000x128xf32, #tpu.memory_space<vmem_shared>>)
          tpu.yield
        }) : () -> ()
        %add3A_54 = arith.constant 1 : i32
        %add3A_55 = arith.addi %mul3A_40, %add3A_54 : i32
        %dma_wait3A_56 = arith.constant 0 : i32
        %dma_wait3A_57 = tpu.memref_slice %arg6[%add3A_55, %dma_wait3A_56] : memref<40x125xi32, #tpu.memory_space<vmem>> -> memref<1x125xi32, #tpu.memory_space<vmem>>
        %dma_wait3A_58 = tpu.memref_squeeze %dma_wait3A_57 : memref<1x125xi32, #tpu.memory_space<vmem>> -> memref<125xi32, #tpu.memory_space<vmem>>
        %dma_wait3A_59 = arith.constant 0 : i32
        %dma_wait3A_60 = arith.constant 0 : i32
        %dma_wait3A_61 = tpu.memref_slice %arg2[%dma_wait3A_59, %dma_wait3A_60] : memref<10000x128xf32, #tpu.memory_space<hbm>> -> memref<10000x128xf32, #tpu.memory_space<hbm>>
        tpu.wait_indirect_dma semaphore(%arg13 : memref<!tpu.dma_semaphore, #tpu.memory_space<semaphore_mem>>) src(%dma_wait3A_61 : memref<10000x128xf32, #tpu.memory_space<hbm>>) dst(%arg9 : memref<125x128xf32, #tpu.memory_space<vmem>>)
        %lt3A = arith.constant 19 : i32
        %lt3A_62 = arith.cmpi slt, %scan3A_38, %lt3A : i32
        %convert_element_type3A = arith.extui %lt3A_62 : i1 to i32
        %cond3A = arith.constant 0 : i32
        %cond3A_63 = arith.cmpi ne, %convert_element_type3A, %cond3A : i32
        scf.if %cond3A_63 {
          %add3A_66 = arith.constant 2 : i32
          %add3A_67 = arith.addi %mul3A_40, %add3A_66 : i32
          %dma_start3A_68 = arith.constant 0 : i32
          %dma_start3A_69 = tpu.memref_slice %arg6[%add3A_67, %dma_start3A_68] : memref<40x125xi32, #tpu.memory_space<vmem>> -> memref<1x125xi32, #tpu.memory_space<vmem>>
          %dma_start3A_70 = tpu.memref_squeeze %dma_start3A_69 : memref<1x125xi32, #tpu.memory_space<vmem>> -> memref<125xi32, #tpu.memory_space<vmem>>
          %dma_start3A_71 = arith.constant 0 : i32
          %dma_start3A_72 = arith.constant 0 : i32
          %dma_start3A_73 = tpu.memref_slice %arg2[%dma_start3A_71, %dma_start3A_72] : memref<10000x128xf32, #tpu.memory_space<hbm>> -> memref<10000x128xf32, #tpu.memory_space<hbm>>
          tpu.enqueue_indirect_dma source(%dma_start3A_73 : memref<10000x128xf32, #tpu.memory_space<hbm>>) target(%arg8 : memref<125x128xf32, #tpu.memory_space<vmem>>) offsets(%dma_start3A_70 : memref<125xi32, #tpu.memory_space<vmem>>) semaphore(%arg12 : memref<!tpu.dma_semaphore, #tpu.memory_space<semaphore_mem>>)
        } else {
        }
        %add3A_64 = arith.constant 1 : i32
        %add3A_65 = arith.addi %mul3A_40, %add3A_64 : i32
        "tpu.region"() ({
          %run_scoped3A = tpu.sem_alloc : memref<!tpu.dma_semaphore, #tpu.memory_space<semaphore_mem>>
          %dma_start3A_66 = arith.constant 0 : i32
          %dma_start3A_67 = tpu.memref_slice %arg7[%add3A_65, %dma_start3A_66] : memref<40x125xi32, #tpu.memory_space<vmem>> -> memref<1x125xi32, #tpu.memory_space<vmem>>
          %dma_start3A_68 = tpu.memref_squeeze %dma_start3A_67 : memref<1x125xi32, #tpu.memory_space<vmem>> -> memref<125xi32, #tpu.memory_space<vmem>>
          %dma_start3A_69 = arith.constant 0 : i32
          %dma_start3A_70 = arith.constant 0 : i32
          %dma_start3A_71 = tpu.memref_slice %arg11[%dma_start3A_69, %dma_start3A_70] : memref<10000x128xf32, #tpu.memory_space<vmem_shared>> -> memref<10000x128xf32, #tpu.memory_space<vmem_shared>>
          tpu.enqueue_indirect_dma source(%arg9 : memref<125x128xf32, #tpu.memory_space<vmem>>) target(%dma_start3A_71 : memref<10000x128xf32, #tpu.memory_space<vmem_shared>>) offsets(%dma_start3A_68 : memref<125xi32, #tpu.memory_space<vmem>>) semaphore(%run_scoped3A : memref<!tpu.dma_semaphore, #tpu.memory_space<semaphore_mem>>) {add = true}
          %dma_wait3A_72 = arith.constant 0 : i32
          %dma_wait3A_73 = tpu.memref_slice %arg7[%add3A_65, %dma_wait3A_72] : memref<40x125xi32, #tpu.memory_space<vmem>> -> memref<1x125xi32, #tpu.memory_space<vmem>>
          %dma_wait3A_74 = tpu.memref_squeeze %dma_wait3A_73 : memref<1x125xi32, #tpu.memory_space<vmem>> -> memref<125xi32, #tpu.memory_space<vmem>>
          %dma_wait3A_75 = arith.constant 0 : i32
          %dma_wait3A_76 = arith.constant 0 : i32
          %dma_wait3A_77 = tpu.memref_slice %arg11[%dma_wait3A_75, %dma_wait3A_76] : memref<10000x128xf32, #tpu.memory_space<vmem_shared>> -> memref<10000x128xf32, #tpu.memory_space<vmem_shared>>
          tpu.wait_indirect_dma semaphore(%run_scoped3A : memref<!tpu.dma_semaphore, #tpu.memory_space<semaphore_mem>>) src(%arg9 : memref<125x128xf32, #tpu.memory_space<vmem>>) dst(%dma_wait3A_77 : memref<10000x128xf32, #tpu.memory_space<vmem_shared>>)
          tpu.yield
        }) : () -> ()
      }
      %scan3A_37 = arith.constant 20 : i32
    }
    %scan3A_17 = arith.constant 2 : i32
    %barrier3A_18 = arith.constant 0 : index
    tpu.barrier barrier_id(%barrier3A_18)
    %mul3A_19 = arith.constant 624 : i32
    %mul3A_20 = arith.muli %arg1, %mul3A_19 : i32
    %mul3A_21 = arith.constant 624 : i32
    %mul3A_22 = arith.muli %arg1, %mul3A_21 : i32
    "tpu.region"() ({
      %run_scoped3A = tpu.sem_alloc : memref<!tpu.dma_semaphore, #tpu.memory_space<semaphore_mem>>
      %dma_start3A = arith.constant 0 : i32
      %dma_start3A_23 = tpu.memref_slice %arg5[%arg0, %mul3A_22, %dma_start3A] : memref<2x10000x128xf32, #tpu.memory_space<hbm>> -> memref<1x640x128xf32, #tpu.memory_space<hbm>>
      %dma_start3A_24 = tpu.memref_squeeze %dma_start3A_23 : memref<1x640x128xf32, #tpu.memory_space<hbm>> -> memref<640x128xf32, #tpu.memory_space<hbm>>
      %dma_start3A_25 = arith.constant 0 : i32
      %dma_start3A_26 = tpu.memref_slice %arg11[%mul3A_20, %dma_start3A_25] : memref<10000x128xf32, #tpu.memory_space<vmem_shared>> -> memref<640x128xf32, #tpu.memory_space<vmem_shared>>
      tpu.enqueue_dma source(%dma_start3A_26 : memref<640x128xf32, #tpu.memory_space<vmem_shared>>) target(%dma_start3A_24 : memref<640x128xf32, #tpu.memory_space<hbm>>) target_semaphore(%run_scoped3A : memref<!tpu.dma_semaphore, #tpu.memory_space<semaphore_mem>>)
      %dma_wait3A = arith.constant 0 : i32
      %dma_wait3A_27 = tpu.memref_slice %arg5[%arg0, %mul3A_22, %dma_wait3A] : memref<2x10000x128xf32, #tpu.memory_space<hbm>> -> memref<1x640x128xf32, #tpu.memory_space<hbm>>
      %dma_wait3A_28 = tpu.memref_squeeze %dma_wait3A_27 : memref<1x640x128xf32, #tpu.memory_space<hbm>> -> memref<640x128xf32, #tpu.memory_space<hbm>>
      %dma_wait3A_29 = arith.constant 0 : i32
      %dma_wait3A_30 = tpu.memref_slice %arg11[%mul3A_20, %dma_wait3A_29] : memref<10000x128xf32, #tpu.memory_space<vmem_shared>> -> memref<640x128xf32, #tpu.memory_space<vmem_shared>>
      tpu.wait_dma2 semaphore(%run_scoped3A : memref<!tpu.dma_semaphore, #tpu.memory_space<semaphore_mem>>) src(%dma_wait3A_30 : memref<640x128xf32, #tpu.memory_space<vmem_shared>>) dst(%dma_wait3A_28 : memref<640x128xf32, #tpu.memory_space<hbm>>)
      tpu.yield
    }) : () -> ()
    return
  }
}

#map = affine_map<(d0, d1) -> (0, 0)>
#map1 = affine_map<(d0, d1) -> (0, 0, 0)>
module attributes {stable_mosaic.version = 14 : i64} {
  func.func @_g(%arg0: i32, %arg1: i32, %arg2: memref<10000x128xf32, #tpu.memory_space<hbm>>, %arg3: memref<32x80x125xi32, #tpu.memory_space<hbm>>, %arg4: memref<32x80x125xi32, #tpu.memory_space<hbm>>, %arg5: memref<2x10000x128xf32, #tpu.memory_space<hbm>>, %arg6: memref<40x125xi32, #tpu.memory_space<vmem>>, %arg7: memref<40x125xi32, #tpu.memory_space<vmem>>, %arg8: memref<125x128xf32, #tpu.memory_space<vmem>>, %arg9: memref<125x128xf32, #tpu.memory_space<vmem>>, %arg10: memref<40x128xf32, #tpu.memory_space<vmem>>, %arg11: memref<10000x128xf32, #tpu.memory_space<vmem_shared>>, %arg12: memref<!tpu.dma_semaphore, #tpu.memory_space<semaphore_mem>>, %arg13: memref<!tpu.dma_semaphore, #tpu.memory_space<semaphore_mem>>) attributes {dimension_semantics = [#tpu.dimension_semantics<core_parallel>, #tpu.dimension_semantics<subcore_parallel>], iteration_bounds = array<i64: 2, 16>, scalar_prefetch = 0 : i64, scratch_operands = 8 : i64, tpu.core_type = #tpu.core_type<sc_vector_subcore>, window_params = [{transform_indices = #map}, {transform_indices = #map1}, {transform_indices = #map1}, {transform_indices = #map1}]} {
    %mul3A = arith.constant 16 : i32
    %mul3A_0 = arith.muli %arg0, %mul3A : i32
    %add3A = arith.addi %mul3A_0, %arg1 : i32
    %scan3A = arith.constant 0 : i32
    %scan3A_1 = arith.constant 0 : i32
    %scan3A_2 = arith.constant 320 : i32
    %scan3A_3 = arith.addi %scan3A_1, %scan3A_2 : i32
    %scan3A_4 = arith.constant 1 : i32
    scf.for %scan3A_23 = %scan3A_1 to %scan3A_3 step %scan3A_4  : i32 {
      %broadcast_in_dim3A = arith.constant 0.000000e+00 : f32
      %broadcast_in_dim3A_24 = vector.broadcast %broadcast_in_dim3A : f32 to vector<16xf32>
      %jit3A = arith.constant 8 : i32
      %div3A = arith.divsi %scan3A_23, %jit3A : i32
      %sign3A = arith.constant 0 : i32
      %sign3A_25 = arith.cmpi sgt, %scan3A_23, %sign3A : i32
      %sign3A_26 = arith.extui %sign3A_25 : i1 to i32
      %sign3A_27 = arith.constant 0 : i32
      %sign3A_28 = arith.cmpi slt, %scan3A_23, %sign3A_27 : i32
      %sign3A_29 = arith.extui %sign3A_28 : i1 to i32
      %sign3A_30 = arith.subi %sign3A_26, %sign3A_29 : i32
      %sign3A_31 = arith.constant 0 : i32
      %sign3A_32 = arith.cmpi sgt, %jit3A, %sign3A_31 : i32
      %sign3A_33 = arith.extui %sign3A_32 : i1 to i32
      %sign3A_34 = arith.constant 0 : i32
      %sign3A_35 = arith.cmpi slt, %jit3A, %sign3A_34 : i32
      %sign3A_36 = arith.extui %sign3A_35 : i1 to i32
      %sign3A_37 = arith.subi %sign3A_33, %sign3A_36 : i32
      %ne3A = arith.cmpi ne, %sign3A_30, %sign3A_37 : i32
      %rem3A = arith.remsi %scan3A_23, %jit3A : i32
      %ne3A_38 = arith.constant 0 : i32
      %ne3A_39 = arith.cmpi ne, %rem3A, %ne3A_38 : i32
      %and3A = arith.andi %ne3A, %ne3A_39 : i1
      %sub3A = arith.constant 1 : i32
      %sub3A_40 = arith.subi %div3A, %sub3A : i32
      %select_n3A = arith.select %and3A, %sub3A_40, %div3A : i32
      %jit3A_41 = arith.constant 8 : i32
      %eq3A = arith.constant 0 : i32
      %eq3A_42 = arith.cmpi eq, %jit3A_41, %eq3A : i32
      %jit3A_43 = arith.constant 1 : i32
      %select_n3A_44 = arith.select %eq3A_42, %jit3A_43, %jit3A_41 : i32
      %rem3A_45 = arith.remsi %scan3A_23, %select_n3A_44 : i32
      %ne3A_46 = arith.constant 0 : i32
      %ne3A_47 = arith.cmpi ne, %rem3A_45, %ne3A_46 : i32
      %lt3A = arith.constant 0 : i32
      %lt3A_48 = arith.cmpi slt, %rem3A_45, %lt3A : i32
      %lt3A_49 = arith.constant 0 : i32
      %lt3A_50 = arith.cmpi slt, %select_n3A_44, %lt3A_49 : i32
      %ne3A_51 = arith.xori %lt3A_48, %lt3A_50 : i1
      %and3A_52 = arith.andi %ne3A_51, %ne3A_47 : i1
      %add3A_53 = arith.addi %rem3A_45, %select_n3A_44 : i32
      %select_n3A_54 = arith.select %and3A_52, %add3A_53, %rem3A_45 : i32
      %mul3A_55 = arith.constant 16 : i32
      %mul3A_56 = arith.muli %select_n3A_54, %mul3A_55 : i32
      %swap3A = arith.index_cast %select_n3A : i32 to index
      %swap3A_57 = arith.index_cast %mul3A_56 : i32 to index
      %swap3A_58 = tpu.vector_load %arg10[%swap3A, %swap3A_57] {strides = array<i32>} : memref<40x128xf32, #tpu.memory_space<vmem>>, vector<1x16xf32>,
      %swap3A_59 = vector.shape_cast %swap3A_58 : vector<1x16xf32> to vector<16xf32>
      %swap3A_60 = vector.shape_cast %broadcast_in_dim3A_24 : vector<16xf32> to vector<1x16xf32>
      tpu.vector_store %arg10[%swap3A, %swap3A_57], %swap3A_60 {strides = array<i32>} : memref<40x128xf32, #tpu.memory_space<vmem>>, vector<1x16xf32>,
    }
    %scan3A_5 = arith.constant 320 : i32
    %scan3A_6 = arith.constant 0 : i32
    %scan3A_7 = arith.constant 0 : i32
    %scan3A_8 = arith.constant 16 : i32
    %scan3A_9 = arith.addi %scan3A_7, %scan3A_8 : i32
    %scan3A_10 = arith.constant 1 : i32
    scf.for %scan3A_23 = %scan3A_7 to %scan3A_9 step %scan3A_10  : i32 {
      %mul3A_24 = arith.constant 624 : i32
      %mul3A_25 = arith.muli %arg1, %mul3A_24 : i32
      %mul3A_26 = arith.constant 40 : i32
      %mul3A_27 = arith.muli %scan3A_23, %mul3A_26 : i32
      %add3A_28 = arith.addi %mul3A_25, %mul3A_27 : i32
      "tpu.region"() ({
        %run_scoped3A = tpu.sem_alloc : memref<!tpu.dma_semaphore, #tpu.memory_space<semaphore_mem>>
        %dma_start3A = arith.constant 0 : i32
        %dma_start3A_29 = tpu.memref_slice %arg11[%add3A_28, %dma_start3A] : memref<10000x128xf32, #tpu.memory_space<vmem_shared>> -> memref<40x128xf32, #tpu.memory_space<vmem_shared>>
        %dma_start3A_30 = arith.constant 0 : i32
        %dma_start3A_31 = tpu.memref_slice %arg11[%add3A_28, %dma_start3A_30] : memref<10000x128xf32, #tpu.memory_space<vmem_shared>> -> memref<40x128xf32, #tpu.memory_space<vmem_shared>>
        tpu.enqueue_dma source(%arg10 : memref<40x128xf32, #tpu.memory_space<vmem>>) target(%dma_start3A_31 : memref<40x128xf32, #tpu.memory_space<vmem_shared>>) target_semaphore(%run_scoped3A : memref<!tpu.dma_semaphore, #tpu.memory_space<semaphore_mem>>)
        %dma_wait3A = arith.constant 0 : i32
        %dma_wait3A_32 = tpu.memref_slice %arg11[%add3A_28, %dma_wait3A] : memref<10000x128xf32, #tpu.memory_space<vmem_shared>> -> memref<40x128xf32, #tpu.memory_space<vmem_shared>>
        %dma_wait3A_33 = arith.constant 0 : i32
        %dma_wait3A_34 = tpu.memref_slice %arg11[%add3A_28, %dma_wait3A_33] : memref<10000x128xf32, #tpu.memory_space<vmem_shared>> -> memref<40x128xf32, #tpu.memory_space<vmem_shared>>
        tpu.wait_dma2 semaphore(%run_scoped3A : memref<!tpu.dma_semaphore, #tpu.memory_space<semaphore_mem>>) src(%arg10 : memref<40x128xf32, #tpu.memory_space<vmem>>) dst(%dma_wait3A_34 : memref<40x128xf32, #tpu.memory_space<vmem_shared>>)
        tpu.yield
      }) : () -> ()
    }
    %scan3A_11 = arith.constant 16 : i32
    %barrier3A = arith.constant 0 : index
    tpu.barrier barrier_id(%barrier3A)
    %scan3A_12 = arith.constant 0 : i32
    %scan3A_13 = arith.constant 0 : i32
    %scan3A_14 = arith.constant 2 : i32
    %scan3A_15 = arith.addi %scan3A_13, %scan3A_14 : i32
    %scan3A_16 = arith.constant 1 : i32
    scf.for %scan3A_23 = %scan3A_13 to %scan3A_15 step %scan3A_16  : i32 {
      %mul3A_24 = arith.constant 40 : i32
      %mul3A_25 = arith.muli %scan3A_23, %mul3A_24 : i32
      "tpu.region"() ({
        %run_scoped3A = tpu.sem_alloc : memref<!tpu.dma_semaphore, #tpu.memory_space<semaphore_mem>>
        %dma_start3A_38 = arith.constant 0 : i32
        %dma_start3A_39 = tpu.memref_slice %arg3[%add3A, %mul3A_25, %dma_start3A_38] : memref<32x80x125xi32, #tpu.memory_space<hbm>> -> memref<1x40x125xi32, #tpu.memory_space<hbm>>
        %dma_start3A_40 = tpu.memref_squeeze %dma_start3A_39 : memref<1x40x125xi32, #tpu.memory_space<hbm>> -> memref<40x125xi32, #tpu.memory_space<hbm>>
        %dma_start3A_41 = arith.constant 0 : i32
        %dma_start3A_42 = tpu.memref_slice %arg3[%add3A, %mul3A_25, %dma_start3A_41] : memref<32x80x125xi32, #tpu.memory_space<hbm>> -> memref<1x40x125xi32, #tpu.memory_space<hbm>>
        %dma_start3A_43 = tpu.memref_squeeze %dma_start3A_42 : memref<1x40x125xi32, #tpu.memory_space<hbm>> -> memref<40x125xi32, #tpu.memory_space<hbm>>
        tpu.enqueue_dma source(%dma_start3A_43 : memref<40x125xi32, #tpu.memory_space<hbm>>) target(%arg6 : memref<40x125xi32, #tpu.memory_space<vmem>>) target_semaphore(%run_scoped3A : memref<!tpu.dma_semaphore, #tpu.memory_space<semaphore_mem>>)
        %dma_wait3A = arith.constant 0 : i32
        %dma_wait3A_44 = tpu.memref_slice %arg3[%add3A, %mul3A_25, %dma_wait3A] : memref<32x80x125xi32, #tpu.memory_space<hbm>> -> memref<1x40x125xi32, #tpu.memory_space<hbm>>
        %dma_wait3A_45 = tpu.memref_squeeze %dma_wait3A_44 : memref<1x40x125xi32, #tpu.memory_space<hbm>> -> memref<40x125xi32, #tpu.memory_space<hbm>>
        %dma_wait3A_46 = arith.constant 0 : i32
        %dma_wait3A_47 = tpu.memref_slice %arg3[%add3A, %mul3A_25, %dma_wait3A_46] : memref<32x80x125xi32, #tpu.memory_space<hbm>> -> memref<1x40x125xi32, #tpu.memory_space<hbm>>
        %dma_wait3A_48 = tpu.memref_squeeze %dma_wait3A_47 : memref<1x40x125xi32, #tpu.memory_space<hbm>> -> memref<40x125xi32, #tpu.memory_space<hbm>>
        tpu.wait_dma2 semaphore(%run_scoped3A : memref<!tpu.dma_semaphore, #tpu.memory_space<semaphore_mem>>) src(%dma_wait3A_48 : memref<40x125xi32, #tpu.memory_space<hbm>>) dst(%arg6 : memref<40x125xi32, #tpu.memory_space<vmem>>)
        tpu.yield
      }) : () -> ()
      "tpu.region"() ({
        %run_scoped3A = tpu.sem_alloc : memref<!tpu.dma_semaphore, #tpu.memory_space<semaphore_mem>>
        %dma_start3A_38 = arith.constant 0 : i32
        %dma_start3A_39 = tpu.memref_slice %arg4[%add3A, %mul3A_25, %dma_start3A_38] : memref<32x80x125xi32, #tpu.memory_space<hbm>> -> memref<1x40x125xi32, #tpu.memory_space<hbm>>
        %dma_start3A_40 = tpu.memref_squeeze %dma_start3A_39 : memref<1x40x125xi32, #tpu.memory_space<hbm>> -> memref<40x125xi32, #tpu.memory_space<hbm>>
        %dma_start3A_41 = arith.constant 0 : i32
        %dma_start3A_42 = tpu.memref_slice %arg4[%add3A, %mul3A_25, %dma_start3A_41] : memref<32x80x125xi32, #tpu.memory_space<hbm>> -> memref<1x40x125xi32, #tpu.memory_space<hbm>>
        %dma_start3A_43 = tpu.memref_squeeze %dma_start3A_42 : memref<1x40x125xi32, #tpu.memory_space<hbm>> -> memref<40x125xi32, #tpu.memory_space<hbm>>
        tpu.enqueue_dma source(%dma_start3A_43 : memref<40x125xi32, #tpu.memory_space<hbm>>) target(%arg7 : memref<40x125xi32, #tpu.memory_space<vmem>>) target_semaphore(%run_scoped3A : memref<!tpu.dma_semaphore, #tpu.memory_space<semaphore_mem>>)
        %dma_wait3A = arith.constant 0 : i32
        %dma_wait3A_44 = tpu.memref_slice %arg4[%add3A, %mul3A_25, %dma_wait3A] : memref<32x80x125xi32, #tpu.memory_space<hbm>> -> memref<1x40x125xi32, #tpu.memory_space<hbm>>
        %dma_wait3A_45 = tpu.memref_squeeze %dma_wait3A_44 : memref<1x40x125xi32, #tpu.memory_space<hbm>> -> memref<40x125xi32, #tpu.memory_space<hbm>>
        %dma_wait3A_46 = arith.constant 0 : i32
        %dma_wait3A_47 = tpu.memref_slice %arg4[%add3A, %mul3A_25, %dma_wait3A_46] : memref<32x80x125xi32, #tpu.memory_space<hbm>> -> memref<1x40x125xi32, #tpu.memory_space<hbm>>
        %dma_wait3A_48 = tpu.memref_squeeze %dma_wait3A_47 : memref<1x40x125xi32, #tpu.memory_space<hbm>> -> memref<40x125xi32, #tpu.memory_space<hbm>>
        tpu.wait_dma2 semaphore(%run_scoped3A : memref<!tpu.dma_semaphore, #tpu.memory_space<semaphore_mem>>) src(%dma_wait3A_48 : memref<40x125xi32, #tpu.memory_space<hbm>>) dst(%arg7 : memref<40x125xi32, #tpu.memory_space<vmem>>)
        tpu.yield
      }) : () -> ()
      %dma_start3A = arith.constant 0 : i32
      %dma_start3A_26 = arith.constant 0 : i32
      %dma_start3A_27 = tpu.memref_slice %arg6[%dma_start3A, %dma_start3A_26] : memref<40x125xi32, #tpu.memory_space<vmem>> -> memref<1x125xi32, #tpu.memory_space<vmem>>
      %dma_start3A_28 = tpu.memref_squeeze %dma_start3A_27 : memref<1x125xi32, #tpu.memory_space<vmem>> -> memref<125xi32, #tpu.memory_space<vmem>>
      %dma_start3A_29 = arith.constant 0 : i32
      %dma_start3A_30 = arith.constant 0 : i32
      %dma_start3A_31 = tpu.memref_slice %arg2[%dma_start3A_29, %dma_start3A_30] : memref<10000x128xf32, #tpu.memory_space<hbm>> -> memref<10000x128xf32, #tpu.memory_space<hbm>>
      tpu.enqueue_indirect_dma source(%dma_start3A_31 : memref<10000x128xf32, #tpu.memory_space<hbm>>) target(%arg8 : memref<125x128xf32, #tpu.memory_space<vmem>>) offsets(%dma_start3A_28 : memref<125xi32, #tpu.memory_space<vmem>>) semaphore(%arg12 : memref<!tpu.dma_semaphore, #tpu.memory_space<semaphore_mem>>)
      %scan3A_32 = arith.constant 0 : i32
      %scan3A_33 = arith.constant 0 : i32
      %scan3A_34 = arith.constant 20 : i32
      %scan3A_35 = arith.addi %scan3A_33, %scan3A_34 : i32
      %scan3A_36 = arith.constant 1 : i32
      scf.for %scan3A_38 = %scan3A_33 to %scan3A_35 step %scan3A_36  : i32 {
        %mul3A_39 = arith.constant 2 : i32
        %mul3A_40 = arith.muli %mul3A_39, %scan3A_38 : i32
        %dma_wait3A = arith.constant 0 : i32
        %dma_wait3A_41 = tpu.memref_slice %arg6[%mul3A_40, %dma_wait3A] : memref<40x125xi32, #tpu.memory_space<vmem>> -> memref<1x125xi32, #tpu.memory_space<vmem>>
        %dma_wait3A_42 = tpu.memref_squeeze %dma_wait3A_41 : memref<1x125xi32, #tpu.memory_space<vmem>> -> memref<125xi32, #tpu.memory_space<vmem>>
        %dma_wait3A_43 = arith.constant 0 : i32
        %dma_wait3A_44 = arith.constant 0 : i32
        %dma_wait3A_45 = tpu.memref_slice %arg2[%dma_wait3A_43, %dma_wait3A_44] : memref<10000x128xf32, #tpu.memory_space<hbm>> -> memref<10000x128xf32, #tpu.memory_space<hbm>>
        tpu.wait_indirect_dma semaphore(%arg12 : memref<!tpu.dma_semaphore, #tpu.memory_space<semaphore_mem>>) src(%dma_wait3A_45 : memref<10000x128xf32, #tpu.memory_space<hbm>>) dst(%arg8 : memref<125x128xf32, #tpu.memory_space<vmem>>)
        %add3A_46 = arith.constant 1 : i32
        %add3A_47 = arith.addi %mul3A_40, %add3A_46 : i32
        %dma_start3A_48 = arith.constant 0 : i32
        %dma_start3A_49 = tpu.memref_slice %arg6[%add3A_47, %dma_start3A_48] : memref<40x125xi32, #tpu.memory_space<vmem>> -> memref<1x125xi32, #tpu.memory_space<vmem>>
        %dma_start3A_50 = tpu.memref_squeeze %dma_start3A_49 : memref<1x125xi32, #tpu.memory_space<vmem>> -> memref<125xi32, #tpu.memory_space<vmem>>
        %dma_start3A_51 = arith.constant 0 : i32
        %dma_start3A_52 = arith.constant 0 : i32
        %dma_start3A_53 = tpu.memref_slice %arg2[%dma_start3A_51, %dma_start3A_52] : memref<10000x128xf32, #tpu.memory_space<hbm>> -> memref<10000x128xf32, #tpu.memory_space<hbm>>
        tpu.enqueue_indirect_dma source(%dma_start3A_53 : memref<10000x128xf32, #tpu.memory_space<hbm>>) target(%arg9 : memref<125x128xf32, #tpu.memory_space<vmem>>) offsets(%dma_start3A_50 : memref<125xi32, #tpu.memory_space<vmem>>) semaphore(%arg13 : memref<!tpu.dma_semaphore, #tpu.memory_space<semaphore_mem>>)
        "tpu.region"() ({
          %run_scoped3A = tpu.sem_alloc : memref<!tpu.dma_semaphore, #tpu.memory_space<semaphore_mem>>
          %dma_start3A_66 = arith.constant 0 : i32
          %dma_start3A_67 = tpu.memref_slice %arg7[%mul3A_40, %dma_start3A_66] : memref<40x125xi32, #tpu.memory_space<vmem>> -> memref<1x125xi32, #tpu.memory_space<vmem>>
          %dma_start3A_68 = tpu.memref_squeeze %dma_start3A_67 : memref<1x125xi32, #tpu.memory_space<vmem>> -> memref<125xi32, #tpu.memory_space<vmem>>
          %dma_start3A_69 = arith.constant 0 : i32
          %dma_start3A_70 = arith.constant 0 : i32
          %dma_start3A_71 = tpu.memref_slice %arg11[%dma_start3A_69, %dma_start3A_70] : memref<10000x128xf32, #tpu.memory_space<vmem_shared>> -> memref<10000x128xf32, #tpu.memory_space<vmem_shared>>
          tpu.enqueue_indirect_dma source(%arg8 : memref<125x128xf32, #tpu.memory_space<vmem>>) target(%dma_start3A_71 : memref<10000x128xf32, #tpu.memory_space<vmem_shared>>) offsets(%dma_start3A_68 : memref<125xi32, #tpu.memory_space<vmem>>) semaphore(%run_scoped3A : memref<!tpu.dma_semaphore, #tpu.memory_space<semaphore_mem>>) {add = true}
          %dma_wait3A_72 = arith.constant 0 : i32
          %dma_wait3A_73 = tpu.memref_slice %arg7[%mul3A_40, %dma_wait3A_72] : memref<40x125xi32, #tpu.memory_space<vmem>> -> memref<1x125xi32, #tpu.memory_space<vmem>>
          %dma_wait3A_74 = tpu.memref_squeeze %dma_wait3A_73 : memref<1x125xi32, #tpu.memory_space<vmem>> -> memref<125xi32, #tpu.memory_space<vmem>>
          %dma_wait3A_75 = arith.constant 0 : i32
          %dma_wait3A_76 = arith.constant 0 : i32
          %dma_wait3A_77 = tpu.memref_slice %arg11[%dma_wait3A_75, %dma_wait3A_76] : memref<10000x128xf32, #tpu.memory_space<vmem_shared>> -> memref<10000x128xf32, #tpu.memory_space<vmem_shared>>
          tpu.wait_indirect_dma semaphore(%run_scoped3A : memref<!tpu.dma_semaphore, #tpu.memory_space<semaphore_mem>>) src(%arg8 : memref<125x128xf32, #tpu.memory_space<vmem>>) dst(%dma_wait3A_77 : memref<10000x128xf32, #tpu.memory_space<vmem_shared>>)
          tpu.yield
        }) : () -> ()
        %add3A_54 = arith.constant 1 : i32
        %add3A_55 = arith.addi %mul3A_40, %add3A_54 : i32
        %dma_wait3A_56 = arith.constant 0 : i32
        %dma_wait3A_57 = tpu.memref_slice %arg6[%add3A_55, %dma_wait3A_56] : memref<40x125xi32, #tpu.memory_space<vmem>> -> memref<1x125xi32, #tpu.memory_space<vmem>>
        %dma_wait3A_58 = tpu.memref_squeeze %dma_wait3A_57 : memref<1x125xi32, #tpu.memory_space<vmem>> -> memref<125xi32, #tpu.memory_space<vmem>>
        %dma_wait3A_59 = arith.constant 0 : i32
        %dma_wait3A_60 = arith.constant 0 : i32
        %dma_wait3A_61 = tpu.memref_slice %arg2[%dma_wait3A_59, %dma_wait3A_60] : memref<10000x128xf32, #tpu.memory_space<hbm>> -> memref<10000x128xf32, #tpu.memory_space<hbm>>
        tpu.wait_indirect_dma semaphore(%arg13 : memref<!tpu.dma_semaphore, #tpu.memory_space<semaphore_mem>>) src(%dma_wait3A_61 : memref<10000x128xf32, #tpu.memory_space<hbm>>) dst(%arg9 : memref<125x128xf32, #tpu.memory_space<vmem>>)
        %lt3A = arith.constant 19 : i32
        %lt3A_62 = arith.cmpi slt, %scan3A_38, %lt3A : i32
        %convert_element_type3A = arith.extui %lt3A_62 : i1 to i32
        %cond3A = arith.constant 0 : i32
        %cond3A_63 = arith.cmpi ne, %convert_element_type3A, %cond3A : i32
        scf.if %cond3A_63 {
          %add3A_66 = arith.constant 2 : i32
          %add3A_67 = arith.addi %mul3A_40, %add3A_66 : i32
          %dma_start3A_68 = arith.constant 0 : i32
          %dma_start3A_69 = tpu.memref_slice %arg6[%add3A_67, %dma_start3A_68] : memref<40x125xi32, #tpu.memory_space<vmem>> -> memref<1x125xi32, #tpu.memory_space<vmem>>
          %dma_start3A_70 = tpu.memref_squeeze %dma_start3A_69 : memref<1x125xi32, #tpu.memory_space<vmem>> -> memref<125xi32, #tpu.memory_space<vmem>>
          %dma_start3A_71 = arith.constant 0 : i32
          %dma_start3A_72 = arith.constant 0 : i32
          %dma_start3A_73 = tpu.memref_slice %arg2[%dma_start3A_71, %dma_start3A_72] : memref<10000x128xf32, #tpu.memory_space<hbm>> -> memref<10000x128xf32, #tpu.memory_space<hbm>>
          tpu.enqueue_indirect_dma source(%dma_start3A_73 : memref<10000x128xf32, #tpu.memory_space<hbm>>) target(%arg8 : memref<125x128xf32, #tpu.memory_space<vmem>>) offsets(%dma_start3A_70 : memref<125xi32, #tpu.memory_space<vmem>>) semaphore(%arg12 : memref<!tpu.dma_semaphore, #tpu.memory_space<semaphore_mem>>)
        } else {
        }
        %add3A_64 = arith.constant 1 : i32
        %add3A_65 = arith.addi %mul3A_40, %add3A_64 : i32
        "tpu.region"() ({
          %run_scoped3A = tpu.sem_alloc : memref<!tpu.dma_semaphore, #tpu.memory_space<semaphore_mem>>
          %dma_start3A_66 = arith.constant 0 : i32
          %dma_start3A_67 = tpu.memref_slice %arg7[%add3A_65, %dma_start3A_66] : memref<40x125xi32, #tpu.memory_space<vmem>> -> memref<1x125xi32, #tpu.memory_space<vmem>>
          %dma_start3A_68 = tpu.memref_squeeze %dma_start3A_67 : memref<1x125xi32, #tpu.memory_space<vmem>> -> memref<125xi32, #tpu.memory_space<vmem>>
          %dma_start3A_69 = arith.constant 0 : i32
          %dma_start3A_70 = arith.constant 0 : i32
          %dma_start3A_71 = tpu.memref_slice %arg11[%dma_start3A_69, %dma_start3A_70] : memref<10000x128xf32, #tpu.memory_space<vmem_shared>> -> memref<10000x128xf32, #tpu.memory_space<vmem_shared>>
          tpu.enqueue_indirect_dma source(%arg9 : memref<125x128xf32, #tpu.memory_space<vmem>>) target(%dma_start3A_71 : memref<10000x128xf32, #tpu.memory_space<vmem_shared>>) offsets(%dma_start3A_68 : memref<125xi32, #tpu.memory_space<vmem>>) semaphore(%run_scoped3A : memref<!tpu.dma_semaphore, #tpu.memory_space<semaphore_mem>>) {add = true}
          %dma_wait3A_72 = arith.constant 0 : i32
          %dma_wait3A_73 = tpu.memref_slice %arg7[%add3A_65, %dma_wait3A_72] : memref<40x125xi32, #tpu.memory_space<vmem>> -> memref<1x125xi32, #tpu.memory_space<vmem>>
          %dma_wait3A_74 = tpu.memref_squeeze %dma_wait3A_73 : memref<1x125xi32, #tpu.memory_space<vmem>> -> memref<125xi32, #tpu.memory_space<vmem>>
          %dma_wait3A_75 = arith.constant 0 : i32
          %dma_wait3A_76 = arith.constant 0 : i32
          %dma_wait3A_77 = tpu.memref_slice %arg11[%dma_wait3A_75, %dma_wait3A_76] : memref<10000x128xf32, #tpu.memory_space<vmem_shared>> -> memref<10000x128xf32, #tpu.memory_space<vmem_shared>>
          tpu.wait_indirect_dma semaphore(%run_scoped3A : memref<!tpu.dma_semaphore, #tpu.memory_space<semaphore_mem>>) src(%arg9 : memref<125x128xf32, #tpu.memory_space<vmem>>) dst(%dma_wait3A_77 : memref<10000x128xf32, #tpu.memory_space<vmem_shared>>)
          tpu.yield
        }) : () -> ()
      }
      %scan3A_37 = arith.constant 20 : i32
    }
    %scan3A_17 = arith.constant 2 : i32
    %barrier3A_18 = arith.constant 0 : index
    tpu.barrier barrier_id(%barrier3A_18)
    %mul3A_19 = arith.constant 624 : i32
    %mul3A_20 = arith.muli %arg1, %mul3A_19 : i32
    %mul3A_21 = arith.constant 624 : i32
    %mul3A_22 = arith.muli %arg1, %mul3A_21 : i32
    "tpu.region"() ({
      %run_scoped3A = tpu.sem_alloc : memref<!tpu.dma_semaphore, #tpu.memory_space<semaphore_mem>>
      %dma_start3A = arith.constant 0 : i32
      %dma_start3A_23 = tpu.memref_slice %arg5[%arg0, %mul3A_22, %dma_start3A] : memref<2x10000x128xf32, #tpu.memory_space<hbm>> -> memref<1x640x128xf32, #tpu.memory_space<hbm>>
      %dma_start3A_24 = tpu.memref_squeeze %dma_start3A_23 : memref<1x640x128xf32, #tpu.memory_space<hbm>> -> memref<640x128xf32, #tpu.memory_space<hbm>>
      %dma_start3A_25 = arith.constant 0 : i32
      %dma_start3A_26 = tpu.memref_slice %arg11[%mul3A_20, %dma_start3A_25] : memref<10000x128xf32, #tpu.memory_space<vmem_shared>> -> memref<640x128xf32, #tpu.memory_space<vmem_shared>>
      tpu.enqueue_dma source(%dma_start3A_26 : memref<640x128xf32, #tpu.memory_space<vmem_shared>>) target(%dma_start3A_24 : memref<640x128xf32, #tpu.memory_space<hbm>>) target_semaphore(%run_scoped3A : memref<!tpu.dma_semaphore, #tpu.memory_space<semaphore_mem>>)
      %dma_wait3A = arith.constant 0 : i32
      %dma_wait3A_27 = tpu.memref_slice %arg5[%arg0, %mul3A_22, %dma_wait3A] : memref<2x10000x128xf32, #tpu.memory_space<hbm>> -> memref<1x640x128xf32, #tpu.memory_space<hbm>>
      %dma_wait3A_28 = tpu.memref_squeeze %dma_wait3A_27 : memref<1x640x128xf32, #tpu.memory_space<hbm>> -> memref<640x128xf32, #tpu.memory_space<hbm>>
      %dma_wait3A_29 = arith.constant 0 : i32
      %dma_wait3A_30 = tpu.memref_slice %arg11[%mul3A_20, %dma_wait3A_29] : memref<10000x128xf32, #tpu.memory_space<vmem_shared>> -> memref<640x128xf32, #tpu.memory_space<vmem_shared>>
      tpu.wait_dma2 semaphore(%run_scoped3A : memref<!tpu.dma_semaphore, #tpu.memory_space<semaphore_mem>>) src(%dma_wait3A_30 : memref<640x128xf32, #tpu.memory_space<vmem_shared>>) dst(%dma_wait3A_28 : memref<640x128xf32, #tpu.memory_space<hbm>>)
      tpu.yield
    }) : () -> ()
    return
  }
}

#map = affine_map<(d0, d1) -> (0, 0)>
#map1 = affine_map<(d0, d1) -> (0, 0, 0)>
module attributes {stable_mosaic.version = 14 : i64} {
  func.func @_g(%arg0: i32, %arg1: i32, %arg2: memref<10000x128xf32, #tpu.memory_space<hbm>>, %arg3: memref<32x80x125xi32, #tpu.memory_space<hbm>>, %arg4: memref<32x80x125xi32, #tpu.memory_space<hbm>>, %arg5: memref<2x10000x128xf32, #tpu.memory_space<hbm>>, %arg6: memref<40x125xi32, #tpu.memory_space<vmem>>, %arg7: memref<40x125xi32, #tpu.memory_space<vmem>>, %arg8: memref<125x128xf32, #tpu.memory_space<vmem>>, %arg9: memref<125x128xf32, #tpu.memory_space<vmem>>, %arg10: memref<40x128xf32, #tpu.memory_space<vmem>>, %arg11: memref<10000x128xf32, #tpu.memory_space<vmem_shared>>, %arg12: memref<!tpu.dma_semaphore, #tpu.memory_space<semaphore_mem>>, %arg13: memref<!tpu.dma_semaphore, #tpu.memory_space<semaphore_mem>>) attributes {dimension_semantics = [#tpu.dimension_semantics<core_parallel>, #tpu.dimension_semantics<subcore_parallel>], iteration_bounds = array<i64: 2, 16>, scalar_prefetch = 0 : i64, scratch_operands = 8 : i64, tpu.core_type = #tpu.core_type<sc_vector_subcore>, window_params = [{transform_indices = #map}, {transform_indices = #map1}, {transform_indices = #map1}, {transform_indices = #map1}]} {
    %mul3A = arith.constant 16 : i32
    %mul3A_0 = arith.muli %arg0, %mul3A : i32
    %add3A = arith.addi %mul3A_0, %arg1 : i32
    %scan3A = arith.constant 0 : i32
    %scan3A_1 = arith.constant 0 : i32
    %scan3A_2 = arith.constant 320 : i32
    %scan3A_3 = arith.addi %scan3A_1, %scan3A_2 : i32
    %scan3A_4 = arith.constant 1 : i32
    scf.for %scan3A_23 = %scan3A_1 to %scan3A_3 step %scan3A_4  : i32 {
      %broadcast_in_dim3A = arith.constant 0.000000e+00 : f32
      %broadcast_in_dim3A_24 = vector.broadcast %broadcast_in_dim3A : f32 to vector<16xf32>
      %jit3A = arith.constant 8 : i32
      %div3A = arith.divsi %scan3A_23, %jit3A : i32
      %sign3A = arith.constant 0 : i32
      %sign3A_25 = arith.cmpi sgt, %scan3A_23, %sign3A : i32
      %sign3A_26 = arith.extui %sign3A_25 : i1 to i32
      %sign3A_27 = arith.constant 0 : i32
      %sign3A_28 = arith.cmpi slt, %scan3A_23, %sign3A_27 : i32
      %sign3A_29 = arith.extui %sign3A_28 : i1 to i32
      %sign3A_30 = arith.subi %sign3A_26, %sign3A_29 : i32
      %sign3A_31 = arith.constant 0 : i32
      %sign3A_32 = arith.cmpi sgt, %jit3A, %sign3A_31 : i32
      %sign3A_33 = arith.extui %sign3A_32 : i1 to i32
      %sign3A_34 = arith.constant 0 : i32
      %sign3A_35 = arith.cmpi slt, %jit3A, %sign3A_34 : i32
      %sign3A_36 = arith.extui %sign3A_35 : i1 to i32
      %sign3A_37 = arith.subi %sign3A_33, %sign3A_36 : i32
      %ne3A = arith.cmpi ne, %sign3A_30, %sign3A_37 : i32
      %rem3A = arith.remsi %scan3A_23, %jit3A : i32
      %ne3A_38 = arith.constant 0 : i32
      %ne3A_39 = arith.cmpi ne, %rem3A, %ne3A_38 : i32
      %and3A = arith.andi %ne3A, %ne3A_39 : i1
      %sub3A = arith.constant 1 : i32
      %sub3A_40 = arith.subi %div3A, %sub3A : i32
      %select_n3A = arith.select %and3A, %sub3A_40, %div3A : i32
      %jit3A_41 = arith.constant 8 : i32
      %eq3A = arith.constant 0 : i32
      %eq3A_42 = arith.cmpi eq, %jit3A_41, %eq3A : i32
      %jit3A_43 = arith.constant 1 : i32
      %select_n3A_44 = arith.select %eq3A_42, %jit3A_43, %jit3A_41 : i32
      %rem3A_45 = arith.remsi %scan3A_23, %select_n3A_44 : i32
      %ne3A_46 = arith.constant 0 : i32
      %ne3A_47 = arith.cmpi ne, %rem3A_45, %ne3A_46 : i32
      %lt3A = arith.constant 0 : i32
      %lt3A_48 = arith.cmpi slt, %rem3A_45, %lt3A : i32
      %lt3A_49 = arith.constant 0 : i32
      %lt3A_50 = arith.cmpi slt, %select_n3A_44, %lt3A_49 : i32
      %ne3A_51 = arith.xori %lt3A_48, %lt3A_50 : i1
      %and3A_52 = arith.andi %ne3A_51, %ne3A_47 : i1
      %add3A_53 = arith.addi %rem3A_45, %select_n3A_44 : i32
      %select_n3A_54 = arith.select %and3A_52, %add3A_53, %rem3A_45 : i32
      %mul3A_55 = arith.constant 16 : i32
      %mul3A_56 = arith.muli %select_n3A_54, %mul3A_55 : i32
      %swap3A = arith.index_cast %select_n3A : i32 to index
      %swap3A_57 = arith.index_cast %mul3A_56 : i32 to index
      %swap3A_58 = tpu.vector_load %arg10[%swap3A, %swap3A_57] {strides = array<i32>} : memref<40x128xf32, #tpu.memory_space<vmem>>, vector<1x16xf32>,
      %swap3A_59 = vector.shape_cast %swap3A_58 : vector<1x16xf32> to vector<16xf32>
      %swap3A_60 = vector.shape_cast %broadcast_in_dim3A_24 : vector<16xf32> to vector<1x16xf32>
      tpu.vector_store %arg10[%swap3A, %swap3A_57], %swap3A_60 {strides = array<i32>} : memref<40x128xf32, #tpu.memory_space<vmem>>, vector<1x16xf32>,
    }
    %scan3A_5 = arith.constant 320 : i32
    %scan3A_6 = arith.constant 0 : i32
    %scan3A_7 = arith.constant 0 : i32
    %scan3A_8 = arith.constant 16 : i32
    %scan3A_9 = arith.addi %scan3A_7, %scan3A_8 : i32
    %scan3A_10 = arith.constant 1 : i32
    scf.for %scan3A_23 = %scan3A_7 to %scan3A_9 step %scan3A_10  : i32 {
      %mul3A_24 = arith.constant 624 : i32
      %mul3A_25 = arith.muli %arg1, %mul3A_24 : i32
      %mul3A_26 = arith.constant 40 : i32
      %mul3A_27 = arith.muli %scan3A_23, %mul3A_26 : i32
      %add3A_28 = arith.addi %mul3A_25, %mul3A_27 : i32
      "tpu.region"() ({
        %run_scoped3A = tpu.sem_alloc : memref<!tpu.dma_semaphore, #tpu.memory_space<semaphore_mem>>
        %dma_start3A = arith.constant 0 : i32
        %dma_start3A_29 = tpu.memref_slice %arg11[%add3A_28, %dma_start3A] : memref<10000x128xf32, #tpu.memory_space<vmem_shared>> -> memref<40x128xf32, #tpu.memory_space<vmem_shared>>
        %dma_start3A_30 = arith.constant 0 : i32
        %dma_start3A_31 = tpu.memref_slice %arg11[%add3A_28, %dma_start3A_30] : memref<10000x128xf32, #tpu.memory_space<vmem_shared>> -> memref<40x128xf32, #tpu.memory_space<vmem_shared>>
        tpu.enqueue_dma source(%arg10 : memref<40x128xf32, #tpu.memory_space<vmem>>) target(%dma_start3A_31 : memref<40x128xf32, #tpu.memory_space<vmem_shared>>) target_semaphore(%run_scoped3A : memref<!tpu.dma_semaphore, #tpu.memory_space<semaphore_mem>>)
        %dma_wait3A = arith.constant 0 : i32
        %dma_wait3A_32 = tpu.memref_slice %arg11[%add3A_28, %dma_wait3A] : memref<10000x128xf32, #tpu.memory_space<vmem_shared>> -> memref<40x128xf32, #tpu.memory_space<vmem_shared>>
        %dma_wait3A_33 = arith.constant 0 : i32
        %dma_wait3A_34 = tpu.memref_slice %arg11[%add3A_28, %dma_wait3A_33] : memref<10000x128xf32, #tpu.memory_space<vmem_shared>> -> memref<40x128xf32, #tpu.memory_space<vmem_shared>>
        tpu.wait_dma2 semaphore(%run_scoped3A : memref<!tpu.dma_semaphore, #tpu.memory_space<semaphore_mem>>) src(%arg10 : memref<40x128xf32, #tpu.memory_space<vmem>>) dst(%dma_wait3A_34 : memref<40x128xf32, #tpu.memory_space<vmem_shared>>)
        tpu.yield
      }) : () -> ()
    }
    %scan3A_11 = arith.constant 16 : i32
    %barrier3A = arith.constant 0 : index
    tpu.barrier barrier_id(%barrier3A)
    %scan3A_12 = arith.constant 0 : i32
    %scan3A_13 = arith.constant 0 : i32
    %scan3A_14 = arith.constant 2 : i32
    %scan3A_15 = arith.addi %scan3A_13, %scan3A_14 : i32
    %scan3A_16 = arith.constant 1 : i32
    scf.for %scan3A_23 = %scan3A_13 to %scan3A_15 step %scan3A_16  : i32 {
      %mul3A_24 = arith.constant 40 : i32
      %mul3A_25 = arith.muli %scan3A_23, %mul3A_24 : i32
      "tpu.region"() ({
        %run_scoped3A = tpu.sem_alloc : memref<!tpu.dma_semaphore, #tpu.memory_space<semaphore_mem>>
        %dma_start3A_38 = arith.constant 0 : i32
        %dma_start3A_39 = tpu.memref_slice %arg3[%add3A, %mul3A_25, %dma_start3A_38] : memref<32x80x125xi32, #tpu.memory_space<hbm>> -> memref<1x40x125xi32, #tpu.memory_space<hbm>>
        %dma_start3A_40 = tpu.memref_squeeze %dma_start3A_39 : memref<1x40x125xi32, #tpu.memory_space<hbm>> -> memref<40x125xi32, #tpu.memory_space<hbm>>
        %dma_start3A_41 = arith.constant 0 : i32
        %dma_start3A_42 = tpu.memref_slice %arg3[%add3A, %mul3A_25, %dma_start3A_41] : memref<32x80x125xi32, #tpu.memory_space<hbm>> -> memref<1x40x125xi32, #tpu.memory_space<hbm>>
        %dma_start3A_43 = tpu.memref_squeeze %dma_start3A_42 : memref<1x40x125xi32, #tpu.memory_space<hbm>> -> memref<40x125xi32, #tpu.memory_space<hbm>>
        tpu.enqueue_dma source(%dma_start3A_43 : memref<40x125xi32, #tpu.memory_space<hbm>>) target(%arg6 : memref<40x125xi32, #tpu.memory_space<vmem>>) target_semaphore(%run_scoped3A : memref<!tpu.dma_semaphore, #tpu.memory_space<semaphore_mem>>)
        %dma_wait3A = arith.constant 0 : i32
        %dma_wait3A_44 = tpu.memref_slice %arg3[%add3A, %mul3A_25, %dma_wait3A] : memref<32x80x125xi32, #tpu.memory_space<hbm>> -> memref<1x40x125xi32, #tpu.memory_space<hbm>>
        %dma_wait3A_45 = tpu.memref_squeeze %dma_wait3A_44 : memref<1x40x125xi32, #tpu.memory_space<hbm>> -> memref<40x125xi32, #tpu.memory_space<hbm>>
        %dma_wait3A_46 = arith.constant 0 : i32
        %dma_wait3A_47 = tpu.memref_slice %arg3[%add3A, %mul3A_25, %dma_wait3A_46] : memref<32x80x125xi32, #tpu.memory_space<hbm>> -> memref<1x40x125xi32, #tpu.memory_space<hbm>>
        %dma_wait3A_48 = tpu.memref_squeeze %dma_wait3A_47 : memref<1x40x125xi32, #tpu.memory_space<hbm>> -> memref<40x125xi32, #tpu.memory_space<hbm>>
        tpu.wait_dma2 semaphore(%run_scoped3A : memref<!tpu.dma_semaphore, #tpu.memory_space<semaphore_mem>>) src(%dma_wait3A_48 : memref<40x125xi32, #tpu.memory_space<hbm>>) dst(%arg6 : memref<40x125xi32, #tpu.memory_space<vmem>>)
        tpu.yield
      }) : () -> ()
      "tpu.region"() ({
        %run_scoped3A = tpu.sem_alloc : memref<!tpu.dma_semaphore, #tpu.memory_space<semaphore_mem>>
        %dma_start3A_38 = arith.constant 0 : i32
        %dma_start3A_39 = tpu.memref_slice %arg4[%add3A, %mul3A_25, %dma_start3A_38] : memref<32x80x125xi32, #tpu.memory_space<hbm>> -> memref<1x40x125xi32, #tpu.memory_space<hbm>>
        %dma_start3A_40 = tpu.memref_squeeze %dma_start3A_39 : memref<1x40x125xi32, #tpu.memory_space<hbm>> -> memref<40x125xi32, #tpu.memory_space<hbm>>
        %dma_start3A_41 = arith.constant 0 : i32
        %dma_start3A_42 = tpu.memref_slice %arg4[%add3A, %mul3A_25, %dma_start3A_41] : memref<32x80x125xi32, #tpu.memory_space<hbm>> -> memref<1x40x125xi32, #tpu.memory_space<hbm>>
        %dma_start3A_43 = tpu.memref_squeeze %dma_start3A_42 : memref<1x40x125xi32, #tpu.memory_space<hbm>> -> memref<40x125xi32, #tpu.memory_space<hbm>>
        tpu.enqueue_dma source(%dma_start3A_43 : memref<40x125xi32, #tpu.memory_space<hbm>>) target(%arg7 : memref<40x125xi32, #tpu.memory_space<vmem>>) target_semaphore(%run_scoped3A : memref<!tpu.dma_semaphore, #tpu.memory_space<semaphore_mem>>)
        %dma_wait3A = arith.constant 0 : i32
        %dma_wait3A_44 = tpu.memref_slice %arg4[%add3A, %mul3A_25, %dma_wait3A] : memref<32x80x125xi32, #tpu.memory_space<hbm>> -> memref<1x40x125xi32, #tpu.memory_space<hbm>>
        %dma_wait3A_45 = tpu.memref_squeeze %dma_wait3A_44 : memref<1x40x125xi32, #tpu.memory_space<hbm>> -> memref<40x125xi32, #tpu.memory_space<hbm>>
        %dma_wait3A_46 = arith.constant 0 : i32
        %dma_wait3A_47 = tpu.memref_slice %arg4[%add3A, %mul3A_25, %dma_wait3A_46] : memref<32x80x125xi32, #tpu.memory_space<hbm>> -> memref<1x40x125xi32, #tpu.memory_space<hbm>>
        %dma_wait3A_48 = tpu.memref_squeeze %dma_wait3A_47 : memref<1x40x125xi32, #tpu.memory_space<hbm>> -> memref<40x125xi32, #tpu.memory_space<hbm>>
        tpu.wait_dma2 semaphore(%run_scoped3A : memref<!tpu.dma_semaphore, #tpu.memory_space<semaphore_mem>>) src(%dma_wait3A_48 : memref<40x125xi32, #tpu.memory_space<hbm>>) dst(%arg7 : memref<40x125xi32, #tpu.memory_space<vmem>>)
        tpu.yield
      }) : () -> ()
      %dma_start3A = arith.constant 0 : i32
      %dma_start3A_26 = arith.constant 0 : i32
      %dma_start3A_27 = tpu.memref_slice %arg6[%dma_start3A, %dma_start3A_26] : memref<40x125xi32, #tpu.memory_space<vmem>> -> memref<1x125xi32, #tpu.memory_space<vmem>>
      %dma_start3A_28 = tpu.memref_squeeze %dma_start3A_27 : memref<1x125xi32, #tpu.memory_space<vmem>> -> memref<125xi32, #tpu.memory_space<vmem>>
      %dma_start3A_29 = arith.constant 0 : i32
      %dma_start3A_30 = arith.constant 0 : i32
      %dma_start3A_31 = tpu.memref_slice %arg2[%dma_start3A_29, %dma_start3A_30] : memref<10000x128xf32, #tpu.memory_space<hbm>> -> memref<10000x128xf32, #tpu.memory_space<hbm>>
      tpu.enqueue_indirect_dma source(%dma_start3A_31 : memref<10000x128xf32, #tpu.memory_space<hbm>>) target(%arg8 : memref<125x128xf32, #tpu.memory_space<vmem>>) offsets(%dma_start3A_28 : memref<125xi32, #tpu.memory_space<vmem>>) semaphore(%arg12 : memref<!tpu.dma_semaphore, #tpu.memory_space<semaphore_mem>>)
      %scan3A_32 = arith.constant 0 : i32
      %scan3A_33 = arith.constant 0 : i32
      %scan3A_34 = arith.constant 20 : i32
      %scan3A_35 = arith.addi %scan3A_33, %scan3A_34 : i32
      %scan3A_36 = arith.constant 1 : i32
      scf.for %scan3A_38 = %scan3A_33 to %scan3A_35 step %scan3A_36  : i32 {
        %mul3A_39 = arith.constant 2 : i32
        %mul3A_40 = arith.muli %mul3A_39, %scan3A_38 : i32
        %dma_wait3A = arith.constant 0 : i32
        %dma_wait3A_41 = tpu.memref_slice %arg6[%mul3A_40, %dma_wait3A] : memref<40x125xi32, #tpu.memory_space<vmem>> -> memref<1x125xi32, #tpu.memory_space<vmem>>
        %dma_wait3A_42 = tpu.memref_squeeze %dma_wait3A_41 : memref<1x125xi32, #tpu.memory_space<vmem>> -> memref<125xi32, #tpu.memory_space<vmem>>
        %dma_wait3A_43 = arith.constant 0 : i32
        %dma_wait3A_44 = arith.constant 0 : i32
        %dma_wait3A_45 = tpu.memref_slice %arg2[%dma_wait3A_43, %dma_wait3A_44] : memref<10000x128xf32, #tpu.memory_space<hbm>> -> memref<10000x128xf32, #tpu.memory_space<hbm>>
        tpu.wait_indirect_dma semaphore(%arg12 : memref<!tpu.dma_semaphore, #tpu.memory_space<semaphore_mem>>) src(%dma_wait3A_45 : memref<10000x128xf32, #tpu.memory_space<hbm>>) dst(%arg8 : memref<125x128xf32, #tpu.memory_space<vmem>>)
        %add3A_46 = arith.constant 1 : i32
        %add3A_47 = arith.addi %mul3A_40, %add3A_46 : i32
        %dma_start3A_48 = arith.constant 0 : i32
        %dma_start3A_49 = tpu.memref_slice %arg6[%add3A_47, %dma_start3A_48] : memref<40x125xi32, #tpu.memory_space<vmem>> -> memref<1x125xi32, #tpu.memory_space<vmem>>
        %dma_start3A_50 = tpu.memref_squeeze %dma_start3A_49 : memref<1x125xi32, #tpu.memory_space<vmem>> -> memref<125xi32, #tpu.memory_space<vmem>>
        %dma_start3A_51 = arith.constant 0 : i32
        %dma_start3A_52 = arith.constant 0 : i32
        %dma_start3A_53 = tpu.memref_slice %arg2[%dma_start3A_51, %dma_start3A_52] : memref<10000x128xf32, #tpu.memory_space<hbm>> -> memref<10000x128xf32, #tpu.memory_space<hbm>>
        tpu.enqueue_indirect_dma source(%dma_start3A_53 : memref<10000x128xf32, #tpu.memory_space<hbm>>) target(%arg9 : memref<125x128xf32, #tpu.memory_space<vmem>>) offsets(%dma_start3A_50 : memref<125xi32, #tpu.memory_space<vmem>>) semaphore(%arg13 : memref<!tpu.dma_semaphore, #tpu.memory_space<semaphore_mem>>)
        "tpu.region"() ({
          %run_scoped3A = tpu.sem_alloc : memref<!tpu.dma_semaphore, #tpu.memory_space<semaphore_mem>>
          %dma_start3A_66 = arith.constant 0 : i32
          %dma_start3A_67 = tpu.memref_slice %arg7[%mul3A_40, %dma_start3A_66] : memref<40x125xi32, #tpu.memory_space<vmem>> -> memref<1x125xi32, #tpu.memory_space<vmem>>
          %dma_start3A_68 = tpu.memref_squeeze %dma_start3A_67 : memref<1x125xi32, #tpu.memory_space<vmem>> -> memref<125xi32, #tpu.memory_space<vmem>>
          %dma_start3A_69 = arith.constant 0 : i32
          %dma_start3A_70 = arith.constant 0 : i32
          %dma_start3A_71 = tpu.memref_slice %arg11[%dma_start3A_69, %dma_start3A_70] : memref<10000x128xf32, #tpu.memory_space<vmem_shared>> -> memref<10000x128xf32, #tpu.memory_space<vmem_shared>>
          tpu.enqueue_indirect_dma source(%arg8 : memref<125x128xf32, #tpu.memory_space<vmem>>) target(%dma_start3A_71 : memref<10000x128xf32, #tpu.memory_space<vmem_shared>>) offsets(%dma_start3A_68 : memref<125xi32, #tpu.memory_space<vmem>>) semaphore(%run_scoped3A : memref<!tpu.dma_semaphore, #tpu.memory_space<semaphore_mem>>) {add = true}
          %dma_wait3A_72 = arith.constant 0 : i32
          %dma_wait3A_73 = tpu.memref_slice %arg7[%mul3A_40, %dma_wait3A_72] : memref<40x125xi32, #tpu.memory_space<vmem>> -> memref<1x125xi32, #tpu.memory_space<vmem>>
          %dma_wait3A_74 = tpu.memref_squeeze %dma_wait3A_73 : memref<1x125xi32, #tpu.memory_space<vmem>> -> memref<125xi32, #tpu.memory_space<vmem>>
          %dma_wait3A_75 = arith.constant 0 : i32
          %dma_wait3A_76 = arith.constant 0 : i32
          %dma_wait3A_77 = tpu.memref_slice %arg11[%dma_wait3A_75, %dma_wait3A_76] : memref<10000x128xf32, #tpu.memory_space<vmem_shared>> -> memref<10000x128xf32, #tpu.memory_space<vmem_shared>>
          tpu.wait_indirect_dma semaphore(%run_scoped3A : memref<!tpu.dma_semaphore, #tpu.memory_space<semaphore_mem>>) src(%arg8 : memref<125x128xf32, #tpu.memory_space<vmem>>) dst(%dma_wait3A_77 : memref<10000x128xf32, #tpu.memory_space<vmem_shared>>)
          tpu.yield
        }) : () -> ()
        %add3A_54 = arith.constant 1 : i32
        %add3A_55 = arith.addi %mul3A_40, %add3A_54 : i32
        %dma_wait3A_56 = arith.constant 0 : i32
        %dma_wait3A_57 = tpu.memref_slice %arg6[%add3A_55, %dma_wait3A_56] : memref<40x125xi32, #tpu.memory_space<vmem>> -> memref<1x125xi32, #tpu.memory_space<vmem>>
        %dma_wait3A_58 = tpu.memref_squeeze %dma_wait3A_57 : memref<1x125xi32, #tpu.memory_space<vmem>> -> memref<125xi32, #tpu.memory_space<vmem>>
        %dma_wait3A_59 = arith.constant 0 : i32
        %dma_wait3A_60 = arith.constant 0 : i32
        %dma_wait3A_61 = tpu.memref_slice %arg2[%dma_wait3A_59, %dma_wait3A_60] : memref<10000x128xf32, #tpu.memory_space<hbm>> -> memref<10000x128xf32, #tpu.memory_space<hbm>>
        tpu.wait_indirect_dma semaphore(%arg13 : memref<!tpu.dma_semaphore, #tpu.memory_space<semaphore_mem>>) src(%dma_wait3A_61 : memref<10000x128xf32, #tpu.memory_space<hbm>>) dst(%arg9 : memref<125x128xf32, #tpu.memory_space<vmem>>)
        %lt3A = arith.constant 19 : i32
        %lt3A_62 = arith.cmpi slt, %scan3A_38, %lt3A : i32
        %convert_element_type3A = arith.extui %lt3A_62 : i1 to i32
        %cond3A = arith.constant 0 : i32
        %cond3A_63 = arith.cmpi ne, %convert_element_type3A, %cond3A : i32
        scf.if %cond3A_63 {
          %add3A_66 = arith.constant 2 : i32
          %add3A_67 = arith.addi %mul3A_40, %add3A_66 : i32
          %dma_start3A_68 = arith.constant 0 : i32
          %dma_start3A_69 = tpu.memref_slice %arg6[%add3A_67, %dma_start3A_68] : memref<40x125xi32, #tpu.memory_space<vmem>> -> memref<1x125xi32, #tpu.memory_space<vmem>>
          %dma_start3A_70 = tpu.memref_squeeze %dma_start3A_69 : memref<1x125xi32, #tpu.memory_space<vmem>> -> memref<125xi32, #tpu.memory_space<vmem>>
          %dma_start3A_71 = arith.constant 0 : i32
          %dma_start3A_72 = arith.constant 0 : i32
          %dma_start3A_73 = tpu.memref_slice %arg2[%dma_start3A_71, %dma_start3A_72] : memref<10000x128xf32, #tpu.memory_space<hbm>> -> memref<10000x128xf32, #tpu.memory_space<hbm>>
          tpu.enqueue_indirect_dma source(%dma_start3A_73 : memref<10000x128xf32, #tpu.memory_space<hbm>>) target(%arg8 : memref<125x128xf32, #tpu.memory_space<vmem>>) offsets(%dma_start3A_70 : memref<125xi32, #tpu.memory_space<vmem>>) semaphore(%arg12 : memref<!tpu.dma_semaphore, #tpu.memory_space<semaphore_mem>>)
        } else {
        }
        %add3A_64 = arith.constant 1 : i32
        %add3A_65 = arith.addi %mul3A_40, %add3A_64 : i32
        "tpu.region"() ({
          %run_scoped3A = tpu.sem_alloc : memref<!tpu.dma_semaphore, #tpu.memory_space<semaphore_mem>>
          %dma_start3A_66 = arith.constant 0 : i32
          %dma_start3A_67 = tpu.memref_slice %arg7[%add3A_65, %dma_start3A_66] : memref<40x125xi32, #tpu.memory_space<vmem>> -> memref<1x125xi32, #tpu.memory_space<vmem>>
          %dma_start3A_68 = tpu.memref_squeeze %dma_start3A_67 : memref<1x125xi32, #tpu.memory_space<vmem>> -> memref<125xi32, #tpu.memory_space<vmem>>
          %dma_start3A_69 = arith.constant 0 : i32
          %dma_start3A_70 = arith.constant 0 : i32
          %dma_start3A_71 = tpu.memref_slice %arg11[%dma_start3A_69, %dma_start3A_70] : memref<10000x128xf32, #tpu.memory_space<vmem_shared>> -> memref<10000x128xf32, #tpu.memory_space<vmem_shared>>
          tpu.enqueue_indirect_dma source(%arg9 : memref<125x128xf32, #tpu.memory_space<vmem>>) target(%dma_start3A_71 : memref<10000x128xf32, #tpu.memory_space<vmem_shared>>) offsets(%dma_start3A_68 : memref<125xi32, #tpu.memory_space<vmem>>) semaphore(%run_scoped3A : memref<!tpu.dma_semaphore, #tpu.memory_space<semaphore_mem>>) {add = true}
          %dma_wait3A_72 = arith.constant 0 : i32
          %dma_wait3A_73 = tpu.memref_slice %arg7[%add3A_65, %dma_wait3A_72] : memref<40x125xi32, #tpu.memory_space<vmem>> -> memref<1x125xi32, #tpu.memory_space<vmem>>
          %dma_wait3A_74 = tpu.memref_squeeze %dma_wait3A_73 : memref<1x125xi32, #tpu.memory_space<vmem>> -> memref<125xi32, #tpu.memory_space<vmem>>
          %dma_wait3A_75 = arith.constant 0 : i32
          %dma_wait3A_76 = arith.constant 0 : i32
          %dma_wait3A_77 = tpu.memref_slice %arg11[%dma_wait3A_75, %dma_wait3A_76] : memref<10000x128xf32, #tpu.memory_space<vmem_shared>> -> memref<10000x128xf32, #tpu.memory_space<vmem_shared>>
          tpu.wait_indirect_dma semaphore(%run_scoped3A : memref<!tpu.dma_semaphore, #tpu.memory_space<semaphore_mem>>) src(%arg9 : memref<125x128xf32, #tpu.memory_space<vmem>>) dst(%dma_wait3A_77 : memref<10000x128xf32, #tpu.memory_space<vmem_shared>>)
          tpu.yield
        }) : () -> ()
      }
      %scan3A_37 = arith.constant 20 : i32
    }
    %scan3A_17 = arith.constant 2 : i32
    %barrier3A_18 = arith.constant 0 : index
    tpu.barrier barrier_id(%barrier3A_18)
    %mul3A_19 = arith.constant 624 : i32
    %mul3A_20 = arith.muli %arg1, %mul3A_19 : i32
    %mul3A_21 = arith.constant 624 : i32
    %mul3A_22 = arith.muli %arg1, %mul3A_21 : i32
    "tpu.region"() ({
      %run_scoped3A = tpu.sem_alloc : memref<!tpu.dma_semaphore, #tpu.memory_space<semaphore_mem>>
      %dma_start3A = arith.constant 0 : i32
      %dma_start3A_23 = tpu.memref_slice %arg5[%arg0, %mul3A_22, %dma_start3A] : memref<2x10000x128xf32, #tpu.memory_space<hbm>> -> memref<1x640x128xf32, #tpu.memory_space<hbm>>
      %dma_start3A_24 = tpu.memref_squeeze %dma_start3A_23 : memref<1x640x128xf32, #tpu.memory_space<hbm>> -> memref<640x128xf32, #tpu.memory_space<hbm>>
      %dma_start3A_25 = arith.constant 0 : i32
      %dma_start3A_26 = tpu.memref_slice %arg11[%mul3A_20, %dma_start3A_25] : memref<10000x128xf32, #tpu.memory_space<vmem_shared>> -> memref<640x128xf32, #tpu.memory_space<vmem_shared>>
      tpu.enqueue_dma source(%dma_start3A_26 : memref<640x128xf32, #tpu.memory_space<vmem_shared>>) target(%dma_start3A_24 : memref<640x128xf32, #tpu.memory_space<hbm>>) target_semaphore(%run_scoped3A : memref<!tpu.dma_semaphore, #tpu.memory_space<semaphore_mem>>)
      %dma_wait3A = arith.constant 0 : i32
      %dma_wait3A_27 = tpu.memref_slice %arg5[%arg0, %mul3A_22, %dma_wait3A] : memref<2x10000x128xf32, #tpu.memory_space<hbm>> -> memref<1x640x128xf32, #tpu.memory_space<hbm>>
      %dma_wait3A_28 = tpu.memref_squeeze %dma_wait3A_27 : memref<1x640x128xf32, #tpu.memory_space<hbm>> -> memref<640x128xf32, #tpu.memory_space<hbm>>
      %dma_wait3A_29 = arith.constant 0 : i32
      %dma_wait3A_30 = tpu.memref_slice %arg11[%mul3A_20, %dma_wait3A_29] : memref<10000x128xf32, #tpu.memory_space<vmem_shared>> -> memref<640x128xf32, #tpu.memory_space<vmem_shared>>
      tpu.wait_dma2 semaphore(%run_scoped3A : memref<!tpu.dma_semaphore, #tpu.memory_space<semaphore_mem>>) src(%dma_wait3A_30 : memref<640x128xf32, #tpu.memory_space<vmem_shared>>) dst(%dma_wait3A_28 : memref<640x128xf32, #tpu.memory_space<hbm>>)
      tpu.yield
    }) : () -> ()
    return
  }
}

#map = affine_map<(d0, d1) -> (0, 0, 0)>
module attributes {stable_mosaic.version = 14 : i64} {
  func.func @_deg(%arg0: i32, %arg1: i32, %arg2: memref<32x80x125xi32, #tpu.memory_space<hbm>>, %arg3: memref<2x10000x128xf32, #tpu.memory_space<hbm>>, %arg4: memref<80x125xi32, #tpu.memory_space<vmem>>, %arg5: memref<125x128xf32, #tpu.memory_space<vmem>>, %arg6: memref<40x128xf32, #tpu.memory_space<vmem>>, %arg7: memref<10000x128xf32, #tpu.memory_space<vmem_shared>>) attributes {dimension_semantics = [#tpu.dimension_semantics<core_parallel>, #tpu.dimension_semantics<subcore_parallel>], iteration_bounds = array<i64: 2, 16>, scalar_prefetch = 0 : i64, scratch_operands = 4 : i64, tpu.core_type = #tpu.core_type<sc_vector_subcore>, window_params = [{transform_indices = #map}, {transform_indices = #map}]} {
    %mul3A = arith.constant 16 : i32
    %mul3A_0 = arith.muli %arg0, %mul3A : i32
    %add3A = arith.addi %mul3A_0, %arg1 : i32
    %iota3A = tpu.iota {dimensions = array<i32: 0>} : vector<16xi32>
    %eq3A = arith.constant 0 : i32
    %eq3A_1 = vector.broadcast %eq3A : i32 to vector<16xi32>
    %eq3A_2 = arith.cmpi eq, %iota3A, %eq3A_1 : vector<16xi32>
    %jit3A = arith.constant 1.000000e+00 : f32
    %jit3A_3 = arith.constant 0.000000e+00 : f32
    %broadcast_in_dim3A = vector.broadcast %jit3A : f32 to vector<16xf32>
    %broadcast_in_dim3A_4 = vector.broadcast %jit3A_3 : f32 to vector<16xf32>
    %select_n3A = arith.select %eq3A_2, %broadcast_in_dim3A, %broadcast_in_dim3A_4 : vector<16xi1>, vector<16xf32>
    %broadcast_in_dim3A_5 = arith.constant 0.000000e+00 : f32
    %broadcast_in_dim3A_6 = vector.broadcast %broadcast_in_dim3A_5 : f32 to vector<16xf32>
    %scan3A = arith.constant 0 : i32
    %scan3A_7 = arith.constant 0 : i32
    %scan3A_8 = arith.constant 1000 : i32
    %scan3A_9 = arith.addi %scan3A_7, %scan3A_8 : i32
    %scan3A_10 = arith.constant 1 : i32
    scf.for %scan3A_35 = %scan3A_7 to %scan3A_9 step %scan3A_10  : i32 {
      %jit3A_36 = arith.constant 8 : i32
      %div3A = arith.divsi %scan3A_35, %jit3A_36 : i32
      %sign3A = arith.constant 0 : i32
      %sign3A_37 = arith.cmpi sgt, %scan3A_35, %sign3A : i32
      %sign3A_38 = arith.extui %sign3A_37 : i1 to i32
      %sign3A_39 = arith.constant 0 : i32
      %sign3A_40 = arith.cmpi slt, %scan3A_35, %sign3A_39 : i32
      %sign3A_41 = arith.extui %sign3A_40 : i1 to i32
      %sign3A_42 = arith.subi %sign3A_38, %sign3A_41 : i32
      %sign3A_43 = arith.constant 0 : i32
      %sign3A_44 = arith.cmpi sgt, %jit3A_36, %sign3A_43 : i32
      %sign3A_45 = arith.extui %sign3A_44 : i1 to i32
      %sign3A_46 = arith.constant 0 : i32
      %sign3A_47 = arith.cmpi slt, %jit3A_36, %sign3A_46 : i32
      %sign3A_48 = arith.extui %sign3A_47 : i1 to i32
      %sign3A_49 = arith.subi %sign3A_45, %sign3A_48 : i32
      %ne3A = arith.cmpi ne, %sign3A_42, %sign3A_49 : i32
      %rem3A = arith.remsi %scan3A_35, %jit3A_36 : i32
      %ne3A_50 = arith.constant 0 : i32
      %ne3A_51 = arith.cmpi ne, %rem3A, %ne3A_50 : i32
      %and3A = arith.andi %ne3A, %ne3A_51 : i1
      %sub3A = arith.constant 1 : i32
      %sub3A_52 = arith.subi %div3A, %sub3A : i32
      %select_n3A_53 = arith.select %and3A, %sub3A_52, %div3A : i32
      %jit3A_54 = arith.constant 8 : i32
      %eq3A_55 = arith.constant 0 : i32
      %eq3A_56 = arith.cmpi eq, %jit3A_54, %eq3A_55 : i32
      %jit3A_57 = arith.constant 1 : i32
      %select_n3A_58 = arith.select %eq3A_56, %jit3A_57, %jit3A_54 : i32
      %rem3A_59 = arith.remsi %scan3A_35, %select_n3A_58 : i32
      %ne3A_60 = arith.constant 0 : i32
      %ne3A_61 = arith.cmpi ne, %rem3A_59, %ne3A_60 : i32
      %lt3A = arith.constant 0 : i32
      %lt3A_62 = arith.cmpi slt, %rem3A_59, %lt3A : i32
      %lt3A_63 = arith.constant 0 : i32
      %lt3A_64 = arith.cmpi slt, %select_n3A_58, %lt3A_63 : i32
      %ne3A_65 = arith.xori %lt3A_62, %lt3A_64 : i1
      %and3A_66 = arith.andi %ne3A_65, %ne3A_61 : i1
      %add3A_67 = arith.addi %rem3A_59, %select_n3A_58 : i32
      %select_n3A_68 = arith.select %and3A_66, %add3A_67, %rem3A_59 : i32
      %eq3A_69 = arith.constant 0 : i32
      %eq3A_70 = arith.cmpi eq, %select_n3A_68, %eq3A_69 : i32
      %select_n3A_71 = arith.select %eq3A_70, %select_n3A, %broadcast_in_dim3A_6 : vector<16xf32>
      %mul3A_72 = arith.constant 16 : i32
      %mul3A_73 = arith.muli %select_n3A_68, %mul3A_72 : i32
      %swap3A = arith.index_cast %select_n3A_53 : i32 to index
      %swap3A_74 = arith.index_cast %mul3A_73 : i32 to index
      %swap3A_75 = tpu.vector_load %arg5[%swap3A, %swap3A_74] {strides = array<i32>} : memref<125x128xf32, #tpu.memory_space<vmem>>, vector<1x16xf32>,
      %swap3A_76 = vector.shape_cast %swap3A_75 : vector<1x16xf32> to vector<16xf32>
      %swap3A_77 = vector.shape_cast %select_n3A_71 : vector<16xf32> to vector<1x16xf32>
      tpu.vector_store %arg5[%swap3A, %swap3A_74], %swap3A_77 {strides = array<i32>} : memref<125x128xf32, #tpu.memory_space<vmem>>, vector<1x16xf32>,
    }
    %scan3A_11 = arith.constant 1000 : i32
    %scan3A_12 = arith.constant 0 : i32
    %scan3A_13 = arith.constant 0 : i32
    %scan3A_14 = arith.constant 320 : i32
    %scan3A_15 = arith.addi %scan3A_13, %scan3A_14 : i32
    %scan3A_16 = arith.constant 1 : i32
    scf.for %scan3A_35 = %scan3A_13 to %scan3A_15 step %scan3A_16  : i32 {
      %jit3A_36 = arith.constant 8 : i32
      %div3A = arith.divsi %scan3A_35, %jit3A_36 : i32
      %sign3A = arith.constant 0 : i32
      %sign3A_37 = arith.cmpi sgt, %scan3A_35, %sign3A : i32
      %sign3A_38 = arith.extui %sign3A_37 : i1 to i32
      %sign3A_39 = arith.constant 0 : i32
      %sign3A_40 = arith.cmpi slt, %scan3A_35, %sign3A_39 : i32
      %sign3A_41 = arith.extui %sign3A_40 : i1 to i32
      %sign3A_42 = arith.subi %sign3A_38, %sign3A_41 : i32
      %sign3A_43 = arith.constant 0 : i32
      %sign3A_44 = arith.cmpi sgt, %jit3A_36, %sign3A_43 : i32
      %sign3A_45 = arith.extui %sign3A_44 : i1 to i32
      %sign3A_46 = arith.constant 0 : i32
      %sign3A_47 = arith.cmpi slt, %jit3A_36, %sign3A_46 : i32
      %sign3A_48 = arith.extui %sign3A_47 : i1 to i32
      %sign3A_49 = arith.subi %sign3A_45, %sign3A_48 : i32
      %ne3A = arith.cmpi ne, %sign3A_42, %sign3A_49 : i32
      %rem3A = arith.remsi %scan3A_35, %jit3A_36 : i32
      %ne3A_50 = arith.constant 0 : i32
      %ne3A_51 = arith.cmpi ne, %rem3A, %ne3A_50 : i32
      %and3A = arith.andi %ne3A, %ne3A_51 : i1
      %sub3A = arith.constant 1 : i32
      %sub3A_52 = arith.subi %div3A, %sub3A : i32
      %select_n3A_53 = arith.select %and3A, %sub3A_52, %div3A : i32
      %jit3A_54 = arith.constant 8 : i32
      %eq3A_55 = arith.constant 0 : i32
      %eq3A_56 = arith.cmpi eq, %jit3A_54, %eq3A_55 : i32
      %jit3A_57 = arith.constant 1 : i32
      %select_n3A_58 = arith.select %eq3A_56, %jit3A_57, %jit3A_54 : i32
      %rem3A_59 = arith.remsi %scan3A_35, %select_n3A_58 : i32
      %ne3A_60 = arith.constant 0 : i32
      %ne3A_61 = arith.cmpi ne, %rem3A_59, %ne3A_60 : i32
      %lt3A = arith.constant 0 : i32
      %lt3A_62 = arith.cmpi slt, %rem3A_59, %lt3A : i32
      %lt3A_63 = arith.constant 0 : i32
      %lt3A_64 = arith.cmpi slt, %select_n3A_58, %lt3A_63 : i32
      %ne3A_65 = arith.xori %lt3A_62, %lt3A_64 : i1
      %and3A_66 = arith.andi %ne3A_65, %ne3A_61 : i1
      %add3A_67 = arith.addi %rem3A_59, %select_n3A_58 : i32
      %select_n3A_68 = arith.select %and3A_66, %add3A_67, %rem3A_59 : i32
      %mul3A_69 = arith.constant 16 : i32
      %mul3A_70 = arith.muli %select_n3A_68, %mul3A_69 : i32
      %swap3A = arith.index_cast %select_n3A_53 : i32 to index
      %swap3A_71 = arith.index_cast %mul3A_70 : i32 to index
      %swap3A_72 = tpu.vector_load %arg6[%swap3A, %swap3A_71] {strides = array<i32>} : memref<40x128xf32, #tpu.memory_space<vmem>>, vector<1x16xf32>,
      %swap3A_73 = vector.shape_cast %swap3A_72 : vector<1x16xf32> to vector<16xf32>
      %swap3A_74 = vector.shape_cast %broadcast_in_dim3A_6 : vector<16xf32> to vector<1x16xf32>
      tpu.vector_store %arg6[%swap3A, %swap3A_71], %swap3A_74 {strides = array<i32>} : memref<40x128xf32, #tpu.memory_space<vmem>>, vector<1x16xf32>,
    }
    %scan3A_17 = arith.constant 320 : i32
    %scan3A_18 = arith.constant 0 : i32
    %scan3A_19 = arith.constant 0 : i32
    %scan3A_20 = arith.constant 16 : i32
    %scan3A_21 = arith.addi %scan3A_19, %scan3A_20 : i32
    %scan3A_22 = arith.constant 1 : i32
    scf.for %scan3A_35 = %scan3A_19 to %scan3A_21 step %scan3A_22  : i32 {
      %mul3A_36 = arith.constant 624 : i32
      %mul3A_37 = arith.muli %arg1, %mul3A_36 : i32
      %mul3A_38 = arith.constant 40 : i32
      %mul3A_39 = arith.muli %scan3A_35, %mul3A_38 : i32
      %add3A_40 = arith.addi %mul3A_37, %mul3A_39 : i32
      "tpu.region"() ({
        %run_scoped3A = tpu.sem_alloc : memref<!tpu.dma_semaphore, #tpu.memory_space<semaphore_mem>>
        %dma_start3A = arith.constant 0 : i32
        %dma_start3A_41 = tpu.memref_slice %arg7[%add3A_40, %dma_start3A] : memref<10000x128xf32, #tpu.memory_space<vmem_shared>> -> memref<40x128xf32, #tpu.memory_space<vmem_shared>>
        %dma_start3A_42 = arith.constant 0 : i32
        %dma_start3A_43 = tpu.memref_slice %arg7[%add3A_40, %dma_start3A_42] : memref<10000x128xf32, #tpu.memory_space<vmem_shared>> -> memref<40x128xf32, #tpu.memory_space<vmem_shared>>
        tpu.enqueue_dma source(%arg6 : memref<40x128xf32, #tpu.memory_space<vmem>>) target(%dma_start3A_43 : memref<40x128xf32, #tpu.memory_space<vmem_shared>>) target_semaphore(%run_scoped3A : memref<!tpu.dma_semaphore, #tpu.memory_space<semaphore_mem>>)
        %dma_wait3A = arith.constant 0 : i32
        %dma_wait3A_44 = tpu.memref_slice %arg7[%add3A_40, %dma_wait3A] : memref<10000x128xf32, #tpu.memory_space<vmem_shared>> -> memref<40x128xf32, #tpu.memory_space<vmem_shared>>
        %dma_wait3A_45 = arith.constant 0 : i32
        %dma_wait3A_46 = tpu.memref_slice %arg7[%add3A_40, %dma_wait3A_45] : memref<10000x128xf32, #tpu.memory_space<vmem_shared>> -> memref<40x128xf32, #tpu.memory_space<vmem_shared>>
        tpu.wait_dma2 semaphore(%run_scoped3A : memref<!tpu.dma_semaphore, #tpu.memory_space<semaphore_mem>>) src(%arg6 : memref<40x128xf32, #tpu.memory_space<vmem>>) dst(%dma_wait3A_46 : memref<40x128xf32, #tpu.memory_space<vmem_shared>>)
        tpu.yield
      }) : () -> ()
    }
    %scan3A_23 = arith.constant 16 : i32
    %barrier3A = arith.constant 0 : index
    tpu.barrier barrier_id(%barrier3A)
    "tpu.region"() ({
      %run_scoped3A = tpu.sem_alloc : memref<!tpu.dma_semaphore, #tpu.memory_space<semaphore_mem>>
      %dma_start3A = arith.constant 0 : i32
      %dma_start3A_35 = arith.constant 0 : i32
      %dma_start3A_36 = tpu.memref_slice %arg2[%add3A, %dma_start3A, %dma_start3A_35] : memref<32x80x125xi32, #tpu.memory_space<hbm>> -> memref<1x80x125xi32, #tpu.memory_space<hbm>>
      %dma_start3A_37 = tpu.memref_squeeze %dma_start3A_36 : memref<1x80x125xi32, #tpu.memory_space<hbm>> -> memref<80x125xi32, #tpu.memory_space<hbm>>
      %dma_start3A_38 = arith.constant 0 : i32
      %dma_start3A_39 = arith.constant 0 : i32
      %dma_start3A_40 = tpu.memref_slice %arg2[%add3A, %dma_start3A_38, %dma_start3A_39] : memref<32x80x125xi32, #tpu.memory_space<hbm>> -> memref<1x80x125xi32, #tpu.memory_space<hbm>>
      %dma_start3A_41 = tpu.memref_squeeze %dma_start3A_40 : memref<1x80x125xi32, #tpu.memory_space<hbm>> -> memref<80x125xi32, #tpu.memory_space<hbm>>
      tpu.enqueue_dma source(%dma_start3A_41 : memref<80x125xi32, #tpu.memory_space<hbm>>) target(%arg4 : memref<80x125xi32, #tpu.memory_space<vmem>>) target_semaphore(%run_scoped3A : memref<!tpu.dma_semaphore, #tpu.memory_space<semaphore_mem>>)
      %dma_wait3A = arith.constant 0 : i32
      %dma_wait3A_42 = arith.constant 0 : i32
      %dma_wait3A_43 = tpu.memref_slice %arg2[%add3A, %dma_wait3A, %dma_wait3A_42] : memref<32x80x125xi32, #tpu.memory_space<hbm>> -> memref<1x80x125xi32, #tpu.memory_space<hbm>>
      %dma_wait3A_44 = tpu.memref_squeeze %dma_wait3A_43 : memref<1x80x125xi32, #tpu.memory_space<hbm>> -> memref<80x125xi32, #tpu.memory_space<hbm>>
      %dma_wait3A_45 = arith.constant 0 : i32
      %dma_wait3A_46 = arith.constant 0 : i32
      %dma_wait3A_47 = tpu.memref_slice %arg2[%add3A, %dma_wait3A_45, %dma_wait3A_46] : memref<32x80x125xi32, #tpu.memory_space<hbm>> -> memref<1x80x125xi32, #tpu.memory_space<hbm>>
      %dma_wait3A_48 = tpu.memref_squeeze %dma_wait3A_47 : memref<1x80x125xi32, #tpu.memory_space<hbm>> -> memref<80x125xi32, #tpu.memory_space<hbm>>
      tpu.wait_dma2 semaphore(%run_scoped3A : memref<!tpu.dma_semaphore, #tpu.memory_space<semaphore_mem>>) src(%dma_wait3A_48 : memref<80x125xi32, #tpu.memory_space<hbm>>) dst(%arg4 : memref<80x125xi32, #tpu.memory_space<vmem>>)
      tpu.yield
    }) : () -> ()
    %scan3A_24 = arith.constant 0 : i32
    %scan3A_25 = arith.constant 0 : i32
    %scan3A_26 = arith.constant 80 : i32
    %scan3A_27 = arith.addi %scan3A_25, %scan3A_26 : i32
    %scan3A_28 = arith.constant 1 : i32
    scf.for %scan3A_35 = %scan3A_25 to %scan3A_27 step %scan3A_28  : i32 {
      "tpu.region"() ({
        %run_scoped3A = tpu.sem_alloc : memref<!tpu.dma_semaphore, #tpu.memory_space<semaphore_mem>>
        %dma_start3A = arith.constant 0 : i32
        %dma_start3A_36 = tpu.memref_slice %arg4[%scan3A_35, %dma_start3A] : memref<80x125xi32, #tpu.memory_space<vmem>> -> memref<1x125xi32, #tpu.memory_space<vmem>>
        %dma_start3A_37 = tpu.memref_squeeze %dma_start3A_36 : memref<1x125xi32, #tpu.memory_space<vmem>> -> memref<125xi32, #tpu.memory_space<vmem>>
        %dma_start3A_38 = arith.constant 0 : i32
        %dma_start3A_39 = arith.constant 0 : i32
        %dma_start3A_40 = tpu.memref_slice %arg7[%dma_start3A_38, %dma_start3A_39] : memref<10000x128xf32, #tpu.memory_space<vmem_shared>> -> memref<10000x128xf32, #tpu.memory_space<vmem_shared>>
        tpu.enqueue_indirect_dma source(%arg5 : memref<125x128xf32, #tpu.memory_space<vmem>>) target(%dma_start3A_40 : memref<10000x128xf32, #tpu.memory_space<vmem_shared>>) offsets(%dma_start3A_37 : memref<125xi32, #tpu.memory_space<vmem>>) semaphore(%run_scoped3A : memref<!tpu.dma_semaphore, #tpu.memory_space<semaphore_mem>>) {add = true}
        %dma_wait3A = arith.constant 0 : i32
        %dma_wait3A_41 = tpu.memref_slice %arg4[%scan3A_35, %dma_wait3A] : memref<80x125xi32, #tpu.memory_space<vmem>> -> memref<1x125xi32, #tpu.memory_space<vmem>>
        %dma_wait3A_42 = tpu.memref_squeeze %dma_wait3A_41 : memref<1x125xi32, #tpu.memory_space<vmem>> -> memref<125xi32, #tpu.memory_space<vmem>>
        %dma_wait3A_43 = arith.constant 0 : i32
        %dma_wait3A_44 = arith.constant 0 : i32
        %dma_wait3A_45 = tpu.memref_slice %arg7[%dma_wait3A_43, %dma_wait3A_44] : memref<10000x128xf32, #tpu.memory_space<vmem_shared>> -> memref<10000x128xf32, #tpu.memory_space<vmem_shared>>
        tpu.wait_indirect_dma semaphore(%run_scoped3A : memref<!tpu.dma_semaphore, #tpu.memory_space<semaphore_mem>>) src(%arg5 : memref<125x128xf32, #tpu.memory_space<vmem>>) dst(%dma_wait3A_45 : memref<10000x128xf32, #tpu.memory_space<vmem_shared>>)
        tpu.yield
      }) : () -> ()
    }
    %scan3A_29 = arith.constant 80 : i32
    %barrier3A_30 = arith.constant 0 : index
    tpu.barrier barrier_id(%barrier3A_30)
    %mul3A_31 = arith.constant 624 : i32
    %mul3A_32 = arith.muli %arg1, %mul3A_31 : i32
    %mul3A_33 = arith.constant 624 : i32
    %mul3A_34 = arith.muli %arg1, %mul3A_33 : i32
    "tpu.region"() ({
      %run_scoped3A = tpu.sem_alloc : memref<!tpu.dma_semaphore, #tpu.memory_space<semaphore_mem>>
      %dma_start3A = arith.constant 0 : i32
      %dma_start3A_35 = tpu.memref_slice %arg3[%arg0, %mul3A_34, %dma_start3A] : memref<2x10000x128xf32, #tpu.memory_space<hbm>> -> memref<1x640x128xf32, #tpu.memory_space<hbm>>
      %dma_start3A_36 = tpu.memref_squeeze %dma_start3A_35 : memref<1x640x128xf32, #tpu.memory_space<hbm>> -> memref<640x128xf32, #tpu.memory_space<hbm>>
      %dma_start3A_37 = arith.constant 0 : i32
      %dma_start3A_38 = tpu.memref_slice %arg7[%mul3A_32, %dma_start3A_37] : memref<10000x128xf32, #tpu.memory_space<vmem_shared>> -> memref<640x128xf32, #tpu.memory_space<vmem_shared>>
      tpu.enqueue_dma source(%dma_start3A_38 : memref<640x128xf32, #tpu.memory_space<vmem_shared>>) target(%dma_start3A_36 : memref<640x128xf32, #tpu.memory_space<hbm>>) target_semaphore(%run_scoped3A : memref<!tpu.dma_semaphore, #tpu.memory_space<semaphore_mem>>)
      %dma_wait3A = arith.constant 0 : i32
      %dma_wait3A_39 = tpu.memref_slice %arg3[%arg0, %mul3A_34, %dma_wait3A] : memref<2x10000x128xf32, #tpu.memory_space<hbm>> -> memref<1x640x128xf32, #tpu.memory_space<hbm>>
      %dma_wait3A_40 = tpu.memref_squeeze %dma_wait3A_39 : memref<1x640x128xf32, #tpu.memory_space<hbm>> -> memref<640x128xf32, #tpu.memory_space<hbm>>
      %dma_wait3A_41 = arith.constant 0 : i32
      %dma_wait3A_42 = tpu.memref_slice %arg7[%mul3A_32, %dma_wait3A_41] : memref<10000x128xf32, #tpu.memory_space<vmem_shared>> -> memref<640x128xf32, #tpu.memory_space<vmem_shared>>
      tpu.wait_dma2 semaphore(%run_scoped3A : memref<!tpu.dma_semaphore, #tpu.memory_space<semaphore_mem>>) src(%dma_wait3A_42 : memref<640x128xf32, #tpu.memory_space<vmem_shared>>) dst(%dma_wait3A_40 : memref<640x128xf32, #tpu.memory_space<hbm>>)
      tpu.yield
    }) : () -> ()
    return
  }
}

#map = affine_map<(d0, d1) -> (0, 0)>
#map1 = affine_map<(d0, d1) -> (0, 0, 0)>
module attributes {stable_mosaic.version = 14 : i64} {
  func.func @_g(%arg0: i32, %arg1: i32, %arg2: memref<10000x128xf32, #tpu.memory_space<hbm>>, %arg3: memref<32x80x125xi32, #tpu.memory_space<hbm>>, %arg4: memref<32x80x125xi32, #tpu.memory_space<hbm>>, %arg5: memref<2x10000x128xf32, #tpu.memory_space<hbm>>, %arg6: memref<40x125xi32, #tpu.memory_space<vmem>>, %arg7: memref<40x125xi32, #tpu.memory_space<vmem>>, %arg8: memref<125x128xf32, #tpu.memory_space<vmem>>, %arg9: memref<125x128xf32, #tpu.memory_space<vmem>>, %arg10: memref<40x128xf32, #tpu.memory_space<vmem>>, %arg11: memref<10000x128xf32, #tpu.memory_space<vmem_shared>>, %arg12: memref<!tpu.dma_semaphore, #tpu.memory_space<semaphore_mem>>, %arg13: memref<!tpu.dma_semaphore, #tpu.memory_space<semaphore_mem>>) attributes {dimension_semantics = [#tpu.dimension_semantics<core_parallel>, #tpu.dimension_semantics<subcore_parallel>], iteration_bounds = array<i64: 2, 16>, scalar_prefetch = 0 : i64, scratch_operands = 8 : i64, tpu.core_type = #tpu.core_type<sc_vector_subcore>, window_params = [{transform_indices = #map}, {transform_indices = #map1}, {transform_indices = #map1}, {transform_indices = #map1}]} {
    %mul3A = arith.constant 16 : i32
    %mul3A_0 = arith.muli %arg0, %mul3A : i32
    %add3A = arith.addi %mul3A_0, %arg1 : i32
    %scan3A = arith.constant 0 : i32
    %scan3A_1 = arith.constant 0 : i32
    %scan3A_2 = arith.constant 320 : i32
    %scan3A_3 = arith.addi %scan3A_1, %scan3A_2 : i32
    %scan3A_4 = arith.constant 1 : i32
    scf.for %scan3A_23 = %scan3A_1 to %scan3A_3 step %scan3A_4  : i32 {
      %broadcast_in_dim3A = arith.constant 0.000000e+00 : f32
      %broadcast_in_dim3A_24 = vector.broadcast %broadcast_in_dim3A : f32 to vector<16xf32>
      %jit3A = arith.constant 8 : i32
      %div3A = arith.divsi %scan3A_23, %jit3A : i32
      %sign3A = arith.constant 0 : i32
      %sign3A_25 = arith.cmpi sgt, %scan3A_23, %sign3A : i32
      %sign3A_26 = arith.extui %sign3A_25 : i1 to i32
      %sign3A_27 = arith.constant 0 : i32
      %sign3A_28 = arith.cmpi slt, %scan3A_23, %sign3A_27 : i32
      %sign3A_29 = arith.extui %sign3A_28 : i1 to i32
      %sign3A_30 = arith.subi %sign3A_26, %sign3A_29 : i32
      %sign3A_31 = arith.constant 0 : i32
      %sign3A_32 = arith.cmpi sgt, %jit3A, %sign3A_31 : i32
      %sign3A_33 = arith.extui %sign3A_32 : i1 to i32
      %sign3A_34 = arith.constant 0 : i32
      %sign3A_35 = arith.cmpi slt, %jit3A, %sign3A_34 : i32
      %sign3A_36 = arith.extui %sign3A_35 : i1 to i32
      %sign3A_37 = arith.subi %sign3A_33, %sign3A_36 : i32
      %ne3A = arith.cmpi ne, %sign3A_30, %sign3A_37 : i32
      %rem3A = arith.remsi %scan3A_23, %jit3A : i32
      %ne3A_38 = arith.constant 0 : i32
      %ne3A_39 = arith.cmpi ne, %rem3A, %ne3A_38 : i32
      %and3A = arith.andi %ne3A, %ne3A_39 : i1
      %sub3A = arith.constant 1 : i32
      %sub3A_40 = arith.subi %div3A, %sub3A : i32
      %select_n3A = arith.select %and3A, %sub3A_40, %div3A : i32
      %jit3A_41 = arith.constant 8 : i32
      %eq3A = arith.constant 0 : i32
      %eq3A_42 = arith.cmpi eq, %jit3A_41, %eq3A : i32
      %jit3A_43 = arith.constant 1 : i32
      %select_n3A_44 = arith.select %eq3A_42, %jit3A_43, %jit3A_41 : i32
      %rem3A_45 = arith.remsi %scan3A_23, %select_n3A_44 : i32
      %ne3A_46 = arith.constant 0 : i32
      %ne3A_47 = arith.cmpi ne, %rem3A_45, %ne3A_46 : i32
      %lt3A = arith.constant 0 : i32
      %lt3A_48 = arith.cmpi slt, %rem3A_45, %lt3A : i32
      %lt3A_49 = arith.constant 0 : i32
      %lt3A_50 = arith.cmpi slt, %select_n3A_44, %lt3A_49 : i32
      %ne3A_51 = arith.xori %lt3A_48, %lt3A_50 : i1
      %and3A_52 = arith.andi %ne3A_51, %ne3A_47 : i1
      %add3A_53 = arith.addi %rem3A_45, %select_n3A_44 : i32
      %select_n3A_54 = arith.select %and3A_52, %add3A_53, %rem3A_45 : i32
      %mul3A_55 = arith.constant 16 : i32
      %mul3A_56 = arith.muli %select_n3A_54, %mul3A_55 : i32
      %swap3A = arith.index_cast %select_n3A : i32 to index
      %swap3A_57 = arith.index_cast %mul3A_56 : i32 to index
      %swap3A_58 = tpu.vector_load %arg10[%swap3A, %swap3A_57] {strides = array<i32>} : memref<40x128xf32, #tpu.memory_space<vmem>>, vector<1x16xf32>,
      %swap3A_59 = vector.shape_cast %swap3A_58 : vector<1x16xf32> to vector<16xf32>
      %swap3A_60 = vector.shape_cast %broadcast_in_dim3A_24 : vector<16xf32> to vector<1x16xf32>
      tpu.vector_store %arg10[%swap3A, %swap3A_57], %swap3A_60 {strides = array<i32>} : memref<40x128xf32, #tpu.memory_space<vmem>>, vector<1x16xf32>,
    }
    %scan3A_5 = arith.constant 320 : i32
    %scan3A_6 = arith.constant 0 : i32
    %scan3A_7 = arith.constant 0 : i32
    %scan3A_8 = arith.constant 16 : i32
    %scan3A_9 = arith.addi %scan3A_7, %scan3A_8 : i32
    %scan3A_10 = arith.constant 1 : i32
    scf.for %scan3A_23 = %scan3A_7 to %scan3A_9 step %scan3A_10  : i32 {
      %mul3A_24 = arith.constant 624 : i32
      %mul3A_25 = arith.muli %arg1, %mul3A_24 : i32
      %mul3A_26 = arith.constant 40 : i32
      %mul3A_27 = arith.muli %scan3A_23, %mul3A_26 : i32
      %add3A_28 = arith.addi %mul3A_25, %mul3A_27 : i32
      "tpu.region"() ({
        %run_scoped3A = tpu.sem_alloc : memref<!tpu.dma_semaphore, #tpu.memory_space<semaphore_mem>>
        %dma_start3A = arith.constant 0 : i32
        %dma_start3A_29 = tpu.memref_slice %arg11[%add3A_28, %dma_start3A] : memref<10000x128xf32, #tpu.memory_space<vmem_shared>> -> memref<40x128xf32, #tpu.memory_space<vmem_shared>>
        %dma_start3A_30 = arith.constant 0 : i32
        %dma_start3A_31 = tpu.memref_slice %arg11[%add3A_28, %dma_start3A_30] : memref<10000x128xf32, #tpu.memory_space<vmem_shared>> -> memref<40x128xf32, #tpu.memory_space<vmem_shared>>
        tpu.enqueue_dma source(%arg10 : memref<40x128xf32, #tpu.memory_space<vmem>>) target(%dma_start3A_31 : memref<40x128xf32, #tpu.memory_space<vmem_shared>>) target_semaphore(%run_scoped3A : memref<!tpu.dma_semaphore, #tpu.memory_space<semaphore_mem>>)
        %dma_wait3A = arith.constant 0 : i32
        %dma_wait3A_32 = tpu.memref_slice %arg11[%add3A_28, %dma_wait3A] : memref<10000x128xf32, #tpu.memory_space<vmem_shared>> -> memref<40x128xf32, #tpu.memory_space<vmem_shared>>
        %dma_wait3A_33 = arith.constant 0 : i32
        %dma_wait3A_34 = tpu.memref_slice %arg11[%add3A_28, %dma_wait3A_33] : memref<10000x128xf32, #tpu.memory_space<vmem_shared>> -> memref<40x128xf32, #tpu.memory_space<vmem_shared>>
        tpu.wait_dma2 semaphore(%run_scoped3A : memref<!tpu.dma_semaphore, #tpu.memory_space<semaphore_mem>>) src(%arg10 : memref<40x128xf32, #tpu.memory_space<vmem>>) dst(%dma_wait3A_34 : memref<40x128xf32, #tpu.memory_space<vmem_shared>>)
        tpu.yield
      }) : () -> ()
    }
    %scan3A_11 = arith.constant 16 : i32
    %barrier3A = arith.constant 0 : index
    tpu.barrier barrier_id(%barrier3A)
    %scan3A_12 = arith.constant 0 : i32
    %scan3A_13 = arith.constant 0 : i32
    %scan3A_14 = arith.constant 2 : i32
    %scan3A_15 = arith.addi %scan3A_13, %scan3A_14 : i32
    %scan3A_16 = arith.constant 1 : i32
    scf.for %scan3A_23 = %scan3A_13 to %scan3A_15 step %scan3A_16  : i32 {
      %mul3A_24 = arith.constant 40 : i32
      %mul3A_25 = arith.muli %scan3A_23, %mul3A_24 : i32
      "tpu.region"() ({
        %run_scoped3A = tpu.sem_alloc : memref<!tpu.dma_semaphore, #tpu.memory_space<semaphore_mem>>
        %dma_start3A_38 = arith.constant 0 : i32
        %dma_start3A_39 = tpu.memref_slice %arg3[%add3A, %mul3A_25, %dma_start3A_38] : memref<32x80x125xi32, #tpu.memory_space<hbm>> -> memref<1x40x125xi32, #tpu.memory_space<hbm>>
        %dma_start3A_40 = tpu.memref_squeeze %dma_start3A_39 : memref<1x40x125xi32, #tpu.memory_space<hbm>> -> memref<40x125xi32, #tpu.memory_space<hbm>>
        %dma_start3A_41 = arith.constant 0 : i32
        %dma_start3A_42 = tpu.memref_slice %arg3[%add3A, %mul3A_25, %dma_start3A_41] : memref<32x80x125xi32, #tpu.memory_space<hbm>> -> memref<1x40x125xi32, #tpu.memory_space<hbm>>
        %dma_start3A_43 = tpu.memref_squeeze %dma_start3A_42 : memref<1x40x125xi32, #tpu.memory_space<hbm>> -> memref<40x125xi32, #tpu.memory_space<hbm>>
        tpu.enqueue_dma source(%dma_start3A_43 : memref<40x125xi32, #tpu.memory_space<hbm>>) target(%arg6 : memref<40x125xi32, #tpu.memory_space<vmem>>) target_semaphore(%run_scoped3A : memref<!tpu.dma_semaphore, #tpu.memory_space<semaphore_mem>>)
        %dma_wait3A = arith.constant 0 : i32
        %dma_wait3A_44 = tpu.memref_slice %arg3[%add3A, %mul3A_25, %dma_wait3A] : memref<32x80x125xi32, #tpu.memory_space<hbm>> -> memref<1x40x125xi32, #tpu.memory_space<hbm>>
        %dma_wait3A_45 = tpu.memref_squeeze %dma_wait3A_44 : memref<1x40x125xi32, #tpu.memory_space<hbm>> -> memref<40x125xi32, #tpu.memory_space<hbm>>
        %dma_wait3A_46 = arith.constant 0 : i32
        %dma_wait3A_47 = tpu.memref_slice %arg3[%add3A, %mul3A_25, %dma_wait3A_46] : memref<32x80x125xi32, #tpu.memory_space<hbm>> -> memref<1x40x125xi32, #tpu.memory_space<hbm>>
        %dma_wait3A_48 = tpu.memref_squeeze %dma_wait3A_47 : memref<1x40x125xi32, #tpu.memory_space<hbm>> -> memref<40x125xi32, #tpu.memory_space<hbm>>
        tpu.wait_dma2 semaphore(%run_scoped3A : memref<!tpu.dma_semaphore, #tpu.memory_space<semaphore_mem>>) src(%dma_wait3A_48 : memref<40x125xi32, #tpu.memory_space<hbm>>) dst(%arg6 : memref<40x125xi32, #tpu.memory_space<vmem>>)
        tpu.yield
      }) : () -> ()
      "tpu.region"() ({
        %run_scoped3A = tpu.sem_alloc : memref<!tpu.dma_semaphore, #tpu.memory_space<semaphore_mem>>
        %dma_start3A_38 = arith.constant 0 : i32
        %dma_start3A_39 = tpu.memref_slice %arg4[%add3A, %mul3A_25, %dma_start3A_38] : memref<32x80x125xi32, #tpu.memory_space<hbm>> -> memref<1x40x125xi32, #tpu.memory_space<hbm>>
        %dma_start3A_40 = tpu.memref_squeeze %dma_start3A_39 : memref<1x40x125xi32, #tpu.memory_space<hbm>> -> memref<40x125xi32, #tpu.memory_space<hbm>>
        %dma_start3A_41 = arith.constant 0 : i32
        %dma_start3A_42 = tpu.memref_slice %arg4[%add3A, %mul3A_25, %dma_start3A_41] : memref<32x80x125xi32, #tpu.memory_space<hbm>> -> memref<1x40x125xi32, #tpu.memory_space<hbm>>
        %dma_start3A_43 = tpu.memref_squeeze %dma_start3A_42 : memref<1x40x125xi32, #tpu.memory_space<hbm>> -> memref<40x125xi32, #tpu.memory_space<hbm>>
        tpu.enqueue_dma source(%dma_start3A_43 : memref<40x125xi32, #tpu.memory_space<hbm>>) target(%arg7 : memref<40x125xi32, #tpu.memory_space<vmem>>) target_semaphore(%run_scoped3A : memref<!tpu.dma_semaphore, #tpu.memory_space<semaphore_mem>>)
        %dma_wait3A = arith.constant 0 : i32
        %dma_wait3A_44 = tpu.memref_slice %arg4[%add3A, %mul3A_25, %dma_wait3A] : memref<32x80x125xi32, #tpu.memory_space<hbm>> -> memref<1x40x125xi32, #tpu.memory_space<hbm>>
        %dma_wait3A_45 = tpu.memref_squeeze %dma_wait3A_44 : memref<1x40x125xi32, #tpu.memory_space<hbm>> -> memref<40x125xi32, #tpu.memory_space<hbm>>
        %dma_wait3A_46 = arith.constant 0 : i32
        %dma_wait3A_47 = tpu.memref_slice %arg4[%add3A, %mul3A_25, %dma_wait3A_46] : memref<32x80x125xi32, #tpu.memory_space<hbm>> -> memref<1x40x125xi32, #tpu.memory_space<hbm>>
        %dma_wait3A_48 = tpu.memref_squeeze %dma_wait3A_47 : memref<1x40x125xi32, #tpu.memory_space<hbm>> -> memref<40x125xi32, #tpu.memory_space<hbm>>
        tpu.wait_dma2 semaphore(%run_scoped3A : memref<!tpu.dma_semaphore, #tpu.memory_space<semaphore_mem>>) src(%dma_wait3A_48 : memref<40x125xi32, #tpu.memory_space<hbm>>) dst(%arg7 : memref<40x125xi32, #tpu.memory_space<vmem>>)
        tpu.yield
      }) : () -> ()
      %dma_start3A = arith.constant 0 : i32
      %dma_start3A_26 = arith.constant 0 : i32
      %dma_start3A_27 = tpu.memref_slice %arg6[%dma_start3A, %dma_start3A_26] : memref<40x125xi32, #tpu.memory_space<vmem>> -> memref<1x125xi32, #tpu.memory_space<vmem>>
      %dma_start3A_28 = tpu.memref_squeeze %dma_start3A_27 : memref<1x125xi32, #tpu.memory_space<vmem>> -> memref<125xi32, #tpu.memory_space<vmem>>
      %dma_start3A_29 = arith.constant 0 : i32
      %dma_start3A_30 = arith.constant 0 : i32
      %dma_start3A_31 = tpu.memref_slice %arg2[%dma_start3A_29, %dma_start3A_30] : memref<10000x128xf32, #tpu.memory_space<hbm>> -> memref<10000x128xf32, #tpu.memory_space<hbm>>
      tpu.enqueue_indirect_dma source(%dma_start3A_31 : memref<10000x128xf32, #tpu.memory_space<hbm>>) target(%arg8 : memref<125x128xf32, #tpu.memory_space<vmem>>) offsets(%dma_start3A_28 : memref<125xi32, #tpu.memory_space<vmem>>) semaphore(%arg12 : memref<!tpu.dma_semaphore, #tpu.memory_space<semaphore_mem>>)
      %scan3A_32 = arith.constant 0 : i32
      %scan3A_33 = arith.constant 0 : i32
      %scan3A_34 = arith.constant 20 : i32
      %scan3A_35 = arith.addi %scan3A_33, %scan3A_34 : i32
      %scan3A_36 = arith.constant 1 : i32
      scf.for %scan3A_38 = %scan3A_33 to %scan3A_35 step %scan3A_36  : i32 {
        %mul3A_39 = arith.constant 2 : i32
        %mul3A_40 = arith.muli %mul3A_39, %scan3A_38 : i32
        %dma_wait3A = arith.constant 0 : i32
        %dma_wait3A_41 = tpu.memref_slice %arg6[%mul3A_40, %dma_wait3A] : memref<40x125xi32, #tpu.memory_space<vmem>> -> memref<1x125xi32, #tpu.memory_space<vmem>>
        %dma_wait3A_42 = tpu.memref_squeeze %dma_wait3A_41 : memref<1x125xi32, #tpu.memory_space<vmem>> -> memref<125xi32, #tpu.memory_space<vmem>>
        %dma_wait3A_43 = arith.constant 0 : i32
        %dma_wait3A_44 = arith.constant 0 : i32
        %dma_wait3A_45 = tpu.memref_slice %arg2[%dma_wait3A_43, %dma_wait3A_44] : memref<10000x128xf32, #tpu.memory_space<hbm>> -> memref<10000x128xf32, #tpu.memory_space<hbm>>
        tpu.wait_indirect_dma semaphore(%arg12 : memref<!tpu.dma_semaphore, #tpu.memory_space<semaphore_mem>>) src(%dma_wait3A_45 : memref<10000x128xf32, #tpu.memory_space<hbm>>) dst(%arg8 : memref<125x128xf32, #tpu.memory_space<vmem>>)
        %add3A_46 = arith.constant 1 : i32
        %add3A_47 = arith.addi %mul3A_40, %add3A_46 : i32
        %dma_start3A_48 = arith.constant 0 : i32
        %dma_start3A_49 = tpu.memref_slice %arg6[%add3A_47, %dma_start3A_48] : memref<40x125xi32, #tpu.memory_space<vmem>> -> memref<1x125xi32, #tpu.memory_space<vmem>>
        %dma_start3A_50 = tpu.memref_squeeze %dma_start3A_49 : memref<1x125xi32, #tpu.memory_space<vmem>> -> memref<125xi32, #tpu.memory_space<vmem>>
        %dma_start3A_51 = arith.constant 0 : i32
        %dma_start3A_52 = arith.constant 0 : i32
        %dma_start3A_53 = tpu.memref_slice %arg2[%dma_start3A_51, %dma_start3A_52] : memref<10000x128xf32, #tpu.memory_space<hbm>> -> memref<10000x128xf32, #tpu.memory_space<hbm>>
        tpu.enqueue_indirect_dma source(%dma_start3A_53 : memref<10000x128xf32, #tpu.memory_space<hbm>>) target(%arg9 : memref<125x128xf32, #tpu.memory_space<vmem>>) offsets(%dma_start3A_50 : memref<125xi32, #tpu.memory_space<vmem>>) semaphore(%arg13 : memref<!tpu.dma_semaphore, #tpu.memory_space<semaphore_mem>>)
        "tpu.region"() ({
          %run_scoped3A = tpu.sem_alloc : memref<!tpu.dma_semaphore, #tpu.memory_space<semaphore_mem>>
          %dma_start3A_66 = arith.constant 0 : i32
          %dma_start3A_67 = tpu.memref_slice %arg7[%mul3A_40, %dma_start3A_66] : memref<40x125xi32, #tpu.memory_space<vmem>> -> memref<1x125xi32, #tpu.memory_space<vmem>>
          %dma_start3A_68 = tpu.memref_squeeze %dma_start3A_67 : memref<1x125xi32, #tpu.memory_space<vmem>> -> memref<125xi32, #tpu.memory_space<vmem>>
          %dma_start3A_69 = arith.constant 0 : i32
          %dma_start3A_70 = arith.constant 0 : i32
          %dma_start3A_71 = tpu.memref_slice %arg11[%dma_start3A_69, %dma_start3A_70] : memref<10000x128xf32, #tpu.memory_space<vmem_shared>> -> memref<10000x128xf32, #tpu.memory_space<vmem_shared>>
          tpu.enqueue_indirect_dma source(%arg8 : memref<125x128xf32, #tpu.memory_space<vmem>>) target(%dma_start3A_71 : memref<10000x128xf32, #tpu.memory_space<vmem_shared>>) offsets(%dma_start3A_68 : memref<125xi32, #tpu.memory_space<vmem>>) semaphore(%run_scoped3A : memref<!tpu.dma_semaphore, #tpu.memory_space<semaphore_mem>>) {add = true}
          %dma_wait3A_72 = arith.constant 0 : i32
          %dma_wait3A_73 = tpu.memref_slice %arg7[%mul3A_40, %dma_wait3A_72] : memref<40x125xi32, #tpu.memory_space<vmem>> -> memref<1x125xi32, #tpu.memory_space<vmem>>
          %dma_wait3A_74 = tpu.memref_squeeze %dma_wait3A_73 : memref<1x125xi32, #tpu.memory_space<vmem>> -> memref<125xi32, #tpu.memory_space<vmem>>
          %dma_wait3A_75 = arith.constant 0 : i32
          %dma_wait3A_76 = arith.constant 0 : i32
          %dma_wait3A_77 = tpu.memref_slice %arg11[%dma_wait3A_75, %dma_wait3A_76] : memref<10000x128xf32, #tpu.memory_space<vmem_shared>> -> memref<10000x128xf32, #tpu.memory_space<vmem_shared>>
          tpu.wait_indirect_dma semaphore(%run_scoped3A : memref<!tpu.dma_semaphore, #tpu.memory_space<semaphore_mem>>) src(%arg8 : memref<125x128xf32, #tpu.memory_space<vmem>>) dst(%dma_wait3A_77 : memref<10000x128xf32, #tpu.memory_space<vmem_shared>>)
          tpu.yield
        }) : () -> ()
        %add3A_54 = arith.constant 1 : i32
        %add3A_55 = arith.addi %mul3A_40, %add3A_54 : i32
        %dma_wait3A_56 = arith.constant 0 : i32
        %dma_wait3A_57 = tpu.memref_slice %arg6[%add3A_55, %dma_wait3A_56] : memref<40x125xi32, #tpu.memory_space<vmem>> -> memref<1x125xi32, #tpu.memory_space<vmem>>
        %dma_wait3A_58 = tpu.memref_squeeze %dma_wait3A_57 : memref<1x125xi32, #tpu.memory_space<vmem>> -> memref<125xi32, #tpu.memory_space<vmem>>
        %dma_wait3A_59 = arith.constant 0 : i32
        %dma_wait3A_60 = arith.constant 0 : i32
        %dma_wait3A_61 = tpu.memref_slice %arg2[%dma_wait3A_59, %dma_wait3A_60] : memref<10000x128xf32, #tpu.memory_space<hbm>> -> memref<10000x128xf32, #tpu.memory_space<hbm>>
        tpu.wait_indirect_dma semaphore(%arg13 : memref<!tpu.dma_semaphore, #tpu.memory_space<semaphore_mem>>) src(%dma_wait3A_61 : memref<10000x128xf32, #tpu.memory_space<hbm>>) dst(%arg9 : memref<125x128xf32, #tpu.memory_space<vmem>>)
        %lt3A = arith.constant 19 : i32
        %lt3A_62 = arith.cmpi slt, %scan3A_38, %lt3A : i32
        %convert_element_type3A = arith.extui %lt3A_62 : i1 to i32
        %cond3A = arith.constant 0 : i32
        %cond3A_63 = arith.cmpi ne, %convert_element_type3A, %cond3A : i32
        scf.if %cond3A_63 {
          %add3A_66 = arith.constant 2 : i32
          %add3A_67 = arith.addi %mul3A_40, %add3A_66 : i32
          %dma_start3A_68 = arith.constant 0 : i32
          %dma_start3A_69 = tpu.memref_slice %arg6[%add3A_67, %dma_start3A_68] : memref<40x125xi32, #tpu.memory_space<vmem>> -> memref<1x125xi32, #tpu.memory_space<vmem>>
          %dma_start3A_70 = tpu.memref_squeeze %dma_start3A_69 : memref<1x125xi32, #tpu.memory_space<vmem>> -> memref<125xi32, #tpu.memory_space<vmem>>
          %dma_start3A_71 = arith.constant 0 : i32
          %dma_start3A_72 = arith.constant 0 : i32
          %dma_start3A_73 = tpu.memref_slice %arg2[%dma_start3A_71, %dma_start3A_72] : memref<10000x128xf32, #tpu.memory_space<hbm>> -> memref<10000x128xf32, #tpu.memory_space<hbm>>
          tpu.enqueue_indirect_dma source(%dma_start3A_73 : memref<10000x128xf32, #tpu.memory_space<hbm>>) target(%arg8 : memref<125x128xf32, #tpu.memory_space<vmem>>) offsets(%dma_start3A_70 : memref<125xi32, #tpu.memory_space<vmem>>) semaphore(%arg12 : memref<!tpu.dma_semaphore, #tpu.memory_space<semaphore_mem>>)
        } else {
        }
        %add3A_64 = arith.constant 1 : i32
        %add3A_65 = arith.addi %mul3A_40, %add3A_64 : i32
        "tpu.region"() ({
          %run_scoped3A = tpu.sem_alloc : memref<!tpu.dma_semaphore, #tpu.memory_space<semaphore_mem>>
          %dma_start3A_66 = arith.constant 0 : i32
          %dma_start3A_67 = tpu.memref_slice %arg7[%add3A_65, %dma_start3A_66] : memref<40x125xi32, #tpu.memory_space<vmem>> -> memref<1x125xi32, #tpu.memory_space<vmem>>
          %dma_start3A_68 = tpu.memref_squeeze %dma_start3A_67 : memref<1x125xi32, #tpu.memory_space<vmem>> -> memref<125xi32, #tpu.memory_space<vmem>>
          %dma_start3A_69 = arith.constant 0 : i32
          %dma_start3A_70 = arith.constant 0 : i32
          %dma_start3A_71 = tpu.memref_slice %arg11[%dma_start3A_69, %dma_start3A_70] : memref<10000x128xf32, #tpu.memory_space<vmem_shared>> -> memref<10000x128xf32, #tpu.memory_space<vmem_shared>>
          tpu.enqueue_indirect_dma source(%arg9 : memref<125x128xf32, #tpu.memory_space<vmem>>) target(%dma_start3A_71 : memref<10000x128xf32, #tpu.memory_space<vmem_shared>>) offsets(%dma_start3A_68 : memref<125xi32, #tpu.memory_space<vmem>>) semaphore(%run_scoped3A : memref<!tpu.dma_semaphore, #tpu.memory_space<semaphore_mem>>) {add = true}
          %dma_wait3A_72 = arith.constant 0 : i32
          %dma_wait3A_73 = tpu.memref_slice %arg7[%add3A_65, %dma_wait3A_72] : memref<40x125xi32, #tpu.memory_space<vmem>> -> memref<1x125xi32, #tpu.memory_space<vmem>>
          %dma_wait3A_74 = tpu.memref_squeeze %dma_wait3A_73 : memref<1x125xi32, #tpu.memory_space<vmem>> -> memref<125xi32, #tpu.memory_space<vmem>>
          %dma_wait3A_75 = arith.constant 0 : i32
          %dma_wait3A_76 = arith.constant 0 : i32
          %dma_wait3A_77 = tpu.memref_slice %arg11[%dma_wait3A_75, %dma_wait3A_76] : memref<10000x128xf32, #tpu.memory_space<vmem_shared>> -> memref<10000x128xf32, #tpu.memory_space<vmem_shared>>
          tpu.wait_indirect_dma semaphore(%run_scoped3A : memref<!tpu.dma_semaphore, #tpu.memory_space<semaphore_mem>>) src(%arg9 : memref<125x128xf32, #tpu.memory_space<vmem>>) dst(%dma_wait3A_77 : memref<10000x128xf32, #tpu.memory_space<vmem_shared>>)
          tpu.yield
        }) : () -> ()
      }
      %scan3A_37 = arith.constant 20 : i32
    }
    %scan3A_17 = arith.constant 2 : i32
    %barrier3A_18 = arith.constant 0 : index
    tpu.barrier barrier_id(%barrier3A_18)
    %mul3A_19 = arith.constant 624 : i32
    %mul3A_20 = arith.muli %arg1, %mul3A_19 : i32
    %mul3A_21 = arith.constant 624 : i32
    %mul3A_22 = arith.muli %arg1, %mul3A_21 : i32
    "tpu.region"() ({
      %run_scoped3A = tpu.sem_alloc : memref<!tpu.dma_semaphore, #tpu.memory_space<semaphore_mem>>
      %dma_start3A = arith.constant 0 : i32
      %dma_start3A_23 = tpu.memref_slice %arg5[%arg0, %mul3A_22, %dma_start3A] : memref<2x10000x128xf32, #tpu.memory_space<hbm>> -> memref<1x640x128xf32, #tpu.memory_space<hbm>>
      %dma_start3A_24 = tpu.memref_squeeze %dma_start3A_23 : memref<1x640x128xf32, #tpu.memory_space<hbm>> -> memref<640x128xf32, #tpu.memory_space<hbm>>
      %dma_start3A_25 = arith.constant 0 : i32
      %dma_start3A_26 = tpu.memref_slice %arg11[%mul3A_20, %dma_start3A_25] : memref<10000x128xf32, #tpu.memory_space<vmem_shared>> -> memref<640x128xf32, #tpu.memory_space<vmem_shared>>
      tpu.enqueue_dma source(%dma_start3A_26 : memref<640x128xf32, #tpu.memory_space<vmem_shared>>) target(%dma_start3A_24 : memref<640x128xf32, #tpu.memory_space<hbm>>) target_semaphore(%run_scoped3A : memref<!tpu.dma_semaphore, #tpu.memory_space<semaphore_mem>>)
      %dma_wait3A = arith.constant 0 : i32
      %dma_wait3A_27 = tpu.memref_slice %arg5[%arg0, %mul3A_22, %dma_wait3A] : memref<2x10000x128xf32, #tpu.memory_space<hbm>> -> memref<1x640x128xf32, #tpu.memory_space<hbm>>
      %dma_wait3A_28 = tpu.memref_squeeze %dma_wait3A_27 : memref<1x640x128xf32, #tpu.memory_space<hbm>> -> memref<640x128xf32, #tpu.memory_space<hbm>>
      %dma_wait3A_29 = arith.constant 0 : i32
      %dma_wait3A_30 = tpu.memref_slice %arg11[%mul3A_20, %dma_wait3A_29] : memref<10000x128xf32, #tpu.memory_space<vmem_shared>> -> memref<640x128xf32, #tpu.memory_space<vmem_shared>>
      tpu.wait_dma2 semaphore(%run_scoped3A : memref<!tpu.dma_semaphore, #tpu.memory_space<semaphore_mem>>) src(%dma_wait3A_30 : memref<640x128xf32, #tpu.memory_space<vmem_shared>>) dst(%dma_wait3A_28 : memref<640x128xf32, #tpu.memory_space<hbm>>)
      tpu.yield
    }) : () -> ()
    return
  }
}

module attributes {stable_mosaic.version = 14 : i64} {
  func.func @_tc_y_body(%arg0: i32, %arg1: memref<2x5000x128xf32, #tpu.memory_space<vmem>>, %arg2: memref<5000x1xf32, #tpu.memory_space<vmem>>, %arg3: memref<5000x128xf32, #tpu.memory_space<vmem>>) attributes {dimension_semantics = [#tpu.dimension_semantics<arbitrary>], iteration_bounds = array<i64: 2>, scalar_prefetch = 0 : i64, scratch_operands = 0 : i64, tpu.core_type = #tpu.core_type<tc>, window_params = [{transform_indices = @transform_0, window_bounds = array<i64: 2, 5000, 128>}, {transform_indices = @transform_1, window_bounds = array<i64: 5000, 1>}, {transform_indices = @transform_2, window_bounds = array<i64: 5000, 128>}]} {
    %get3A = arith.constant 0 : index
    %get3A_0 = arith.constant 0 : index
    %get3A_1 = vector.load %arg2[%get3A, %get3A_0] : memref<5000x1xf32, #tpu.memory_space<vmem>>, vector<5000x1xf32>
    %mul3A = arith.mulf %get3A_1, %get3A_1 : vector<5000x1xf32>
    %get3A_2 = arith.constant 0 : index
    %get3A_3 = arith.constant 0 : index
    %get3A_4 = arith.constant 0 : index
    %get3A_5 = vector.load %arg1[%get3A_2, %get3A_3, %get3A_4] : memref<2x5000x128xf32, #tpu.memory_space<vmem>>, vector<1x5000x128xf32>
    %get3A_6 = vector.shape_cast %get3A_5 : vector<1x5000x128xf32> to vector<5000x128xf32>
    %get3A_7 = arith.constant 1 : index
    %get3A_8 = arith.constant 0 : index
    %get3A_9 = arith.constant 0 : index
    %get3A_10 = vector.load %arg1[%get3A_7, %get3A_8, %get3A_9] : memref<2x5000x128xf32, #tpu.memory_space<vmem>>, vector<1x5000x128xf32>
    %get3A_11 = vector.shape_cast %get3A_10 : vector<1x5000x128xf32> to vector<5000x128xf32>
    %add3A = arith.addf %get3A_6, %get3A_11 : vector<5000x128xf32>
    %mul3A_12 = vector.broadcast %mul3A : vector<5000x1xf32> to vector<5000x128xf32>
    %mul3A_13 = arith.mulf %mul3A_12, %add3A : vector<5000x128xf32>
    %neg3A = arith.constant 0.000000e+00 : f32
    %neg3A_14 = vector.broadcast %neg3A : f32 to vector<5000x128xf32>
    %neg3A_15 = arith.subf %neg3A_14, %mul3A_13 : vector<5000x128xf32>
    %swap3A = arith.constant 0 : index
    %swap3A_16 = arith.constant 0 : index
    %swap3A_17 = vector.load %arg3[%swap3A, %swap3A_16] : memref<5000x128xf32, #tpu.memory_space<vmem>>, vector<5000x128xf32>
    tpu.vector_store %arg3[%swap3A, %swap3A_16], %neg3A_15 {strides = array<i32>} : memref<5000x128xf32, #tpu.memory_space<vmem>>, vector<5000x128xf32>,
    return
  }
  func.func @transform_0(%arg0: i32) -> (i32, i32, i32) {
    %c0_i32 = arith.constant 0 : i32
    %c0_i32_0 = arith.constant 0 : i32
    %c0_i32_1 = arith.constant 0 : i32
    return %c0_i32, %arg0, %c0_i32_0 : i32, i32, i32
  }
  func.func @transform_1(%arg0: i32) -> (i32, i32) {
    %c0_i32 = arith.constant 0 : i32
    %c0_i32_0 = arith.constant 0 : i32
    return %arg0, %c0_i32 : i32, i32
  }
  func.func @transform_2(%arg0: i32) -> (i32, i32) {
    %c0_i32 = arith.constant 0 : i32
    %c0_i32_0 = arith.constant 0 : i32
    return %arg0, %c0_i32 : i32, i32
  }
}

module attributes {stable_mosaic.version = 14 : i64} {
  func.func @_tc_scale_body(%arg0: i32, %arg1: memref<2x5000x1xf32, #tpu.memory_space<vmem>>, %arg2: memref<5000x128xf32, #tpu.memory_space<vmem>>, %arg3: memref<5000x1xf32, #tpu.memory_space<vmem>>, %arg4: memref<5000x128xf32, #tpu.memory_space<vmem>>) attributes {dimension_semantics = [#tpu.dimension_semantics<arbitrary>], iteration_bounds = array<i64: 2>, scalar_prefetch = 0 : i64, scratch_operands = 0 : i64, tpu.core_type = #tpu.core_type<tc>, window_params = [{transform_indices = @transform_0, window_bounds = array<i64: 2, 5000, 1>}, {transform_indices = @transform_1, window_bounds = array<i64: 5000, 128>}, {transform_indices = @transform_2, window_bounds = array<i64: 5000, 1>}, {transform_indices = @transform_3, window_bounds = array<i64: 5000, 128>}]} {
    %get3A = arith.constant 0 : index
    %get3A_0 = arith.constant 0 : index
    %get3A_1 = arith.constant 0 : index
    %get3A_2 = vector.load %arg1[%get3A, %get3A_0, %get3A_1] : memref<2x5000x1xf32, #tpu.memory_space<vmem>>, vector<1x5000x1xf32>
    %get3A_3 = vector.shape_cast %get3A_2 : vector<1x5000x1xf32> to vector<5000x1xf32>
    %get3A_4 = arith.constant 1 : index
    %get3A_5 = arith.constant 0 : index
    %get3A_6 = arith.constant 0 : index
    %get3A_7 = vector.load %arg1[%get3A_4, %get3A_5, %get3A_6] : memref<2x5000x1xf32, #tpu.memory_space<vmem>>, vector<1x5000x1xf32>
    %get3A_8 = vector.shape_cast %get3A_7 : vector<1x5000x1xf32> to vector<5000x1xf32>
    %add3A = arith.addf %get3A_3, %get3A_8 : vector<5000x1xf32>
    %gt3A = arith.constant 0.000000e+00 : f32
    %gt3A_9 = vector.broadcast %gt3A : f32 to vector<5000x1xf32>
    %gt3A_10 = arith.cmpf ogt, %add3A, %gt3A_9 : vector<5000x1xf32>
    %gt3A_11 = arith.constant 0.000000e+00 : f32
    %gt3A_12 = vector.broadcast %gt3A_11 : f32 to vector<5000x1xf32>
    %gt3A_13 = arith.cmpf ogt, %add3A, %gt3A_12 : vector<5000x1xf32>
    %jit3A = arith.constant 1.000000e+00 : f32
    %broadcast_in_dim3A = vector.broadcast %jit3A : f32 to vector<5000x1xf32>
    %select_n3A = arith.select %gt3A_13, %add3A, %broadcast_in_dim3A : vector<5000x1xi1>, vector<5000x1xf32>
    %rsqrt3A = math.rsqrt %select_n3A : vector<5000x1xf32>
    %jit3A_14 = arith.constant 0.000000e+00 : f32
    %broadcast_in_dim3A_15 = vector.broadcast %jit3A_14 : f32 to vector<5000x1xf32>
    %select_n3A_16 = arith.select %gt3A_10, %rsqrt3A, %broadcast_in_dim3A_15 : vector<5000x1xi1>, vector<5000x1xf32>
    %swap3A = arith.constant 0 : index
    %swap3A_17 = arith.constant 0 : index
    %swap3A_18 = vector.load %arg3[%swap3A, %swap3A_17] : memref<5000x1xf32, #tpu.memory_space<vmem>>, vector<5000x1xf32>
    tpu.vector_store %arg3[%swap3A, %swap3A_17], %select_n3A_16 {strides = array<i32>} : memref<5000x1xf32, #tpu.memory_space<vmem>>, vector<5000x1xf32>,
    %get3A_19 = arith.constant 0 : index
    %get3A_20 = arith.constant 0 : index
    %get3A_21 = vector.load %arg2[%get3A_19, %get3A_20] : memref<5000x128xf32, #tpu.memory_space<vmem>>, vector<5000x128xf32>
    %mul3A = vector.broadcast %select_n3A_16 : vector<5000x1xf32> to vector<5000x128xf32>
    %mul3A_22 = arith.mulf %get3A_21, %mul3A : vector<5000x128xf32>
    %swap3A_23 = arith.constant 0 : index
    %swap3A_24 = arith.constant 0 : index
    %swap3A_25 = vector.load %arg4[%swap3A_23, %swap3A_24] : memref<5000x128xf32, #tpu.memory_space<vmem>>, vector<5000x128xf32>
    tpu.vector_store %arg4[%swap3A_23, %swap3A_24], %mul3A_22 {strides = array<i32>} : memref<5000x128xf32, #tpu.memory_space<vmem>>, vector<5000x128xf32>,
    return
  }
  func.func @transform_0(%arg0: i32) -> (i32, i32, i32) {
    %c0_i32 = arith.constant 0 : i32
    %c0_i32_0 = arith.constant 0 : i32
    %c0_i32_1 = arith.constant 0 : i32
    return %c0_i32, %arg0, %c0_i32_0 : i32, i32, i32
  }
  func.func @transform_1(%arg0: i32) -> (i32, i32) {
    %c0_i32 = arith.constant 0 : i32
    %c0_i32_0 = arith.constant 0 : i32
    return %arg0, %c0_i32 : i32, i32
  }
  func.func @transform_2(%arg0: i32) -> (i32, i32) {
    %c0_i32 = arith.constant 0 : i32
    %c0_i32_0 = arith.constant 0 : i32
    return %arg0, %c0_i32 : i32, i32
  }
  func.func @transform_3(%arg0: i32) -> (i32, i32) {
    %c0_i32 = arith.constant 0 : i32
    %c0_i32_0 = arith.constant 0 : i32
    return %arg0, %c0_i32 : i32, i32
  }
}

module attributes {stable_mosaic.version = 14 : i64} {
  func.func @_tc_outp_body(%arg0: i32, %arg1: memref<2x5000x128xf32, #tpu.memory_space<vmem>>, %arg2: memref<5000x1xf32, #tpu.memory_space<vmem>>, %arg3: memref<5000x128xf32, #tpu.memory_space<vmem>>, %arg4: memref<3x128x128xf32, #tpu.memory_space<vmem>>, %arg5: memref<5000x128xf32, #tpu.memory_space<vmem>>) attributes {dimension_semantics = [#tpu.dimension_semantics<arbitrary>], iteration_bounds = array<i64: 2>, scalar_prefetch = 0 : i64, scratch_operands = 0 : i64, tpu.core_type = #tpu.core_type<tc>, window_params = [{transform_indices = @transform_0, window_bounds = array<i64: 2, 5000, 128>}, {transform_indices = @transform_1, window_bounds = array<i64: 5000, 1>}, {transform_indices = @transform_2, window_bounds = array<i64: 5000, 128>}, {pipeline_mode = #tpu.pipeline_mode<synchronous>, transform_indices = @transform_3, window_bounds = array<i64: 3, 128, 128>}, {transform_indices = @transform_4, window_bounds = array<i64: 5000, 128>}]} {
    %get3A = arith.constant 0 : index
    %get3A_0 = arith.constant 0 : index
    %get3A_1 = vector.load %arg2[%get3A, %get3A_0] : memref<5000x1xf32, #tpu.memory_space<vmem>>, vector<5000x1xf32>
    %get3A_2 = arith.constant 0 : index
    %get3A_3 = arith.constant 0 : index
    %get3A_4 = arith.constant 0 : index
    %get3A_5 = vector.load %arg1[%get3A_2, %get3A_3, %get3A_4] : memref<2x5000x128xf32, #tpu.memory_space<vmem>>, vector<1x5000x128xf32>
    %get3A_6 = vector.shape_cast %get3A_5 : vector<1x5000x128xf32> to vector<5000x128xf32>
    %get3A_7 = arith.constant 1 : index
    %get3A_8 = arith.constant 0 : index
    %get3A_9 = arith.constant 0 : index
    %get3A_10 = vector.load %arg1[%get3A_7, %get3A_8, %get3A_9] : memref<2x5000x128xf32, #tpu.memory_space<vmem>>, vector<1x5000x128xf32>
    %get3A_11 = vector.shape_cast %get3A_10 : vector<1x5000x128xf32> to vector<5000x128xf32>
    %add3A = arith.addf %get3A_6, %get3A_11 : vector<5000x128xf32>
    %mul3A = vector.broadcast %get3A_1 : vector<5000x1xf32> to vector<5000x128xf32>
    %mul3A_12 = arith.mulf %mul3A, %add3A : vector<5000x128xf32>
    %neg3A = arith.constant 0.000000e+00 : f32
    %neg3A_13 = vector.broadcast %neg3A : f32 to vector<5000x128xf32>
    %neg3A_14 = arith.subf %neg3A_13, %mul3A_12 : vector<5000x128xf32>
    %get3A_15 = arith.constant 0 : index
    %get3A_16 = arith.constant 0 : index
    %get3A_17 = vector.load %arg3[%get3A_15, %get3A_16] : memref<5000x128xf32, #tpu.memory_space<vmem>>, vector<5000x128xf32>
    %get3A_18 = arith.constant 0 : index
    %get3A_19 = arith.constant 0 : index
    %get3A_20 = arith.constant 0 : index
    %get3A_21 = vector.load %arg4[%get3A_18, %get3A_19, %get3A_20] : memref<3x128x128xf32, #tpu.memory_space<vmem>>, vector<1x128x128xf32>
    %get3A_22 = vector.shape_cast %get3A_21 : vector<1x128x128xf32> to vector<128x128xf32>
    %dot_general3A = arith.constant dense<0.000000e+00> : vector<5000x128xf32>
    %dot_general3A_23 = tpu.matmul %get3A_17, %get3A_22, %dot_general3A {dimension_numbers = #tpu.dot_dimension_numbers<[1], [0], [0], [1], [0, 0, 1, 1], [], []>, transpose_lhs_hint = false} : vector<5000x128xf32>, vector<128x128xf32>, vector<5000x128xf32> -> vector<5000x128xf32>
    %get3A_24 = arith.constant 1 : index
    %get3A_25 = arith.constant 0 : index
    %get3A_26 = arith.constant 0 : index
    %get3A_27 = vector.load %arg4[%get3A_24, %get3A_25, %get3A_26] : memref<3x128x128xf32, #tpu.memory_space<vmem>>, vector<1x128x128xf32>
    %get3A_28 = vector.shape_cast %get3A_27 : vector<1x128x128xf32> to vector<128x128xf32>
    %dot_general3A_29 = arith.constant dense<0.000000e+00> : vector<5000x128xf32>
    %dot_general3A_30 = tpu.matmul %neg3A_14, %get3A_28, %dot_general3A_29 {dimension_numbers = #tpu.dot_dimension_numbers<[1], [0], [0], [1], [0, 0, 1, 1], [], []>, transpose_lhs_hint = false} : vector<5000x128xf32>, vector<128x128xf32>, vector<5000x128xf32> -> vector<5000x128xf32>
    %add3A_31 = arith.addf %dot_general3A_23, %dot_general3A_30 : vector<5000x128xf32>
    %swap3A = arith.constant 0 : index
    %swap3A_32 = arith.constant 0 : index
    %swap3A_33 = vector.load %arg5[%swap3A, %swap3A_32] : memref<5000x128xf32, #tpu.memory_space<vmem>>, vector<5000x128xf32>
    tpu.vector_store %arg5[%swap3A, %swap3A_32], %add3A_31 {strides = array<i32>} : memref<5000x128xf32, #tpu.memory_space<vmem>>, vector<5000x128xf32>,
    return
  }
  func.func @transform_0(%arg0: i32) -> (i32, i32, i32) {
    %c0_i32 = arith.constant 0 : i32
    %c0_i32_0 = arith.constant 0 : i32
    %c0_i32_1 = arith.constant 0 : i32
    return %c0_i32, %arg0, %c0_i32_0 : i32, i32, i32
  }
  func.func @transform_1(%arg0: i32) -> (i32, i32) {
    %c0_i32 = arith.constant 0 : i32
    %c0_i32_0 = arith.constant 0 : i32
    return %arg0, %c0_i32 : i32, i32
  }
  func.func @transform_2(%arg0: i32) -> (i32, i32) {
    %c0_i32 = arith.constant 0 : i32
    %c0_i32_0 = arith.constant 0 : i32
    return %arg0, %c0_i32 : i32, i32
  }
  func.func @transform_3(%arg0: i32) -> (i32, i32, i32) {
    %c0_i32 = arith.constant 0 : i32
    %c0_i32_0 = arith.constant 0 : i32
    %c0_i32_1 = arith.constant 0 : i32
    %c0_i32_2 = arith.constant 0 : i32
    return %c0_i32, %c0_i32_0, %c0_i32_1 : i32, i32, i32
  }
  func.func @transform_4(%arg0: i32) -> (i32, i32) {
    %c0_i32 = arith.constant 0 : i32
    %c0_i32_0 = arith.constant 0 : i32
    return %arg0, %c0_i32 : i32, i32
  }
}

module attributes {stable_mosaic.version = 14 : i64} {
  func.func @_tc_mid2_body(%arg0: i32, %arg1: memref<2x5000x128xf32, #tpu.memory_space<vmem>>, %arg2: memref<5000x1xf32, #tpu.memory_space<vmem>>, %arg3: memref<5000x128xf32, #tpu.memory_space<vmem>>, %arg4: memref<5000x128xf32, #tpu.memory_space<vmem>>, %arg5: memref<3x128x128xf32, #tpu.memory_space<vmem>>, %arg6: memref<128xf32, #tpu.memory_space<vmem>>, %arg7: memref<5000x128xf32, #tpu.memory_space<vmem>>, %arg8: memref<5000x128xf32, #tpu.memory_space<vmem>>) attributes {dimension_semantics = [#tpu.dimension_semantics<arbitrary>], iteration_bounds = array<i64: 2>, scalar_prefetch = 0 : i64, scratch_operands = 0 : i64, tpu.core_type = #tpu.core_type<tc>, window_params = [{transform_indices = @transform_0, window_bounds = array<i64: 2, 5000, 128>}, {transform_indices = @transform_1, window_bounds = array<i64: 5000, 1>}, {transform_indices = @transform_2, window_bounds = array<i64: 5000, 128>}, {transform_indices = @transform_3, window_bounds = array<i64: 5000, 128>}, {pipeline_mode = #tpu.pipeline_mode<synchronous>, transform_indices = @transform_4, window_bounds = array<i64: 3, 128, 128>}, {pipeline_mode = #tpu.pipeline_mode<synchronous>, transform_indices = @transform_5, window_bounds = array<i64: 128>}, {transform_indices = @transform_6, window_bounds = array<i64: 5000, 128>}, {transform_indices = @transform_7, window_bounds = array<i64: 5000, 128>}]} {
    %get3A = arith.constant 0 : index
    %get3A_0 = arith.constant 0 : index
    %get3A_1 = vector.load %arg2[%get3A, %get3A_0] : memref<5000x1xf32, #tpu.memory_space<vmem>>, vector<5000x1xf32>
    %get3A_2 = arith.constant 0 : index
    %get3A_3 = arith.constant 0 : index
    %get3A_4 = arith.constant 0 : index
    %get3A_5 = vector.load %arg1[%get3A_2, %get3A_3, %get3A_4] : memref<2x5000x128xf32, #tpu.memory_space<vmem>>, vector<1x5000x128xf32>
    %get3A_6 = vector.shape_cast %get3A_5 : vector<1x5000x128xf32> to vector<5000x128xf32>
    %get3A_7 = arith.constant 1 : index
    %get3A_8 = arith.constant 0 : index
    %get3A_9 = arith.constant 0 : index
    %get3A_10 = vector.load %arg1[%get3A_7, %get3A_8, %get3A_9] : memref<2x5000x128xf32, #tpu.memory_space<vmem>>, vector<1x5000x128xf32>
    %get3A_11 = vector.shape_cast %get3A_10 : vector<1x5000x128xf32> to vector<5000x128xf32>
    %add3A = arith.addf %get3A_6, %get3A_11 : vector<5000x128xf32>
    %mul3A = vector.broadcast %get3A_1 : vector<5000x1xf32> to vector<5000x128xf32>
    %mul3A_12 = arith.mulf %mul3A, %add3A : vector<5000x128xf32>
    %mul3A_13 = arith.constant -2.000000e+00 : f32
    %mul3A_14 = vector.broadcast %mul3A_13 : f32 to vector<5000x128xf32>
    %mul3A_15 = arith.mulf %mul3A_14, %mul3A_12 : vector<5000x128xf32>
    %get3A_16 = arith.constant 0 : index
    %get3A_17 = arith.constant 0 : index
    %get3A_18 = vector.load %arg3[%get3A_16, %get3A_17] : memref<5000x128xf32, #tpu.memory_space<vmem>>, vector<5000x128xf32>
    %sub3A = arith.subf %mul3A_15, %get3A_18 : vector<5000x128xf32>
    %get3A_19 = arith.constant 0 : index
    %get3A_20 = arith.constant 0 : index
    %get3A_21 = vector.load %arg4[%get3A_19, %get3A_20] : memref<5000x128xf32, #tpu.memory_space<vmem>>, vector<5000x128xf32>
    %get3A_22 = arith.constant 2 : index
    %get3A_23 = arith.constant 0 : index
    %get3A_24 = arith.constant 0 : index
    %get3A_25 = vector.load %arg5[%get3A_22, %get3A_23, %get3A_24] : memref<3x128x128xf32, #tpu.memory_space<vmem>>, vector<1x128x128xf32>
    %get3A_26 = vector.shape_cast %get3A_25 : vector<1x128x128xf32> to vector<128x128xf32>
    %dot_general3A = arith.constant dense<0.000000e+00> : vector<5000x128xf32>
    %dot_general3A_27 = tpu.matmul %sub3A, %get3A_26, %dot_general3A {dimension_numbers = #tpu.dot_dimension_numbers<[1], [0], [0], [1], [0, 0, 1, 1], [], []>, transpose_lhs_hint = false} : vector<5000x128xf32>, vector<128x128xf32>, vector<5000x128xf32> -> vector<5000x128xf32>
    %add3A_28 = arith.addf %get3A_21, %dot_general3A_27 : vector<5000x128xf32>
    %get3A_29 = arith.constant 0 : index
    %get3A_30 = vector.load %arg6[%get3A_29] : memref<128xf32, #tpu.memory_space<vmem>>, vector<128xf32>
    %broadcast_in_dim3A = vector.shape_cast %get3A_30 : vector<128xf32> to vector<1x128xf32>
    %add3A_31 = vector.broadcast %broadcast_in_dim3A : vector<1x128xf32> to vector<5000x128xf32>
    %add3A_32 = arith.addf %add3A_28, %add3A_31 : vector<5000x128xf32>
    %max3A = arith.constant 0.000000e+00 : f32
    %max3A_33 = vector.broadcast %max3A : f32 to vector<5000x128xf32>
    %max3A_34 = arith.maximumf %add3A_32, %max3A_33 : vector<5000x128xf32>
    %swap3A = arith.constant 0 : index
    %swap3A_35 = arith.constant 0 : index
    %swap3A_36 = vector.load %arg7[%swap3A, %swap3A_35] : memref<5000x128xf32, #tpu.memory_space<vmem>>, vector<5000x128xf32>
    tpu.vector_store %arg7[%swap3A, %swap3A_35], %max3A_34 {strides = array<i32>} : memref<5000x128xf32, #tpu.memory_space<vmem>>, vector<5000x128xf32>,
    %mul3A_37 = vector.broadcast %get3A_1 : vector<5000x1xf32> to vector<5000x128xf32>
    %mul3A_38 = arith.mulf %mul3A_37, %max3A_34 : vector<5000x128xf32>
    %swap3A_39 = arith.constant 0 : index
    %swap3A_40 = arith.constant 0 : index
    %swap3A_41 = vector.load %arg8[%swap3A_39, %swap3A_40] : memref<5000x128xf32, #tpu.memory_space<vmem>>, vector<5000x128xf32>
    tpu.vector_store %arg8[%swap3A_39, %swap3A_40], %mul3A_38 {strides = array<i32>} : memref<5000x128xf32, #tpu.memory_space<vmem>>, vector<5000x128xf32>,
    return
  }
  func.func @transform_0(%arg0: i32) -> (i32, i32, i32) {
    %c0_i32 = arith.constant 0 : i32
    %c0_i32_0 = arith.constant 0 : i32
    %c0_i32_1 = arith.constant 0 : i32
    return %c0_i32, %arg0, %c0_i32_0 : i32, i32, i32
  }
  func.func @transform_1(%arg0: i32) -> (i32, i32) {
    %c0_i32 = arith.constant 0 : i32
    %c0_i32_0 = arith.constant 0 : i32
    return %arg0, %c0_i32 : i32, i32
  }
  func.func @transform_2(%arg0: i32) -> (i32, i32) {
    %c0_i32 = arith.constant 0 : i32
    %c0_i32_0 = arith.constant 0 : i32
    return %arg0, %c0_i32 : i32, i32
  }
  func.func @transform_3(%arg0: i32) -> (i32, i32) {
    %c0_i32 = arith.constant 0 : i32
    %c0_i32_0 = arith.constant 0 : i32
    return %arg0, %c0_i32 : i32, i32
  }
  func.func @transform_4(%arg0: i32) -> (i32, i32, i32) {
    %c0_i32 = arith.constant 0 : i32
    %c0_i32_0 = arith.constant 0 : i32
    %c0_i32_1 = arith.constant 0 : i32
    %c0_i32_2 = arith.constant 0 : i32
    return %c0_i32, %c0_i32_0, %c0_i32_1 : i32, i32, i32
  }
  func.func @transform_5(%arg0: i32) -> i32 {
    %c0_i32 = arith.constant 0 : i32
    %c0_i32_0 = arith.constant 0 : i32
    return %c0_i32 : i32
  }
  func.func @transform_6(%arg0: i32) -> (i32, i32) {
    %c0_i32 = arith.constant 0 : i32
    %c0_i32_0 = arith.constant 0 : i32
    return %arg0, %c0_i32 : i32, i32
  }
  func.func @transform_7(%arg0: i32) -> (i32, i32) {
    %c0_i32 = arith.constant 0 : i32
    %c0_i32_0 = arith.constant 0 : i32
    return %arg0, %c0_i32 : i32, i32
  }
}

module attributes {stable_mosaic.version = 14 : i64} {
  func.func @_tc_final_body(%arg0: i32, %arg1: memref<2x5000x128xf32, #tpu.memory_space<vmem>>, %arg2: memref<5000x1xf32, #tpu.memory_space<vmem>>, %arg3: memref<5000x128xf32, #tpu.memory_space<vmem>>, %arg4: memref<5000x128xf32, #tpu.memory_space<vmem>>, %arg5: memref<3x128x128xf32, #tpu.memory_space<vmem>>, %arg6: memref<128xf32, #tpu.memory_space<vmem>>, %arg7: memref<5000x128xf32, #tpu.memory_space<vmem>>) attributes {dimension_semantics = [#tpu.dimension_semantics<arbitrary>], iteration_bounds = array<i64: 2>, scalar_prefetch = 0 : i64, scratch_operands = 0 : i64, tpu.core_type = #tpu.core_type<tc>, window_params = [{transform_indices = @transform_0, window_bounds = array<i64: 2, 5000, 128>}, {transform_indices = @transform_1, window_bounds = array<i64: 5000, 1>}, {transform_indices = @transform_2, window_bounds = array<i64: 5000, 128>}, {transform_indices = @transform_3, window_bounds = array<i64: 5000, 128>}, {pipeline_mode = #tpu.pipeline_mode<synchronous>, transform_indices = @transform_4, window_bounds = array<i64: 3, 128, 128>}, {pipeline_mode = #tpu.pipeline_mode<synchronous>, transform_indices = @transform_5, window_bounds = array<i64: 128>}, {transform_indices = @transform_6, window_bounds = array<i64: 5000, 128>}]} {
    %get3A = arith.constant 0 : index
    %get3A_0 = arith.constant 0 : index
    %get3A_1 = vector.load %arg2[%get3A, %get3A_0] : memref<5000x1xf32, #tpu.memory_space<vmem>>, vector<5000x1xf32>
    %get3A_2 = arith.constant 0 : index
    %get3A_3 = arith.constant 0 : index
    %get3A_4 = arith.constant 0 : index
    %get3A_5 = vector.load %arg1[%get3A_2, %get3A_3, %get3A_4] : memref<2x5000x128xf32, #tpu.memory_space<vmem>>, vector<1x5000x128xf32>
    %get3A_6 = vector.shape_cast %get3A_5 : vector<1x5000x128xf32> to vector<5000x128xf32>
    %get3A_7 = arith.constant 1 : index
    %get3A_8 = arith.constant 0 : index
    %get3A_9 = arith.constant 0 : index
    %get3A_10 = vector.load %arg1[%get3A_7, %get3A_8, %get3A_9] : memref<2x5000x128xf32, #tpu.memory_space<vmem>>, vector<1x5000x128xf32>
    %get3A_11 = vector.shape_cast %get3A_10 : vector<1x5000x128xf32> to vector<5000x128xf32>
    %add3A = arith.addf %get3A_6, %get3A_11 : vector<5000x128xf32>
    %mul3A = vector.broadcast %get3A_1 : vector<5000x1xf32> to vector<5000x128xf32>
    %mul3A_12 = arith.mulf %mul3A, %add3A : vector<5000x128xf32>
    %mul3A_13 = arith.constant -2.000000e+00 : f32
    %mul3A_14 = vector.broadcast %mul3A_13 : f32 to vector<5000x128xf32>
    %mul3A_15 = arith.mulf %mul3A_14, %mul3A_12 : vector<5000x128xf32>
    %get3A_16 = arith.constant 0 : index
    %get3A_17 = arith.constant 0 : index
    %get3A_18 = vector.load %arg3[%get3A_16, %get3A_17] : memref<5000x128xf32, #tpu.memory_space<vmem>>, vector<5000x128xf32>
    %sub3A = arith.subf %mul3A_15, %get3A_18 : vector<5000x128xf32>
    %get3A_19 = arith.constant 0 : index
    %get3A_20 = arith.constant 0 : index
    %get3A_21 = vector.load %arg4[%get3A_19, %get3A_20] : memref<5000x128xf32, #tpu.memory_space<vmem>>, vector<5000x128xf32>
    %get3A_22 = arith.constant 2 : index
    %get3A_23 = arith.constant 0 : index
    %get3A_24 = arith.constant 0 : index
    %get3A_25 = vector.load %arg5[%get3A_22, %get3A_23, %get3A_24] : memref<3x128x128xf32, #tpu.memory_space<vmem>>, vector<1x128x128xf32>
    %get3A_26 = vector.shape_cast %get3A_25 : vector<1x128x128xf32> to vector<128x128xf32>
    %dot_general3A = arith.constant dense<0.000000e+00> : vector<5000x128xf32>
    %dot_general3A_27 = tpu.matmul %sub3A, %get3A_26, %dot_general3A {dimension_numbers = #tpu.dot_dimension_numbers<[1], [0], [0], [1], [0, 0, 1, 1], [], []>, transpose_lhs_hint = false} : vector<5000x128xf32>, vector<128x128xf32>, vector<5000x128xf32> -> vector<5000x128xf32>
    %add3A_28 = arith.addf %get3A_21, %dot_general3A_27 : vector<5000x128xf32>
    %get3A_29 = arith.constant 0 : index
    %get3A_30 = vector.load %arg6[%get3A_29] : memref<128xf32, #tpu.memory_space<vmem>>, vector<128xf32>
    %broadcast_in_dim3A = vector.shape_cast %get3A_30 : vector<128xf32> to vector<1x128xf32>
    %add3A_31 = vector.broadcast %broadcast_in_dim3A : vector<1x128xf32> to vector<5000x128xf32>
    %add3A_32 = arith.addf %add3A_28, %add3A_31 : vector<5000x128xf32>
    %max3A = arith.constant 0.000000e+00 : f32
    %max3A_33 = vector.broadcast %max3A : f32 to vector<5000x128xf32>
    %max3A_34 = arith.maximumf %add3A_32, %max3A_33 : vector<5000x128xf32>
    %swap3A = arith.constant 0 : index
    %swap3A_35 = arith.constant 0 : index
    %swap3A_36 = vector.load %arg7[%swap3A, %swap3A_35] : memref<5000x128xf32, #tpu.memory_space<vmem>>, vector<5000x128xf32>
    tpu.vector_store %arg7[%swap3A, %swap3A_35], %max3A_34 {strides = array<i32>} : memref<5000x128xf32, #tpu.memory_space<vmem>>, vector<5000x128xf32>,
    return
  }
  func.func @transform_0(%arg0: i32) -> (i32, i32, i32) {
    %c0_i32 = arith.constant 0 : i32
    %c0_i32_0 = arith.constant 0 : i32
    %c0_i32_1 = arith.constant 0 : i32
    return %c0_i32, %arg0, %c0_i32_0 : i32, i32, i32
  }
  func.func @transform_1(%arg0: i32) -> (i32, i32) {
    %c0_i32 = arith.constant 0 : i32
    %c0_i32_0 = arith.constant 0 : i32
    return %arg0, %c0_i32 : i32, i32
  }
  func.func @transform_2(%arg0: i32) -> (i32, i32) {
    %c0_i32 = arith.constant 0 : i32
    %c0_i32_0 = arith.constant 0 : i32
    return %arg0, %c0_i32 : i32, i32
  }
  func.func @transform_3(%arg0: i32) -> (i32, i32) {
    %c0_i32 = arith.constant 0 : i32
    %c0_i32_0 = arith.constant 0 : i32
    return %arg0, %c0_i32 : i32, i32
  }
  func.func @transform_4(%arg0: i32) -> (i32, i32, i32) {
    %c0_i32 = arith.constant 0 : i32
    %c0_i32_0 = arith.constant 0 : i32
    %c0_i32_1 = arith.constant 0 : i32
    %c0_i32_2 = arith.constant 0 : i32
    return %c0_i32, %c0_i32_0, %c0_i32_1 : i32, i32, i32
  }
  func.func @transform_5(%arg0: i32) -> i32 {
    %c0_i32 = arith.constant 0 : i32
    %c0_i32_0 = arith.constant 0 : i32
    return %c0_i32 : i32
  }
  func.func @transform_6(%arg0: i32) -> (i32, i32) {
    %c0_i32 = arith.constant 0 : i32
    %c0_i32_0 = arith.constant 0 : i32
    return %arg0, %c0_i32 : i32, i32
  }
}

</mosaic_0001>

<sc_bundles>
// kernel: kernel.14.cloned.1.call-start
scs
__scs_entry_jumppad:
0x0: {  	(pc) =	sbr.rel $0x88, $3  }
0x1: {  	(tag) =	ssettag $0x0;
	lr =	simm.s32 $0x1  }
0x2: {  	[smem:$0x3F9B] =	sst lr;
	_ =	strace $0xD0000000  }
0x3: {  	_ = 	snop  }
0x4: {  	_ = 	snop  }
0x5: {  	_ = 	snop  }
0x6: {  	_ = 	snop  }
0x7: {  	_ = 	snop  }
__scs_overlays_trampoline_lowered:
0x8: {  	[smem:$0x3FAA] =	sst s0  }
0x9: {  	[smem:$0x3FAB] =	sst s1  }
0xa: {  	[smem:$0x3FAC] =	sst s2  }
0xb: {  	[smem:$0x3FAD] =	sst s3  }
0xc: {  	[smem:$0x3FAE] =	sst s4  }
0xd: {  	[smem:$0x3FAF] =	sst s5  }
0xe: {  	[smem:$0x3FB0] =	sst s6  }
0xf: {  	[smem:$0x3FB1] =	sst s7  }
0x10: {  	[smem:$0x3FB2] =	sst s8  }
0x11: {  	[smem:$0x3FB3] =	sst s9;
	s0 =	simm.s32 @!p0 $0x0  }
0x12: {  	s1 =	sld [smem:$0x3F99];
	s0 =	simm.s32 @p0 $0x1  }
0x13: {  	[smem:$0x3FB4] =	sst s0;
	s0 =	simm.s32 @!p1 $0x0  }
0x14: {  	s2 =	sld [smem:$0x3F98];
	s0 =	simm.s32 @p1 $0x1  }
0x15: {  	[smem:$0x3FB5] =	sst s0;
	s0 =	simm.s32 @!p2 $0x0  }
0x16: {  	s3 =	sld [smem:$0x3FDB];
	s0 =	simm.s32 @p2 $0x1  }
0x17: {  	s4 =	simm.s32 $0x1BF5;
	[smem:$0x3FB7] =	sst s0  }
0x18: {  	s0 =	sld [smem:$0x3F9A];
	_ =	swait.ge [sflag:s4], $0x0  }
0x19: {  	s7 =	sld [smem:$0x3F9B]  }
0x1a: {  	s8 =	sadd.s32 $0xFFFFE003, lr  }
0x1b: {  	s9 =	sadd.s32 $0xFFFFFEF7, lr;
	s5 =	simm.s32 $0xFFFFFFFF;
	p2 =	slt.u32 s8, $0xFFFFF086  }
0x1c: {  	p1 =	slt.u32 s9, $0xF7A;
	s5 =	simm.s32 @!p2 $0x0  }
0x1d: {  	s5 =	simm.s32 @p1 $0x1;
	p0 =	seq.s32 s7, s2  }
0x1e: {  	s7 =	smul.u32 @!p0 $0xF7A, s2;
	p2 =	seq.s32 @!p0 s5, $0x0  }
0x1f: {  	s9 =	smul.u32 $0xF7A, s1;
	s8 =	simm.s32 @!p0 $0x1BF5;
	p2 =	por !p2, p0  }
0x20: {  	[sflag:s8] =	ssyncset.s32 @!p0 $0xFFFFF086;
	s6 =	sadd.s32 @!p0 s3, s7;
	s7 =	simm.s32 @!p0 $0x108  }
0x21: {  	s3 =	sadd.s32 s3, s9;
	s6 =	sadd.s32 @!p0 $0x88, s6;
	s7 =	simm.s32 @p2 $0x1082  }
0x22: {  	[simem:s7], [sflag:s8] =	dma.local @!p0 [hbm:s6], $0xF7A  }
0x23: {  	s9 =	sor.u32 $0xD0000000, s2;
	s6 =	simm.s32 $0x108;
	_ =	swait.ge @!p0 [sflag:s8], $0x0  }
0x24: {  	s3 =	sadd.s32 $0x88, s3;
	s6 =	simm.s32 @!p1 $0x1082;
	[sflag:s4] =	ssyncset.s32 $0xFFFFF086  }
0x25: {  	[simem:s6], [sflag:s4] =	dma.local [hbm:s3], $0xF7A  }
0x26: {  	[smem:$0x3F9B] =	sst s1;
	(tag) =	ssettag s2;
	_ =	strace s9  }
0x27: {  	s1 =	sld [smem:$0x3FAB]  }
0x28: {  	s2 =	sld [smem:$0x3FAC]  }
0x29: {  	s4 =	sld [smem:$0x3FAE]  }
0x2a: {  	p0 =	seq.s32 s5, $0x0;
	s5 =	sld [smem:$0x3FAF]  }
0x2b: {  	s6 =	sld [smem:$0x3FB0]  }
0x2c: {  	s7 =	sld [smem:$0x3FB1]  }
0x2d: {  	s3 =	simm.s32 $0x108;
	s8 =	sld [smem:$0x3FB2]  }
0x2e: {  	s3 =	simm.s32 @!p0 $0x1082;
	s9 =	sld [smem:$0x3FB3]  }
0x2f: {  	lr =	sadd.s32 s0, s3;
	s0 =	sld [smem:$0x3FAA]  }
0x30: {  	s3 =	sld [smem:$0x3FAD]  }
0x31: {  	[smem:$0x3FB6] =	sst s10  }
0x32: {  	s10 =	sld [smem:$0x3FB4];
	_ =	sdelay $0x3  }
0x33: {  	p0 =	seq.s32 s10, $0x1;
	s10 =	sld [smem:$0x3FB6];
	_ =	sdelay $0x3  }
0x34: {  	[smem:$0x3FB6] =	sst s10  }
0x35: {  	s10 =	sld [smem:$0x3FB5];
	_ =	sdelay $0x3  }
0x36: {  	p1 =	seq.s32 s10, $0x1;
	s10 =	sld [smem:$0x3FB6];
	_ =	sdelay $0x3  }
0x37: {  	[smem:$0x3FB6] =	sst s10  }
0x38: {  	s10 =	sld [smem:$0x3FB7]  }
0x39: {  	_ = 	snop;
	(pc) =	sbr.ind lr, $3  }
0x3a: {  	_ = 	snop  }
0x3b: {  	_ = 	snop  }
0x3c: {  	p2 =	seq.s32 s10, $0x1;
	s10 =	sld [smem:$0x3FB6]  }
0x3d: {  	_ =	shalt  }
0x3e: {  	_ =	shalt  }
0x3f: {  	_ =	shalt  }
0x40: {  	_ =	shalt  }
0x41: {  	_ =	shalt  }
0x42: {  	_ =	shalt  }
0x43: {  	_ =	shalt  }
0x44: {  	_ =	shalt  }
0x45: {  	_ =	shalt  }
0x46: {  	_ =	shalt  }
0x47: {  	_ =	shalt  }
0x48: {  	_ =	shalt  }
0x49: {  	_ =	shalt  }
0x4a: {  	_ =	shalt  }
0x4b: {  	_ =	shalt  }
0x4c: {  	_ =	shalt  }
0x4d: {  	_ =	shalt  }
0x4e: {  	_ =	shalt  }
0x4f: {  	_ =	shalt  }
0x50: {  	_ =	shalt  }
0x51: {  	_ =	shalt  }
0x52: {  	_ =	shalt  }
0x53: {  	_ =	shalt  }
0x54: {  	_ =	shalt  }
0x55: {  	_ =	shalt  }
0x56: {  	_ =	shalt  }
0x57: {  	_ =	shalt  }
0x58: {  	_ =	shalt  }
0x59: {  	_ =	shalt  }
0x5a: {  	_ =	shalt  }
0x5b: {  	_ =	shalt  }
0x5c: {  	_ =	shalt  }
0x5d: {  	_ =	shalt  }
0x5e: {  	_ =	shalt  }
0x5f: {  	_ =	shalt  }
0x60: {  	_ =	shalt  }
0x61: {  	_ =	shalt  }
0x62: {  	_ =	shalt  }
0x63: {  	_ =	shalt  }
0x64: {  	_ =	shalt  }
0x65: {  	_ =	shalt  }
0x66: {  	_ =	shalt  }
0x67: {  	_ =	shalt  }
0x68: {  	_ =	shalt  }
0x69: {  	_ =	shalt  }
0x6a: {  	_ =	shalt  }
0x6b: {  	_ =	shalt  }
0x6c: {  	_ =	shalt  }
0x6d: {  	_ =	shalt  }
0x6e: {  	_ =	shalt  }
0x6f: {  	_ =	shalt  }
0x70: {  	_ =	shalt  }
0x71: {  	_ =	shalt  }
0x72: {  	_ =	shalt  }
0x73: {  	_ =	shalt  }
0x74: {  	_ =	shalt  }
0x75: {  	_ =	shalt  }
0x76: {  	_ =	shalt  }
0x77: {  	_ =	shalt  }
0x78: {  	_ =	shalt  }
0x79: {  	_ =	shalt  }
0x7a: {  	_ =	shalt  }
0x7b: {  	_ =	shalt  }
0x7c: {  	_ =	shalt  }
0x7d: {  	_ =	shalt  }
0x7e: {  	_ =	shalt  }
0x7f: {  	_ =	shalt  }
0x80: {  	_ =	shalt  }
0x81: {  	_ =	shalt  }
0x82: {  	_ =	shalt  }
0x83: {  	_ =	shalt  }
0x84: {  	_ =	shalt  }
0x85: {  	_ =	shalt  }
0x86: {  	_ =	shalt  }
0x87: {  	_ =	shalt  }
.Lfunc_end0:
.L_simem_size_0:
called_computation_lowered:
.L_overlay_start_0:
0x88: {  	s2 =	sld [smem:$0x3FD9]  }
0x89: {  	s3 =	sld [smem:$0x3FFE];
	_ =	sdelay $0x1  }
0x8a: {  	s1 =	srdreg.scid  }
0x8b: {  	s0 =	sand.u32 $0x1, s1  }
0x8c: {  	s16 =	sshll.u32 s0, $0xA;
	s2 =	sadd.s32 s3, s2  }
0x8d: {  	s2 =	sadd.s32 s2, s16  }
0x8e: {  	[smem:$0x3FC2] =	sst s2  }
0x8f: {  	_ = 	snop  }
0x90: {  	(tm) =	ssettm $0x1  }
0x91: {  	s17 =	sld [smem:$0x3FFB];
	_ =	sdelay $0x3  }
0x92: {  	_ =	strace s17  }
0x93: {  	s2 =	sld [smem:$0x3FFC];
	_ =	sdelay $0x3  }
0x94: {  	_ =	strace s2  }
0x95: {  	s2 =	sld [smem:$0x3FFD];
	_ =	sdelay $0x3  }
0x96: {  	_ =	strace s2  }
0x97: {  	_ =	strace $0x8FFFFFFF  }
0x98: {  	s18 =	sld [smem:$0x3FDB];
	_ =	sdelay $0x1  }
0x99: {  	s19 =	simm.s32 $_scs_section_size  }
0x9a: {  	s4 =	simm.s32 $_size__tile_overlayer_lowered;
	s5 =	simm.s32 $_tile_overlayer_lowered  }
0x9b: {  	s22 =	simm.s32 $0x1BFF;
	s21 =	sshll.u32 s5, $0x1;
	s2 =	sadd.s32 s19, s18  }
0x9c: {  	s6 =	simm.s32 $0x0;
	s20 =	sshll.u32 s4, $0x1;
	s4 =	sadd.s32 s21, s2  }
0x9d: {  	[timem:s6], [sflag:s22] =	dma.local [hbm:s4], s20  }
0x9e: {  	_ =	swait.ge [sflag:s22], s20  }
0x9f: {  	s3 =	ssub.s32 $0x0, s20;
	[sflag:s22] =	ssyncset.done $0x0  }
0xa0: {  	[sflag:s22] =	ssyncadd.s32 s3;
	_ =	sdelay $0x1  }
0xa1: {  	s23 =	simm.s32 $0x1B8B  }
0xa2: {  	_ =	swait.ge [sflag:s23], $0x1  }
0xa3: {  	[sflag:s23] =	ssyncset.done $0x0  }
0xa4: {  	s25 =	simm.s32 $0x1B8E;
	s24 =	sld [smem:$0x3FFE];
	[sflag:s23] =	ssyncadd.s32 $0xFFFFFFFF  }
0xa5: {  	s26 =	simm.s32 $execute0_lowered;
	[smem:$0x3FD2] =	sst s25  }
0xa6: {  	s4 =	sshll.u32 s26, $0x1;
	_ =	strace $0x80000046;
	[dreg:$0x1] =	wrdreg $0xFFFFFFFF  }
0xa7: {  	s28 =	simm.s32 $_size_execute0_lowered;
	s2 =	sadd.s32 s2, s4;
	[dreg:$0x0] =	wrdreg $0x0  }
0xa8: {  	s4 =	sshll.u32 s28, $0x1;
	[dreg:$0x2] =	wrdreg s2  }
0xa9: {  	[dreg:$0x3] =	wrdreg s4  }
0xaa: {  	[dreg:$0x4] =	wrdreg $0xC0  }
0xab: {  	_ =	task [dreg:s6], $0x5FFFF  }
0xac: {  	[dreg:$0x1] =	wrdreg $0xFFFFFFFF  }
0xad: {  	[dreg:$0x0] =	wrdreg $0x60  }
0xae: {  	[dreg:$0x2] =	wrdreg s24  }
0xaf: {  	[dreg:$0x3] =	wrdreg $0x7C000  }
0xb0: {  	[dreg:$0x4] =	wrdreg $0x9  }
0xb1: {  	_ =	task.clear_ibuf [dreg:s6], $0x5FFFF;
	_ =	strace $0x90000046  }
0xb2: {  	s29 =	simm.s32 $0x9;
	_ =	strace $0x80000048  }
0xb3: {  	_ =	swait.ge [sflag:s29], $0x1  }
0xb4: {  	[sflag:s29] =	ssyncadd.s32 $0xFFFFFFFF  }
0xb5: {  	_ =	strace $0x90000048  }
0xb6: {  	_ =	sfence  }
0xb7: {  	s30 =	sld [smem:$0x0];
	_ =	sdelay $0x2  }
0xb8: {  	s31 =	sshll.u32 s1, $0xD;
	s1 =	sshrl.u32 s1, $0x2  }
0xb9: {  	s3 =	sand.u32 $0x4000, s31;
	s1 =	sadd.s32 s1, s30  }
0xba: {  	s0 =	sor.u32 s3, s0;
	s1 =	sshll.u32 s1, $0x11  }
0xbb: {  	s0 =	sor.u32 s1, s0  }
0xbc: {  	s0 =	sadd.s32 $0x8F2B, s0  }
0xbd: {  	[sflag:s0] =	ssyncadd.remote.s32 $0x1  }
0xbe: {  	_ =	sfence.sel $0xFFFF  }
0xbf: {  	[dreg:$0x0] =	wrdreg $0xFFFFFFFF;
	(pc) =	sbr.abs _section_cstart, $3  }
0xc0: {  	[dreg:$0x1] =	wrdreg $0xFFFFFFFF  }
0xc1: {  	_ =	task.clear_ibuf [dreg:s6], $0x2FFFF;
	_ =	strace $0x9FFFFFFF  }
0xc2: {  	(tm) =	ssettm $0x7FFFFFFF  }
0xc3: {  	_ =	shalt  }
tec
execute0_lowered:
.L_overlay_start_1:
0x0: {  	(tag) =	ssettag $0x1  }
0x1: {  	s4 =	rddreg [dreg:$0x0]  }
0x2: {  	s2 =	rddreg [dreg:$0x1]  }
0x3: {  	s1 =	srdreg.scid;
	s0 =	rddreg [dreg:$0x2]  }
0x4: {  	s3 =	simm.s32 $0x0;
	s23 =	simm.s32 $0x6800;
	s24 =	simm.s32 $0x1  }
0x5: {  	s25 =	simm.s32 $0x7D;
	s5 =	sand.u32 $0x1, s1;
	s1 =	stileid.u32  }
0x6: {  	s26 =	simm.s32 $0x2800;
	[smem:$0x7FF] =	sst s3;
	s7 =	smul.u32 $0x138800, s5  }
0x7: {  	s6 =	sshll.u32 s5, $0x4;
	s8 =	smul.u32 $0x13800, s1;
	_ =	strace $0x80000047  }
0x8: {  	s30 =	smul.u32 $0x4E000, s1;
	s5 =	ssub.s32 $0x2, s5;
	s6 =	sor.u32 s1, s6  }
0x9: {  	s31 =	sshrl.u32 s5, $0x1;
	s6 =	smul.u32 $0x500, s6;
	s7 =	sadd.s32 s8, s7  }
0xa: {  	s8 =	sshrl.u32 s30, $0x2;
	s9 =	ssub.s32 s5, s31;
	s7 =	sshrl.u32 s7, $0x3  }
0xb: {  	s5 =	sadd.s32 s8, s2;
	s6 =	sadd.s32 s6, s4;
	s7 =	sadd.s32 s7, s4  }
0xc: {  	s8 =	sadd.s32 $0x1400, s5;
	s10 =	sadd.s32 $0x3C00, s5;
	s11 =	sadd.s32 $0x5000, s5  }
0xd: {  	s12 =	sadd.s32 $0x6400, s5;
	s13 =	sadd.s32 $0x7800, s5;
	s14 =	sadd.s32 $0x8C00, s5  }
0xe: {  	s15 =	sadd.s32 $0xA000, s5;
	s16 =	sadd.s32 $0xB400, s5;
	s17 =	sadd.s32 $0xC800, s5  }
0xf: {  	s18 =	sadd.s32 $0xDC00, s5;
	s19 =	sadd.s32 $0xF000, s5;
	s20 =	sadd.s32 $0x10400, s5  }
0x10: {  	v0 =	vimm.f32 $0.0e+00;
	vm0 =	vcmask $0x300;
	s21 =	sadd.s32 $0x11800, s5;
	s22 =	sadd.s32 $0x12C00, s5;
	s4 =	sadd.s32 $0x2E00, s6  }
0x11: {  	v1 =	vsel vm0, $0x3F800000, v0;
	s6 =	sadd.s32 $0xCE00, s7;
	s7 =	smax.u32 s9, $0x1;
	s9 =	sadd.s32 $0x2800, s5  }
.LBB2_1:
0x12: {  	s28 =	simm.s32 $0x0;
	s29 =	simm.s32 $0x0  }
.LBB2_2:
0x13: {  	s30 =	sand.u32 $0x7, s29  }
0x14: {  	p0 =	seq.s32 s30, $0x0  }
0x15: {  	v2 =	vpsel !p0, $0x0, v1;
	p0 =	sne.s32 s29, $0x3E7  }
.Ltmp0:
0x16: {  	_ = 	snop;
	(pc) =	sbr.rel @p0 .LBB2_2-.Ltmp0, $4  }
0x17: {  	s31 =	sand.u32 $0xFE00, s28  }
0x18: {  	s31 =	sshrl.u32 s31, $0x2;
	s30 =	sshll.u32 s30, $0x4  }
0x19: {  	s30 =	sor.u32 s30, s31  }
0x1a: {  	s28 =	sadd.s32 $0x40, s28;
	s29 =	sadd.s32 $0x1, s29;
	[tilespmem:s30+$0x2800] =	vst v2  }
0x1b: {  	s28 =	simm.s32 $0x0  }
0x1c: {  	s29 =	sand.u32 $0x7E00, s28  }
0x1d: {  	s30 =	sand.u32 $0x70, s28;
	s31 =	sshrl.u32 s29, $0x2  }
0x1e: {  	s29 =	simm.s32 $0x40;
	s30 =	sor.u32 s30, s31  }
.LBB2_4:
0x1f: {  	p0 =	sne.s32 s29, $0x4FC0  }
0x20: {  	[tilespmem:s30+$0x6800] =	vst v0;
	s28 =	sadd.s32 $0x10, s28;
	s30 =	smov.u32 s29;
	s29 =	sadd.s32 $0x40, s29  }
.Ltmp1:
0x21: {  	(pc) =	sbr.rel @p0 .LBB2_4-.Ltmp1, $4  }
0x22: {  	_ = 	snop  }
0x23: {  	s30 =	sand.u32 $0x7E00, s30  }
0x24: {  	s31 =	sand.u32 $0x70, s28;
	s30 =	sshrl.u32 s30, $0x2  }
0x25: {  	s30 =	sor.u32 s31, s30  }
0x26: {  	[tilespmem:s30+$0x6800] =	vst v0  }
0x27: {  	[spmem:s5] =	stream.linear.scatter [tilespmem:s23], [sflag:$0x1], $0x1400, $0x38;
	[tilespmem:$0x1B480] =	vst v63  }
0x28: {  	_ =	swait.ge [sflag:s24], $0x1400  }
0x29: {  	[sflag:s24] =	ssyncset.done $0x0  }
0x2a: {  	[sflag:s24] =	ssyncadd.s32 $0xFFFFEC00  }
0x2b: {  	[spmem:s8] =	stream.linear.scatter [tilespmem:s23], [sflag:$0x1], $0x1400, $0x38;
	[tilespmem:$0x1B480] =	vst v63  }
0x2c: {  	_ =	swait.ge [sflag:s24], $0x1400  }
0x2d: {  	[sflag:s24] =	ssyncset.done $0x0  }
0x2e: {  	[sflag:s24] =	ssyncadd.s32 $0xFFFFEC00  }
0x2f: {  	[spmem:s9] =	stream.linear.scatter [tilespmem:s23], [sflag:$0x1], $0x1400, $0x38;
	[tilespmem:$0x1B480] =	vst v63  }
0x30: {  	_ =	swait.ge [sflag:s24], $0x1400  }
0x31: {  	[sflag:s24] =	ssyncset.done $0x0  }
0x32: {  	[sflag:s24] =	ssyncadd.s32 $0xFFFFEC00  }
0x33: {  	[spmem:s10] =	stream.linear.scatter [tilespmem:s23], [sflag:$0x1], $0x1400, $0x38;
	[tilespmem:$0x1B480] =	vst v63  }
0x34: {  	_ =	swait.ge [sflag:s24], $0x1400  }
0x35: {  	[sflag:s24] =	ssyncset.done $0x0  }
0x36: {  	[sflag:s24] =	ssyncadd.s32 $0xFFFFEC00  }
0x37: {  	[spmem:s11] =	stream.linear.scatter [tilespmem:s23], [sflag:$0x1], $0x1400, $0x38;
	[tilespmem:$0x1B480] =	vst v63  }
0x38: {  	_ =	swait.ge [sflag:s24], $0x1400  }
0x39: {  	[sflag:s24] =	ssyncset.done $0x0  }
0x3a: {  	[sflag:s24] =	ssyncadd.s32 $0xFFFFEC00  }
0x3b: {  	[spmem:s12] =	stream.linear.scatter [tilespmem:s23], [sflag:$0x1], $0x1400, $0x38;
	[tilespmem:$0x1B480] =	vst v63  }
0x3c: {  	_ =	swait.ge [sflag:s24], $0x1400  }
0x3d: {  	[sflag:s24] =	ssyncset.done $0x0  }
0x3e: {  	[sflag:s24] =	ssyncadd.s32 $0xFFFFEC00  }
0x3f: {  	[spmem:s13] =	stream.linear.scatter [tilespmem:s23], [sflag:$0x1], $0x1400, $0x38;
	[tilespmem:$0x1B480] =	vst v63  }
0x40: {  	_ =	swait.ge [sflag:s24], $0x1400  }
0x41: {  	[sflag:s24] =	ssyncset.done $0x0  }
0x42: {  	[sflag:s24] =	ssyncadd.s32 $0xFFFFEC00  }
0x43: {  	[spmem:s14] =	stream.linear.scatter [tilespmem:s23], [sflag:$0x1], $0x1400, $0x38;
	[tilespmem:$0x1B480] =	vst v63  }
0x44: {  	_ =	swait.ge [sflag:s24], $0x1400  }
0x45: {  	[sflag:s24] =	ssyncset.done $0x0  }
0x46: {  	[sflag:s24] =	ssyncadd.s32 $0xFFFFEC00  }
0x47: {  	[spmem:s15] =	stream.linear.scatter [tilespmem:s23], [sflag:$0x1], $0x1400, $0x38;
	[tilespmem:$0x1B480] =	vst v63  }
0x48: {  	_ =	swait.ge [sflag:s24], $0x1400  }
0x49: {  	[sflag:s24] =	ssyncset.done $0x0  }
0x4a: {  	[sflag:s24] =	ssyncadd.s32 $0xFFFFEC00  }
0x4b: {  	[spmem:s16] =	stream.linear.scatter [tilespmem:s23], [sflag:$0x1], $0x1400, $0x38;
	[tilespmem:$0x1B480] =	vst v63  }
0x4c: {  	_ =	swait.ge [sflag:s24], $0x1400  }
0x4d: {  	[sflag:s24] =	ssyncset.done $0x0  }
0x4e: {  	[sflag:s24] =	ssyncadd.s32 $0xFFFFEC00  }
0x4f: {  	[spmem:s17] =	stream.linear.scatter [tilespmem:s23], [sflag:$0x1], $0x1400, $0x38;
	[tilespmem:$0x1B480] =	vst v63  }
0x50: {  	_ =	swait.ge [sflag:s24], $0x1400  }
0x51: {  	[sflag:s24] =	ssyncset.done $0x0  }
0x52: {  	[sflag:s24] =	ssyncadd.s32 $0xFFFFEC00  }
0x53: {  	[spmem:s18] =	stream.linear.scatter [tilespmem:s23], [sflag:$0x1], $0x1400, $0x38;
	[tilespmem:$0x1B480] =	vst v63  }
0x54: {  	_ =	swait.ge [sflag:s24], $0x1400  }
0x55: {  	[sflag:s24] =	ssyncset.done $0x0  }
0x56: {  	[sflag:s24] =	ssyncadd.s32 $0xFFFFEC00  }
0x57: {  	[spmem:s19] =	stream.linear.scatter [tilespmem:s23], [sflag:$0x1], $0x1400, $0x38;
	[tilespmem:$0x1B480] =	vst v63  }
0x58: {  	_ =	swait.ge [sflag:s24], $0x1400  }
0x59: {  	[sflag:s24] =	ssyncset.done $0x0  }
0x5a: {  	[sflag:s24] =	ssyncadd.s32 $0xFFFFEC00  }
0x5b: {  	[spmem:s20] =	stream.linear.scatter [tilespmem:s23], [sflag:$0x1], $0x1400, $0x38;
	[tilespmem:$0x1B480] =	vst v63  }
0x5c: {  	_ =	swait.ge [sflag:s24], $0x1400  }
0x5d: {  	[sflag:s24] =	ssyncset.done $0x0  }
0x5e: {  	[sflag:s24] =	ssyncadd.s32 $0xFFFFEC00  }
0x5f: {  	[spmem:s21] =	stream.linear.scatter [tilespmem:s23], [sflag:$0x1], $0x1400, $0x38;
	[tilespmem:$0x1B480] =	vst v63  }
0x60: {  	_ =	swait.ge [sflag:s24], $0x1400  }
0x61: {  	[sflag:s24] =	ssyncset.done $0x0  }
0x62: {  	[sflag:s24] =	ssyncadd.s32 $0xFFFFEC00  }
0x63: {  	[spmem:s22] =	stream.linear.scatter [tilespmem:s23], [sflag:$0x1], $0x1400, $0x38;
	[tilespmem:$0x1B480] =	vst v63  }
0x64: {  	_ =	swait.ge [sflag:s24], $0x1400  }
0x65: {  	[sflag:s24] =	ssyncset.done $0x0  }
0x66: {  	[sflag:s24] =	ssyncadd.s32 $0xFFFFEC00  }
0x67: {  	s28 =	simm.s32 $0x0;
	[bflag:$0x0] =	sbarrier.arrive $0xFFFF  }
0x68: {  	[tilespmem:s28], [sflag:$0x1] =	stream.linear.gather [hbm4b:s4+s28], $0x2800, $0x38;
	[tilespmem:$0x1B480] =	vst v63  }
0x69: {  	_ =	swait.ge [sflag:s24], $0x2800  }
0x6a: {  	[sflag:s24] =	ssyncset.done $0x0  }
0x6b: {  	s28 =	simm.s32 $0x0;
	[sflag:s24] =	ssyncadd.s32 $0xFFFFD800  }
0x6c: {  	[spmem:s2] =	stream.indirect.scatter.add.f32 [tilespmem:s26], [sflag:$0x1], $0x80, s28, s25, $0xb8;
	[tilespmem:$0x1B480] =	vst v63  }
0x6d: {  	_ =	swait.ge [sflag:s24], $0x3E80  }
0x6e: {  	s28 =	simm.s32 $0x200;
	[sflag:s24] =	ssyncset.done $0x0  }
.LBB2_6:
0x6f: {  	s29 =	sshra.s32 s28, $0x2;
	[sflag:s24] =	ssyncadd.s32 $0xFFFFC180;
	p0 =	sne.s32 s28, $0x9E00  }
0x70: {  	[spmem:s2] =	stream.indirect.scatter.add.f32 [tilespmem:s26], [sflag:$0x1], $0x80, s29, s25, $0xb8;
	[tilespmem:$0x1B480] =	vst v63  }
.Ltmp2:
0x71: {  	_ = 	snop;
	(pc) =	sbr.rel @p0 .LBB2_6-.Ltmp2, $4  }
0x72: {  	_ = 	snop  }
0x73: {  	s28 =	sadd.s32 $0x200, s28  }
0x74: {  	_ =	swait.ge [sflag:s24], $0x3E80  }
0x75: {  	[sflag:s24] =	ssyncset.done $0x0  }
0x76: {  	[sflag:s24] =	ssyncadd.s32 $0xFFFFC180;
	s3 =	sadd.s32 $0x1, s3  }
0x77: {  	s28 =	sshll.u32 s1, $0x6;
	s29 =	sshrl.u32 s5, $0x3;
	p0 =	sne.s32 s3, s7  }
.Ltmp3:
0x78: {  	[bflag:$0x0] =	sbarrier.arrive $0xFFFF;
	s28 =	sor.u32 $0x1C01, s28;
	(pc) =	sbr.rel @p0 .LBB2_1-.Ltmp3, $4  }
0x79: {  	[hbm:s6], [sflag:s28] =	dma.local [spmem:s29], $0x2800  }
0x7a: {  	_ =	swait.ge [sflag:s24], $0x2800  }
0x7b: {  	[sflag:s24] =	ssyncset.done $0x0  }
0x7c: {  	[sflag:s24] =	ssyncadd.s32 $0xFFFFD800  }
0x7d: {  	_ =	sfence.sel $0x180000  }
0x7e: {  	[bflag:$0x0] =	sbarrier.arrive $0xFFFF  }
0x7f: {  	p0 =	sne.s32 s1, $0x0;
	_ =	strace $0x90000047  }
0x80: {  	s0 =	sadd.s32 @!p0 $0x100000, s0;
	[bflag:$0x2] =	sbarrier.arrive $0xFFFF  }
0x81: {  	[sflag:s0] =	ssyncadd.tile.s32 @!p0 $0x1;
	_ =	shalt  }
.Lfunc_end2:
_tile_overlayer_lowered:
.L_overlay_start_2:
0x82: {  	(tag) =	ssettag $0x2  }
0x83: {  	s0 =	rddreg [dreg:$0x0];
	s2 =	stileid.u32  }
0x84: {  	s1 =	rddreg [dreg:$0x1];
	p0 =	sne.s32 s2, $0x0  }
0x85: {  	s3 =	rddreg [dreg:$0x2];
	[bflag:$0x3] =	sbarrier.arrive $0xFFFF;
	s2 =	simm.s32 @!p0 $0x1C01  }
0x86: {  	[timem:s3], [sflag:s2] =	dma.local @!p0 [hbm:s0], s1  }
0x87: {  	s0 =	simm.s32 @!p0 $0x1  }
0x88: {  	_ =	swait.ge @!p0 [sflag:s0], s1  }
0x89: {  	s1 =	ssub.s32 @!p0 $0x0, s1;
	[sflag:s0] =	ssyncset.done @!p0 $0x0  }
0x8a: {  	[sflag:s0] =	ssyncadd.s32 @!p0 s1  }
0x8b: {  	[bflag:$0x3] =	sbarrier.arrive $0xFFFF  }
0x8c: {  	_ =	shalt  }

// kernel: kernel.17.cloned.1.call-start
scs
__scs_entry_jumppad:
0x0: {  	(pc) =	sbr.rel $0x88, $3  }
0x1: {  	(tag) =	ssettag $0x0;
	lr =	simm.s32 $0x1  }
0x2: {  	[smem:$0x3F9B] =	sst lr;
	_ =	strace $0xD0000000  }
0x3: {  	_ = 	snop  }
0x4: {  	_ = 	snop  }
0x5: {  	_ = 	snop  }
0x6: {  	_ = 	snop  }
0x7: {  	_ = 	snop  }
__scs_overlays_trampoline_lowered:
0x8: {  	[smem:$0x3FAA] =	sst s0  }
0x9: {  	[smem:$0x3FAB] =	sst s1  }
0xa: {  	[smem:$0x3FAC] =	sst s2  }
0xb: {  	[smem:$0x3FAD] =	sst s3  }
0xc: {  	[smem:$0x3FAE] =	sst s4  }
0xd: {  	[smem:$0x3FAF] =	sst s5  }
0xe: {  	[smem:$0x3FB0] =	sst s6  }
0xf: {  	[smem:$0x3FB1] =	sst s7  }
0x10: {  	[smem:$0x3FB2] =	sst s8  }
0x11: {  	[smem:$0x3FB3] =	sst s9;
	s0 =	simm.s32 @!p0 $0x0  }
0x12: {  	s1 =	sld [smem:$0x3F99];
	s0 =	simm.s32 @p0 $0x1  }
0x13: {  	[smem:$0x3FB4] =	sst s0;
	s0 =	simm.s32 @!p1 $0x0  }
0x14: {  	s2 =	sld [smem:$0x3F98];
	s0 =	simm.s32 @p1 $0x1  }
0x15: {  	[smem:$0x3FB5] =	sst s0;
	s0 =	simm.s32 @!p2 $0x0  }
0x16: {  	s3 =	sld [smem:$0x3FDB];
	s0 =	simm.s32 @p2 $0x1  }
0x17: {  	s4 =	simm.s32 $0x1BF5;
	[smem:$0x3FB7] =	sst s0  }
0x18: {  	s0 =	sld [smem:$0x3F9A];
	_ =	swait.ge [sflag:s4], $0x0  }
0x19: {  	s7 =	sld [smem:$0x3F9B]  }
0x1a: {  	s8 =	sadd.s32 $0xFFFFE003, lr  }
0x1b: {  	s9 =	sadd.s32 $0xFFFFFEF7, lr;
	s5 =	simm.s32 $0xFFFFFFFF;
	p2 =	slt.u32 s8, $0xFFFFF086  }
0x1c: {  	p1 =	slt.u32 s9, $0xF7A;
	s5 =	simm.s32 @!p2 $0x0  }
0x1d: {  	s5 =	simm.s32 @p1 $0x1;
	p0 =	seq.s32 s7, s2  }
0x1e: {  	s7 =	smul.u32 @!p0 $0xF7A, s2;
	p2 =	seq.s32 @!p0 s5, $0x0  }
0x1f: {  	s9 =	smul.u32 $0xF7A, s1;
	s8 =	simm.s32 @!p0 $0x1BF5;
	p2 =	por !p2, p0  }
0x20: {  	[sflag:s8] =	ssyncset.s32 @!p0 $0xFFFFF086;
	s6 =	sadd.s32 @!p0 s3, s7;
	s7 =	simm.s32 @!p0 $0x108  }
0x21: {  	s3 =	sadd.s32 s3, s9;
	s6 =	sadd.s32 @!p0 $0x88, s6;
	s7 =	simm.s32 @p2 $0x1082  }
0x22: {  	[simem:s7], [sflag:s8] =	dma.local @!p0 [hbm:s6], $0xF7A  }
0x23: {  	s9 =	sor.u32 $0xD0000000, s2;
	s6 =	simm.s32 $0x108;
	_ =	swait.ge @!p0 [sflag:s8], $0x0  }
0x24: {  	s3 =	sadd.s32 $0x88, s3;
	s6 =	simm.s32 @!p1 $0x1082;
	[sflag:s4] =	ssyncset.s32 $0xFFFFF086  }
0x25: {  	[simem:s6], [sflag:s4] =	dma.local [hbm:s3], $0xF7A  }
0x26: {  	[smem:$0x3F9B] =	sst s1;
	(tag) =	ssettag s2;
	_ =	strace s9  }
0x27: {  	s1 =	sld [smem:$0x3FAB]  }
0x28: {  	s2 =	sld [smem:$0x3FAC]  }
0x29: {  	s4 =	sld [smem:$0x3FAE]  }
0x2a: {  	p0 =	seq.s32 s5, $0x0;
	s5 =	sld [smem:$0x3FAF]  }
0x2b: {  	s6 =	sld [smem:$0x3FB0]  }
0x2c: {  	s7 =	sld [smem:$0x3FB1]  }
0x2d: {  	s3 =	simm.s32 $0x108;
	s8 =	sld [smem:$0x3FB2]  }
0x2e: {  	s3 =	simm.s32 @!p0 $0x1082;
	s9 =	sld [smem:$0x3FB3]  }
0x2f: {  	lr =	sadd.s32 s0, s3;
	s0 =	sld [smem:$0x3FAA]  }
0x30: {  	s3 =	sld [smem:$0x3FAD]  }
0x31: {  	[smem:$0x3FB6] =	sst s10  }
0x32: {  	s10 =	sld [smem:$0x3FB4];
	_ =	sdelay $0x3  }
0x33: {  	p0 =	seq.s32 s10, $0x1;
	s10 =	sld [smem:$0x3FB6];
	_ =	sdelay $0x3  }
0x34: {  	[smem:$0x3FB6] =	sst s10  }
0x35: {  	s10 =	sld [smem:$0x3FB5];
	_ =	sdelay $0x3  }
0x36: {  	p1 =	seq.s32 s10, $0x1;
	s10 =	sld [smem:$0x3FB6];
	_ =	sdelay $0x3  }
0x37: {  	[smem:$0x3FB6] =	sst s10  }
0x38: {  	s10 =	sld [smem:$0x3FB7]  }
0x39: {  	_ = 	snop;
	(pc) =	sbr.ind lr, $3  }
0x3a: {  	_ = 	snop  }
0x3b: {  	_ = 	snop  }
0x3c: {  	p2 =	seq.s32 s10, $0x1;
	s10 =	sld [smem:$0x3FB6]  }
0x3d: {  	_ =	shalt  }
0x3e: {  	_ =	shalt  }
0x3f: {  	_ =	shalt  }
0x40: {  	_ =	shalt  }
0x41: {  	_ =	shalt  }
0x42: {  	_ =	shalt  }
0x43: {  	_ =	shalt  }
0x44: {  	_ =	shalt  }
0x45: {  	_ =	shalt  }
0x46: {  	_ =	shalt  }
0x47: {  	_ =	shalt  }
0x48: {  	_ =	shalt  }
0x49: {  	_ =	shalt  }
0x4a: {  	_ =	shalt  }
0x4b: {  	_ =	shalt  }
0x4c: {  	_ =	shalt  }
0x4d: {  	_ =	shalt  }
0x4e: {  	_ =	shalt  }
0x4f: {  	_ =	shalt  }
0x50: {  	_ =	shalt  }
0x51: {  	_ =	shalt  }
0x52: {  	_ =	shalt  }
0x53: {  	_ =	shalt  }
0x54: {  	_ =	shalt  }
0x55: {  	_ =	shalt  }
0x56: {  	_ =	shalt  }
0x57: {  	_ =	shalt  }
0x58: {  	_ =	shalt  }
0x59: {  	_ =	shalt  }
0x5a: {  	_ =	shalt  }
0x5b: {  	_ =	shalt  }
0x5c: {  	_ =	shalt  }
0x5d: {  	_ =	shalt  }
0x5e: {  	_ =	shalt  }
0x5f: {  	_ =	shalt  }
0x60: {  	_ =	shalt  }
0x61: {  	_ =	shalt  }
0x62: {  	_ =	shalt  }
0x63: {  	_ =	shalt  }
0x64: {  	_ =	shalt  }
0x65: {  	_ =	shalt  }
0x66: {  	_ =	shalt  }
0x67: {  	_ =	shalt  }
0x68: {  	_ =	shalt  }
0x69: {  	_ =	shalt  }
0x6a: {  	_ =	shalt  }
0x6b: {  	_ =	shalt  }
0x6c: {  	_ =	shalt  }
0x6d: {  	_ =	shalt  }
0x6e: {  	_ =	shalt  }
0x6f: {  	_ =	shalt  }
0x70: {  	_ =	shalt  }
0x71: {  	_ =	shalt  }
0x72: {  	_ =	shalt  }
0x73: {  	_ =	shalt  }
0x74: {  	_ =	shalt  }
0x75: {  	_ =	shalt  }
0x76: {  	_ =	shalt  }
0x77: {  	_ =	shalt  }
0x78: {  	_ =	shalt  }
0x79: {  	_ =	shalt  }
0x7a: {  	_ =	shalt  }
0x7b: {  	_ =	shalt  }
0x7c: {  	_ =	shalt  }
0x7d: {  	_ =	shalt  }
0x7e: {  	_ =	shalt  }
0x7f: {  	_ =	shalt  }
0x80: {  	_ =	shalt  }
0x81: {  	_ =	shalt  }
0x82: {  	_ =	shalt  }
0x83: {  	_ =	shalt  }
0x84: {  	_ =	shalt  }
0x85: {  	_ =	shalt  }
0x86: {  	_ =	shalt  }
0x87: {  	_ =	shalt  }
.Lfunc_end0:
.L_simem_size_0:
called_computation.1_lowered:
.L_overlay_start_0:
0x88: {  	s2 =	sld [smem:$0x3FD9]  }
0x89: {  	s3 =	sld [smem:$0x3FFE];
	_ =	sdelay $0x1  }
0x8a: {  	s1 =	srdreg.scid  }
0x8b: {  	s0 =	sand.u32 $0x1, s1  }
0x8c: {  	s17 =	sshll.u32 s0, $0xA;
	s2 =	sadd.s32 s3, s2  }
0x8d: {  	s2 =	sadd.s32 s2, s17  }
0x8e: {  	[smem:$0x3FC2] =	sst s2  }
0x8f: {  	_ = 	snop  }
0x90: {  	s2 =	sld [smem:$0x3FD0];
	(tm) =	ssettm $0x1  }
0x91: {  	s18 =	sld [smem:$0x3FFB];
	_ =	sdelay $0x3  }
0x92: {  	_ =	strace s18  }
0x93: {  	s3 =	sld [smem:$0x3FFC];
	_ =	sdelay $0x3  }
0x94: {  	_ =	strace s3  }
0x95: {  	s3 =	sld [smem:$0x3FFD];
	_ =	sdelay $0x3  }
0x96: {  	_ =	strace s3  }
0x97: {  	_ =	strace $0x8FFFFFFF  }
0x98: {  	s19 =	sld [smem:$0x3FDB];
	_ =	sdelay $0x1  }
0x99: {  	s4 =	simm.s32 $_scs_section_size  }
0x9a: {  	s5 =	simm.s32 $_size__tile_overlayer_lowered;
	s6 =	simm.s32 $_tile_overlayer_lowered  }
0x9b: {  	s22 =	simm.s32 $0x1BFF;
	s21 =	sshll.u32 s6, $0x1;
	s3 =	sadd.s32 s4, s19  }
0x9c: {  	s7 =	simm.s32 $0x0;
	s20 =	sshll.u32 s5, $0x1;
	s5 =	sadd.s32 s21, s3  }
0x9d: {  	[timem:s7], [sflag:s22] =	dma.local [hbm:s5], s20  }
0x9e: {  	_ =	swait.ge [sflag:s22], s20  }
0x9f: {  	s4 =	ssub.s32 $0x0, s20;
	[sflag:s22] =	ssyncset.done $0x0  }
0xa0: {  	[sflag:s22] =	ssyncadd.s32 s4;
	_ =	sdelay $0x1  }
0xa1: {  	s23 =	simm.s32 $0x1B8B  }
0xa2: {  	_ =	swait.ge [sflag:s23], $0x1  }
0xa3: {  	[sflag:s23] =	ssyncset.done $0x0  }
0xa4: {  	s25 =	simm.s32 $0x1B8E;
	s24 =	sld [smem:$0x3FFE];
	[sflag:s23] =	ssyncadd.s32 $0xFFFFFFFF  }
0xa5: {  	s26 =	simm.s32 $execute0_lowered;
	[smem:$0x3FD2] =	sst s25  }
0xa6: {  	s5 =	sshll.u32 s26, $0x1;
	_ =	strace $0x80000049;
	[dreg:$0x1] =	wrdreg $0xFFFFFFFF  }
0xa7: {  	s28 =	simm.s32 $_size_execute0_lowered;
	s3 =	sadd.s32 s3, s5;
	[dreg:$0x0] =	wrdreg $0x0  }
0xa8: {  	s5 =	sshll.u32 s28, $0x1;
	[dreg:$0x2] =	wrdreg s3  }
0xa9: {  	[dreg:$0x3] =	wrdreg s5  }
0xaa: {  	[dreg:$0x4] =	wrdreg $0xC0  }
0xab: {  	_ =	task [dreg:s7], $0x5FFFF  }
0xac: {  	[dreg:$0x1] =	wrdreg $0xFFFFFFFF  }
0xad: {  	[dreg:$0x0] =	wrdreg $0x60  }
0xae: {  	[dreg:$0x2] =	wrdreg s2  }
0xaf: {  	[dreg:$0x3] =	wrdreg s24  }
0xb0: {  	[dreg:$0x4] =	wrdreg $0xBC000  }
0xb1: {  	[dreg:$0x5] =	wrdreg $0x9  }
0xb2: {  	_ =	task.clear_ibuf [dreg:s7], $0x6FFFF;
	_ =	strace $0x90000049  }
0xb3: {  	s29 =	simm.s32 $0x9;
	_ =	strace $0x8000004B  }
0xb4: {  	_ =	swait.ge [sflag:s29], $0x1  }
0xb5: {  	[sflag:s29] =	ssyncadd.s32 $0xFFFFFFFF  }
0xb6: {  	_ =	strace $0x9000004B  }
0xb7: {  	_ =	sfence  }
0xb8: {  	s30 =	sld [smem:$0x0];
	_ =	sdelay $0x2  }
0xb9: {  	s31 =	sshll.u32 s1, $0xD;
	s1 =	sshrl.u32 s1, $0x2  }
0xba: {  	s3 =	sand.u32 $0x4000, s31;
	s1 =	sadd.s32 s1, s30  }
0xbb: {  	s0 =	sor.u32 s3, s0;
	s1 =	sshll.u32 s1, $0x11  }
0xbc: {  	s0 =	sor.u32 s1, s0  }
0xbd: {  	s0 =	sadd.s32 $0x8F2B, s0  }
0xbe: {  	[sflag:s0] =	ssyncadd.remote.s32 $0x1  }
0xbf: {  	_ =	sfence.sel $0xFFFF  }
0xc0: {  	[dreg:$0x0] =	wrdreg $0xFFFFFFFF;
	(pc) =	sbr.abs _section_cstart, $3  }
0xc1: {  	[dreg:$0x1] =	wrdreg $0xFFFFFFFF  }
0xc2: {  	_ =	task.clear_ibuf [dreg:s7], $0x2FFFF;
	_ =	strace $0x9FFFFFFF  }
0xc3: {  	(tm) =	ssettm $0x7FFFFFFF  }
tec
execute0_lowered:
.L_overlay_start_1:
0x0: {  	(tag) =	ssettag $0x1  }
0x1: {  	s0 =	rddreg [dreg:$0x0]  }
0x2: {  	s1 =	rddreg [dreg:$0x1];
	s2 =	srdreg.scid  }
0x3: {  	s3 =	rddreg [dreg:$0x2];
	s9 =	stileid.u32;
	s6 =	simm.s32 $0x0  }
0x4: {  	s28 =	simm.s32 $0xA800;
	s29 =	simm.s32 $0x3;
	s30 =	simm.s32 $0x1400  }
0x5: {  	s31 =	simm.s32 $0x7D;
	s10 =	simm.s32 $0x0;
	s5 =	smul.u32 $0x13800, s9  }
0x6: {  	s2 =	sand.u32 $0x1, s2;
	[smem:$0x7FF] =	sst s6;
	s8 =	smul.u32 $0x4E000, s9  }
0x7: {  	s14 =	sadd.s32 $0x2E00, s1;
	s7 =	sadd.s32 $0x5B000, s1;
	s4 =	smul.u32 $0x138800, s2  }
0x8: {  	_ =	strace $0x8000004A;
	s15 =	ssub.s32 $0x2, s2;
	s17 =	sshrl.u32 s8, $0x2  }
0x9: {  	s2 =	sshll.u32 s2, $0x4;
	s16 =	sshrl.u32 s15, $0x1;
	s6 =	sadd.s32 s17, s3  }
0xa: {  	s2 =	sor.u32 s9, s2;
	s8 =	simm.s32 $0x2700;
	s19 =	sadd.s32 $0x1400, s6  }
0xb: {  	s9 =	simm.s32 $0x2780;
	s20 =	sadd.s32 $0x2800, s6;
	[dreg:$0x6] =	wrdreg s19  }
0xc: {  	s4 =	sadd.s32 s5, s4;
	s21 =	sadd.s32 $0x3C00, s6;
	[dreg:$0x7] =	wrdreg s20  }
0xd: {  	s2 =	smul.u32 $0x2800, s2;
	s22 =	sadd.s32 $0x5000, s6;
	[dreg:$0x8] =	wrdreg s21  }
0xe: {  	s5 =	simm.s32 $0x2;
	s23 =	sadd.s32 $0x6400, s6;
	[dreg:$0x9] =	wrdreg s22  }
0xf: {  	s4 =	sshrl.u32 s4, $0x3;
	s24 =	sadd.s32 $0x7800, s6;
	[dreg:$0xa] =	wrdreg s23  }
0x10: {  	s25 =	sadd.s32 $0x8C00, s6;
	s17 =	sadd.s32 $0xC800, s6;
	[dreg:$0xb] =	wrdreg s24  }
0x11: {  	s1 =	sadd.s32 s4, s1;
	s4 =	ssub.s32 s15, s16;
	[dreg:$0xc] =	wrdreg s25  }
0x12: {  	s15 =	sadd.s32 $0xA000, s6;
	s16 =	sadd.s32 $0xB400, s6;
	s26 =	sshrl.u32 s2, $0x3  }
0x13: {  	s19 =	sadd.s32 $0xF000, s6;
	s20 =	sadd.s32 $0x10400, s6;
	s25 =	sadd.s32 $0x11800, s6  }
0x14: {  	s1 =	sadd.s32 $0xCE00, s1;
	s18 =	smax.u32 s4, $0x1;
	s2 =	sadd.s32 $0x280, s26  }
0x15: {  	s21 =	sadd.s32 s14, s26;
	s22 =	sadd.s32 s7, s26;
	[dreg:$0x4] =	wrdreg s1  }
0x16: {  	s26 =	sadd.s32 $0x12C00, s6;
	s4 =	simm.s32 $0x6800;
	[dreg:$0x5] =	wrdreg s18  }
0x17: {  	s18 =	sadd.s32 $0xDC00, s6;
	s23 =	sadd.s32 s14, s2;
	s24 =	sadd.s32 s7, s2  }
0x18: {  	v0 =	vimm.f32 $0.0e+00;
	s1 =	simm.s32 $0x2800;
	s2 =	simm.s32 $0x1;
	s7 =	simm.s32 $0x1380  }
.LBB2_1:
0x19: {  	s12 =	simm.s32 $0x0  }
0x1a: {  	s11 =	sand.u32 $0x7E00, s12  }
0x1b: {  	s12 =	sand.u32 $0x70, s12;
	s13 =	sshrl.u32 s11, $0x2  }
0x1c: {  	s11 =	simm.s32 $0x40;
	s13 =	sor.u32 s12, s13;
	s12 =	simm.s32 $0x0  }
.LBB2_2:
0x1d: {  	p0 =	sne.s32 s11, $0x4FC0  }
0x1e: {  	[tilespmem:s13+$0xA800] =	vst v0;
	s12 =	sadd.s32 $0x10, s12;
	s13 =	smov.u32 s11;
	s11 =	sadd.s32 $0x40, s11  }
.Ltmp0:
0x1f: {  	(pc) =	sbr.rel @p0 .LBB2_2-.Ltmp0, $4  }
0x20: {  	_ = 	snop  }
0x21: {  	s13 =	sand.u32 $0x7E00, s13  }
0x22: {  	s14 =	sand.u32 $0x70, s12;
	s13 =	sshrl.u32 s13, $0x2  }
0x23: {  	s13 =	sor.u32 s14, s13  }
0x24: {  	[tilespmem:s13+$0xA800] =	vst v0  }
0x25: {  	[spmem:s6] =	stream.linear.scatter [tilespmem:s28], [sflag:$0x3], $0x1400, $0x38;
	[tilespmem:$0x1F480] =	vst v63  }
0x26: {  	_ =	swait.ge [sflag:s29], $0x1400  }
0x27: {  	[sflag:s29] =	ssyncset.done $0x0  }
0x28: {  	s11 =	rddreg [dreg:$0x6];
	[sflag:s29] =	ssyncadd.s32 $0xFFFFEC00  }
0x29: {  	[spmem:s11] =	stream.linear.scatter [tilespmem:s28], [sflag:$0x3], $0x1400, $0x38;
	[tilespmem:$0x1F480] =	vst v63  }
0x2a: {  	_ =	swait.ge [sflag:s29], $0x1400  }
0x2b: {  	[sflag:s29] =	ssyncset.done $0x0  }
0x2c: {  	s13 =	rddreg [dreg:$0x7];
	[sflag:s29] =	ssyncadd.s32 $0xFFFFEC00  }
0x2d: {  	[spmem:s13] =	stream.linear.scatter [tilespmem:s28], [sflag:$0x3], $0x1400, $0x38;
	[tilespmem:$0x1F480] =	vst v63  }
0x2e: {  	_ =	swait.ge [sflag:s29], $0x1400  }
0x2f: {  	[sflag:s29] =	ssyncset.done $0x0  }
0x30: {  	s14 =	rddreg [dreg:$0x8];
	[sflag:s29] =	ssyncadd.s32 $0xFFFFEC00  }
0x31: {  	[spmem:s14] =	stream.linear.scatter [tilespmem:s28], [sflag:$0x3], $0x1400, $0x38;
	[tilespmem:$0x1F480] =	vst v63  }
0x32: {  	_ =	swait.ge [sflag:s29], $0x1400  }
0x33: {  	[sflag:s29] =	ssyncset.done $0x0  }
0x34: {  	s12 =	rddreg [dreg:$0x9];
	[sflag:s29] =	ssyncadd.s32 $0xFFFFEC00  }
0x35: {  	[spmem:s12] =	stream.linear.scatter [tilespmem:s28], [sflag:$0x3], $0x1400, $0x38;
	[tilespmem:$0x1F480] =	vst v63  }
0x36: {  	_ =	swait.ge [sflag:s29], $0x1400  }
0x37: {  	[sflag:s29] =	ssyncset.done $0x0  }
0x38: {  	s13 =	rddreg [dreg:$0xa];
	[sflag:s29] =	ssyncadd.s32 $0xFFFFEC00  }
0x39: {  	[spmem:s13] =	stream.linear.scatter [tilespmem:s28], [sflag:$0x3], $0x1400, $0x38;
	[tilespmem:$0x1F480] =	vst v63  }
0x3a: {  	_ =	swait.ge [sflag:s29], $0x1400  }
0x3b: {  	[sflag:s29] =	ssyncset.done $0x0  }
0x3c: {  	s14 =	rddreg [dreg:$0xb];
	[sflag:s29] =	ssyncadd.s32 $0xFFFFEC00  }
0x3d: {  	[spmem:s14] =	stream.linear.scatter [tilespmem:s28], [sflag:$0x3], $0x1400, $0x38;
	[tilespmem:$0x1F480] =	vst v63  }
0x3e: {  	_ =	swait.ge [sflag:s29], $0x1400  }
0x3f: {  	[sflag:s29] =	ssyncset.done $0x0  }
0x40: {  	s12 =	rddreg [dreg:$0xc];
	[sflag:s29] =	ssyncadd.s32 $0xFFFFEC00  }
0x41: {  	[spmem:s12] =	stream.linear.scatter [tilespmem:s28], [sflag:$0x3], $0x1400, $0x38;
	[tilespmem:$0x1F480] =	vst v63  }
0x42: {  	_ =	swait.ge [sflag:s29], $0x1400  }
0x43: {  	[sflag:s29] =	ssyncset.done $0x0  }
0x44: {  	[sflag:s29] =	ssyncadd.s32 $0xFFFFEC00  }
0x45: {  	[spmem:s15] =	stream.linear.scatter [tilespmem:s28], [sflag:$0x3], $0x1400, $0x38;
	[tilespmem:$0x1F480] =	vst v63  }
0x46: {  	_ =	swait.ge [sflag:s29], $0x1400  }
0x47: {  	[sflag:s29] =	ssyncset.done $0x0  }
0x48: {  	[sflag:s29] =	ssyncadd.s32 $0xFFFFEC00  }
0x49: {  	[spmem:s16] =	stream.linear.scatter [tilespmem:s28], [sflag:$0x3], $0x1400, $0x38;
	[tilespmem:$0x1F480] =	vst v63  }
0x4a: {  	_ =	swait.ge [sflag:s29], $0x1400  }
0x4b: {  	[sflag:s29] =	ssyncset.done $0x0  }
0x4c: {  	[sflag:s29] =	ssyncadd.s32 $0xFFFFEC00  }
0x4d: {  	[spmem:s17] =	stream.linear.scatter [tilespmem:s28], [sflag:$0x3], $0x1400, $0x38;
	[tilespmem:$0x1F480] =	vst v63  }
0x4e: {  	_ =	swait.ge [sflag:s29], $0x1400  }
0x4f: {  	[sflag:s29] =	ssyncset.done $0x0  }
0x50: {  	[sflag:s29] =	ssyncadd.s32 $0xFFFFEC00  }
0x51: {  	[spmem:s18] =	stream.linear.scatter [tilespmem:s28], [sflag:$0x3], $0x1400, $0x38;
	[tilespmem:$0x1F480] =	vst v63  }
0x52: {  	_ =	swait.ge [sflag:s29], $0x1400  }
0x53: {  	[sflag:s29] =	ssyncset.done $0x0  }
0x54: {  	[sflag:s29] =	ssyncadd.s32 $0xFFFFEC00  }
0x55: {  	[spmem:s19] =	stream.linear.scatter [tilespmem:s28], [sflag:$0x3], $0x1400, $0x38;
	[tilespmem:$0x1F480] =	vst v63  }
0x56: {  	_ =	swait.ge [sflag:s29], $0x1400  }
0x57: {  	[sflag:s29] =	ssyncset.done $0x0  }
0x58: {  	[sflag:s29] =	ssyncadd.s32 $0xFFFFEC00  }
0x59: {  	[spmem:s20] =	stream.linear.scatter [tilespmem:s28], [sflag:$0x3], $0x1400, $0x38;
	[tilespmem:$0x1F480] =	vst v63  }
0x5a: {  	_ =	swait.ge [sflag:s29], $0x1400  }
0x5b: {  	[sflag:s29] =	ssyncset.done $0x0  }
0x5c: {  	[sflag:s29] =	ssyncadd.s32 $0xFFFFEC00  }
0x5d: {  	[spmem:s25] =	stream.linear.scatter [tilespmem:s28], [sflag:$0x3], $0x1400, $0x38;
	[tilespmem:$0x1F480] =	vst v63  }
0x5e: {  	_ =	swait.ge [sflag:s29], $0x1400  }
0x5f: {  	[sflag:s29] =	ssyncset.done $0x0  }
0x60: {  	[sflag:s29] =	ssyncadd.s32 $0xFFFFEC00  }
0x61: {  	[spmem:s26] =	stream.linear.scatter [tilespmem:s28], [sflag:$0x3], $0x1400, $0x38;
	[tilespmem:$0x1F480] =	vst v63  }
0x62: {  	_ =	swait.ge [sflag:s29], $0x1400  }
0x63: {  	[sflag:s29] =	ssyncset.done $0x0  }
0x64: {  	[sflag:s29] =	ssyncadd.s32 $0xFFFFEC00  }
0x65: {  	s13 =	simm.s32 $0x0;
	[bflag:$0x0] =	sbarrier.arrive $0xFFFF  }
0x66: {  	[tilespmem:s13], [sflag:$0x3] =	stream.linear.gather [hbm4b:s21+s13], $0x1400, $0x38;
	[tilespmem:$0x1F480] =	vst v63  }
0x67: {  	_ =	swait.ge [sflag:s29], $0x1400  }
0x68: {  	[sflag:s29] =	ssyncset.done $0x0  }
0x69: {  	[sflag:s29] =	ssyncadd.s32 $0xFFFFEC00  }
0x6a: {  	[tilespmem:s30], [sflag:$0x3] =	stream.linear.gather [hbm4b:s22+s13], $0x1400, $0x38;
	[tilespmem:$0x1F480] =	vst v63  }
0x6b: {  	_ =	swait.ge [sflag:s29], $0x1400  }
0x6c: {  	[sflag:s29] =	ssyncset.done $0x0  }
0x6d: {  	[sflag:s29] =	ssyncadd.s32 $0xFFFFEC00  }
0x6e: {  	[tilespmem:s1], [sflag:$0x1] =	stream.indirect.gather [hbm4b:s0+s31], $0x80, s13, s31, $0xb8;
	[tilespmem:$0x1F480] =	vst v63  }
0x6f: {  	_ =	swait.ge [sflag:s2], $0x3E80  }
0x70: {  	[sflag:s2] =	ssyncset.done $0x0  }
0x71: {  	s14 =	simm.s32 $0x80;
	[sflag:s2] =	ssyncadd.s32 $0xFFFFC180  }
0x72: {  	[tilespmem:s4], [sflag:$0x2] =	stream.indirect.gather [hbm4b:s0+s31], $0x80, s14, s31, $0xb8;
	[tilespmem:$0x1F480] =	vst v63  }
0x73: {  	s12 =	simm.s32 $0x1400  }
0x74: {  	[spmem:s3] =	stream.indirect.scatter.add.f32 [tilespmem:s1], [sflag:$0x3], $0x80, s12, s31, $0xb8;
	[tilespmem:$0x1F480] =	vst v63  }
0x75: {  	_ =	swait.ge [sflag:s29], $0x3E80  }
0x76: {  	[sflag:s29] =	ssyncset.done $0x0  }
0x77: {  	[sflag:s29] =	ssyncadd.s32 $0xFFFFC180  }
0x78: {  	_ =	swait.ge [sflag:s5], $0x3E80  }
0x79: {  	[sflag:s5] =	ssyncset.done $0x0  }
0x7a: {  	s13 =	simm.s32 $0x100;
	[sflag:s5] =	ssyncadd.s32 $0xFFFFC180  }
0x7b: {  	[tilespmem:s1], [sflag:$0x1] =	stream.indirect.gather [hbm4b:s0+s31], $0x80, s13, s31, $0xb8;
	[tilespmem:$0x1F480] =	vst v63  }
0x7c: {  	s14 =	simm.s32 $0x1480  }
0x7d: {  	[spmem:s3] =	stream.indirect.scatter.add.f32 [tilespmem:s4], [sflag:$0x3], $0x80, s14, s31, $0xb8;
	[tilespmem:$0x1F480] =	vst v63  }
0x7e: {  	_ =	swait.ge [sflag:s29], $0x3E80  }
0x7f: {  	s11 =	simm.s32 $0x400;
	[sflag:s29] =	ssyncset.done $0x0  }
.LBB2_4:
0x80: {  	p0 =	sne.s32 s11, $0x4800  }
0x81: {  	[sflag:s29] =	ssyncadd.s32 $0xFFFFC180;
	s12 =	smov.u32 s11;
	s11 =	sadd.s32 $0x400, s11  }
0x82: {  	_ = 	snop  }
0x83: {  	_ =	swait.ge [sflag:s2], $0x3E80  }
0x84: {  	s12 =	sshra.s32 s12, $0x2;
	[sflag:s2] =	ssyncset.done $0x0  }
0x85: {  	s13 =	sadd.s32 $0x80, s12;
	[sflag:s2] =	ssyncadd.s32 $0xFFFFC180  }
0x86: {  	[tilespmem:s4], [sflag:$0x2] =	stream.indirect.gather [hbm4b:s0+s31], $0x80, s13, s31, $0xb8;
	[tilespmem:$0x1F480] =	vst v63  }
0x87: {  	s13 =	sadd.s32 $0x1400, s12  }
0x88: {  	[spmem:s3] =	stream.indirect.scatter.add.f32 [tilespmem:s1], [sflag:$0x3], $0x80, s13, s31, $0xb8;
	[tilespmem:$0x1F480] =	vst v63  }
0x89: {  	_ =	swait.ge [sflag:s29], $0x3E80  }
0x8a: {  	[sflag:s29] =	ssyncset.done $0x0  }
0x8b: {  	[sflag:s29] =	ssyncadd.s32 $0xFFFFC180  }
0x8c: {  	_ =	swait.ge [sflag:s5], $0x3E80  }
0x8d: {  	[sflag:s5] =	ssyncset.done $0x0  }
0x8e: {  	s13 =	sadd.s32 $0x100, s12;
	[sflag:s5] =	ssyncadd.s32 $0xFFFFC180  }
0x8f: {  	[tilespmem:s1], [sflag:$0x1] =	stream.indirect.gather [hbm4b:s0+s31], $0x80, s13, s31, $0xb8;
	[tilespmem:$0x1F480] =	vst v63  }
.Ltmp1:
0x90: {  	_ = 	snop;
	(pc) =	sbr.rel @p0 .LBB2_4-.Ltmp1, $4  }
0x91: {  	s12 =	sadd.s32 $0x1480, s12  }
0x92: {  	[spmem:s3] =	stream.indirect.scatter.add.f32 [tilespmem:s4], [sflag:$0x3], $0x80, s12, s31, $0xb8;
	[tilespmem:$0x1F480] =	vst v63  }
0x93: {  	_ =	swait.ge [sflag:s29], $0x3E80  }
0x94: {  	[sflag:s29] =	ssyncset.done $0x0  }
0x95: {  	[sflag:s29] =	ssyncadd.s32 $0xFFFFC180  }
0x96: {  	_ =	swait.ge [sflag:s2], $0x3E80  }
0x97: {  	[sflag:s2] =	ssyncset.done $0x0  }
0x98: {  	[sflag:s2] =	ssyncadd.s32 $0xFFFFC180  }
0x99: {  	[tilespmem:s4], [sflag:$0x2] =	stream.indirect.gather [hbm4b:s0+s31], $0x80, s7, s31, $0xb8;
	[tilespmem:$0x1F480] =	vst v63  }
0x9a: {  	_ = 	snop  }
0x9b: {  	[spmem:s3] =	stream.indirect.scatter.add.f32 [tilespmem:s1], [sflag:$0x3], $0x80, s8, s31, $0xb8;
	[tilespmem:$0x1F480] =	vst v63  }
0x9c: {  	_ =	swait.ge [sflag:s29], $0x3E80  }
0x9d: {  	[sflag:s29] =	ssyncset.done $0x0  }
0x9e: {  	[sflag:s29] =	ssyncadd.s32 $0xFFFFC180  }
0x9f: {  	_ =	swait.ge [sflag:s5], $0x3E80  }
0xa0: {  	[sflag:s5] =	ssyncset.done $0x0  }
0xa1: {  	[sflag:s5] =	ssyncadd.s32 $0xFFFFC180  }
0xa2: {  	[spmem:s3] =	stream.indirect.scatter.add.f32 [tilespmem:s4], [sflag:$0x3], $0x80, s9, s31, $0xb8;
	[tilespmem:$0x1F480] =	vst v63  }
0xa3: {  	_ =	swait.ge [sflag:s29], $0x3E80  }
0xa4: {  	[sflag:s29] =	ssyncset.done $0x0  }
0xa5: {  	s11 =	simm.s32 $0x0;
	[sflag:s29] =	ssyncadd.s32 $0xFFFFC180  }
0xa6: {  	[tilespmem:s11], [sflag:$0x3] =	stream.linear.gather [hbm4b:s23+s11], $0x1400, $0x38;
	[tilespmem:$0x1F480] =	vst v63  }
0xa7: {  	_ =	swait.ge [sflag:s29], $0x1400  }
0xa8: {  	[sflag:s29] =	ssyncset.done $0x0  }
0xa9: {  	[sflag:s29] =	ssyncadd.s32 $0xFFFFEC00  }
0xaa: {  	[tilespmem:s30], [sflag:$0x3] =	stream.linear.gather [hbm4b:s24+s11], $0x1400, $0x38;
	[tilespmem:$0x1F480] =	vst v63  }
0xab: {  	_ =	swait.ge [sflag:s29], $0x1400  }
0xac: {  	[sflag:s29] =	ssyncset.done $0x0  }
0xad: {  	[sflag:s29] =	ssyncadd.s32 $0xFFFFEC00  }
0xae: {  	[tilespmem:s1], [sflag:$0x1] =	stream.indirect.gather [hbm4b:s0+s31], $0x80, s11, s31, $0xb8;
	[tilespmem:$0x1F480] =	vst v63  }
0xaf: {  	_ =	swait.ge [sflag:s2], $0x3E80  }
0xb0: {  	[sflag:s2] =	ssyncset.done $0x0  }
0xb1: {  	s14 =	simm.s32 $0x80;
	[sflag:s2] =	ssyncadd.s32 $0xFFFFC180  }
0xb2: {  	[tilespmem:s4], [sflag:$0x2] =	stream.indirect.gather [hbm4b:s0+s31], $0x80, s14, s31, $0xb8;
	[tilespmem:$0x1F480] =	vst v63  }
0xb3: {  	s12 =	simm.s32 $0x1400  }
0xb4: {  	[spmem:s3] =	stream.indirect.scatter.add.f32 [tilespmem:s1], [sflag:$0x3], $0x80, s12, s31, $0xb8;
	[tilespmem:$0x1F480] =	vst v63  }
0xb5: {  	_ =	swait.ge [sflag:s29], $0x3E80  }
0xb6: {  	[sflag:s29] =	ssyncset.done $0x0  }
0xb7: {  	[sflag:s29] =	ssyncadd.s32 $0xFFFFC180  }
0xb8: {  	_ =	swait.ge [sflag:s5], $0x3E80  }
0xb9: {  	[sflag:s5] =	ssyncset.done $0x0  }
0xba: {  	s13 =	simm.s32 $0x100;
	[sflag:s5] =	ssyncadd.s32 $0xFFFFC180  }
0xbb: {  	[tilespmem:s1], [sflag:$0x1] =	stream.indirect.gather [hbm4b:s0+s31], $0x80, s13, s31, $0xb8;
	[tilespmem:$0x1F480] =	vst v63  }
0xbc: {  	s14 =	simm.s32 $0x1480  }
0xbd: {  	[spmem:s3] =	stream.indirect.scatter.add.f32 [tilespmem:s4], [sflag:$0x3], $0x80, s14, s31, $0xb8;
	[tilespmem:$0x1F480] =	vst v63  }
0xbe: {  	_ =	swait.ge [sflag:s29], $0x3E80  }
0xbf: {  	s11 =	simm.s32 $0x400;
	[sflag:s29] =	ssyncset.done $0x0  }
.LBB2_6:
0xc0: {  	p0 =	sne.s32 s11, $0x4800  }
0xc1: {  	[sflag:s29] =	ssyncadd.s32 $0xFFFFC180;
	s12 =	smov.u32 s11;
	s11 =	sadd.s32 $0x400, s11  }
0xc2: {  	_ = 	snop  }
0xc3: {  	_ =	swait.ge [sflag:s2], $0x3E80  }
0xc4: {  	s12 =	sshra.s32 s12, $0x2;
	[sflag:s2] =	ssyncset.done $0x0  }
0xc5: {  	s13 =	sadd.s32 $0x80, s12;
	[sflag:s2] =	ssyncadd.s32 $0xFFFFC180  }
0xc6: {  	[tilespmem:s4], [sflag:$0x2] =	stream.indirect.gather [hbm4b:s0+s31], $0x80, s13, s31, $0xb8;
	[tilespmem:$0x1F480] =	vst v63  }
0xc7: {  	s13 =	sadd.s32 $0x1400, s12  }
0xc8: {  	[spmem:s3] =	stream.indirect.scatter.add.f32 [tilespmem:s1], [sflag:$0x3], $0x80, s13, s31, $0xb8;
	[tilespmem:$0x1F480] =	vst v63  }
0xc9: {  	_ =	swait.ge [sflag:s29], $0x3E80  }
0xca: {  	[sflag:s29] =	ssyncset.done $0x0  }
0xcb: {  	[sflag:s29] =	ssyncadd.s32 $0xFFFFC180  }
0xcc: {  	_ =	swait.ge [sflag:s5], $0x3E80  }
0xcd: {  	[sflag:s5] =	ssyncset.done $0x0  }
0xce: {  	s13 =	sadd.s32 $0x100, s12;
	[sflag:s5] =	ssyncadd.s32 $0xFFFFC180  }
0xcf: {  	[tilespmem:s1], [sflag:$0x1] =	stream.indirect.gather [hbm4b:s0+s31], $0x80, s13, s31, $0xb8;
	[tilespmem:$0x1F480] =	vst v63  }
.Ltmp2:
0xd0: {  	_ = 	snop;
	(pc) =	sbr.rel @p0 .LBB2_6-.Ltmp2, $4  }
0xd1: {  	s12 =	sadd.s32 $0x1480, s12  }
0xd2: {  	[spmem:s3] =	stream.indirect.scatter.add.f32 [tilespmem:s4], [sflag:$0x3], $0x80, s12, s31, $0xb8;
	[tilespmem:$0x1F480] =	vst v63  }
0xd3: {  	_ =	swait.ge [sflag:s29], $0x3E80  }
0xd4: {  	[sflag:s29] =	ssyncset.done $0x0  }
0xd5: {  	[sflag:s29] =	ssyncadd.s32 $0xFFFFC180  }
0xd6: {  	_ =	swait.ge [sflag:s2], $0x3E80  }
0xd7: {  	[sflag:s2] =	ssyncset.done $0x0  }
0xd8: {  	[sflag:s2] =	ssyncadd.s32 $0xFFFFC180  }
0xd9: {  	[tilespmem:s4], [sflag:$0x2] =	stream.indirect.gather [hbm4b:s0+s31], $0x80, s7, s31, $0xb8;
	[tilespmem:$0x1F480] =	vst v63  }
0xda: {  	_ = 	snop  }
0xdb: {  	[spmem:s3] =	stream.indirect.scatter.add.f32 [tilespmem:s1], [sflag:$0x3], $0x80, s8, s31, $0xb8;
	[tilespmem:$0x1F480] =	vst v63  }
0xdc: {  	_ =	swait.ge [sflag:s29], $0x3E80  }
0xdd: {  	[sflag:s29] =	ssyncset.done $0x0  }
0xde: {  	[sflag:s29] =	ssyncadd.s32 $0xFFFFC180  }
0xdf: {  	_ =	swait.ge [sflag:s5], $0x3E80  }
0xe0: {  	[sflag:s5] =	ssyncset.done $0x0  }
0xe1: {  	[sflag:s5] =	ssyncadd.s32 $0xFFFFC180  }
0xe2: {  	[spmem:s3] =	stream.indirect.scatter.add.f32 [tilespmem:s4], [sflag:$0x3], $0x80, s9, s31, $0xb8;
	[tilespmem:$0x1F480] =	vst v63  }
0xe3: {  	_ =	swait.ge [sflag:s29], $0x3E80  }
0xe4: {  	[sflag:s29] =	ssyncset.done $0x0  }
0xe5: {  	s11 =	stileid.u32;
	[sflag:s29] =	ssyncadd.s32 $0xFFFFC180  }
0xe6: {  	s11 =	sshll.u32 s11, $0x6;
	[bflag:$0x0] =	sbarrier.arrive $0xFFFF  }
0xe7: {  	s12 =	sshrl.u32 s6, $0x3;
	s11 =	sor.u32 $0x1C03, s11;
	s13 =	rddreg [dreg:$0x4]  }
0xe8: {  	[hbm:s13], [sflag:s11] =	dma.local [spmem:s12], $0x2800  }
0xe9: {  	_ =	swait.ge [sflag:s29], $0x2800  }
0xea: {  	s10 =	sadd.s32 $0x1, s10;
	s14 =	rddreg [dreg:$0x5]  }
0xeb: {  	p0 =	sne.s32 s10, s14  }
.Ltmp3:
0xec: {  	_ = 	snop;
	(pc) =	sbr.rel @p0 .LBB2_1-.Ltmp3, $3  }
0xed: {  	_ =	sdelay $0x1  }
0xee: {  	[sflag:s29] =	ssyncset.done $0x0  }
0xef: {  	[sflag:s29] =	ssyncadd.s32 $0xFFFFD800  }
0xf0: {  	_ =	sfence.sel $0x180000  }
0xf1: {  	[bflag:$0x0] =	sbarrier.arrive $0xFFFF  }
0xf2: {  	_ =	strace $0x9000004A  }
0xf3: {  	s0 =	stileid.u32;
	[bflag:$0x2] =	sbarrier.arrive $0xFFFF  }
0xf4: {  	p0 =	sne.s32 s0, $0x0;
	s0 =	rddreg [dreg:$0x3]  }
0xf5: {  	s0 =	sadd.s32 @!p0 $0x100000, s0  }
0xf6: {  	[sflag:s0] =	ssyncadd.tile.s32 @!p0 $0x1;
	_ =	shalt  }
.Lfunc_end2:
_tile_overlayer_lowered:
.L_overlay_start_2:
0xf7: {  	(tag) =	ssettag $0x2  }
0xf8: {  	s0 =	rddreg [dreg:$0x0];
	s2 =	stileid.u32  }
0xf9: {  	s1 =	rddreg [dreg:$0x1];
	p0 =	sne.s32 s2, $0x0  }
0xfa: {  	s3 =	rddreg [dreg:$0x2];
	[bflag:$0x3] =	sbarrier.arrive $0xFFFF;
	s2 =	simm.s32 @!p0 $0x1C03  }
0xfb: {  	[timem:s3], [sflag:s2] =	dma.local @!p0 [hbm:s0], s1  }
0xfc: {  	s0 =	simm.s32 @!p0 $0x3  }
0xfd: {  	_ =	swait.ge @!p0 [sflag:s0], s1  }
0xfe: {  	s1 =	ssub.s32 @!p0 $0x0, s1;
	[sflag:s0] =	ssyncset.done @!p0 $0x0  }
0xff: {  	[sflag:s0] =	ssyncadd.s32 @!p0 s1  }
0x100: {  	[bflag:$0x3] =	sbarrier.arrive $0xFFFF  }
0x101: {  	_ =	shalt  }

// kernel: kernel.20.cloned.1.call-start
scs
__scs_entry_jumppad:
0x0: {  	(pc) =	sbr.rel $0x88, $3  }
0x1: {  	(tag) =	ssettag $0x0;
	lr =	simm.s32 $0x1  }
0x2: {  	[smem:$0x3F9B] =	sst lr;
	_ =	strace $0xD0000000  }
0x3: {  	_ = 	snop  }
0x4: {  	_ = 	snop  }
0x5: {  	_ = 	snop  }
0x6: {  	_ = 	snop  }
0x7: {  	_ = 	snop  }
__scs_overlays_trampoline_lowered:
0x8: {  	[smem:$0x3FAA] =	sst s0  }
0x9: {  	[smem:$0x3FAB] =	sst s1  }
0xa: {  	[smem:$0x3FAC] =	sst s2  }
0xb: {  	[smem:$0x3FAD] =	sst s3  }
0xc: {  	[smem:$0x3FAE] =	sst s4  }
0xd: {  	[smem:$0x3FAF] =	sst s5  }
0xe: {  	[smem:$0x3FB0] =	sst s6  }
0xf: {  	[smem:$0x3FB1] =	sst s7  }
0x10: {  	[smem:$0x3FB2] =	sst s8  }
0x11: {  	[smem:$0x3FB3] =	sst s9;
	s0 =	simm.s32 @!p0 $0x0  }
0x12: {  	s1 =	sld [smem:$0x3F99];
	s0 =	simm.s32 @p0 $0x1  }
0x13: {  	[smem:$0x3FB4] =	sst s0;
	s0 =	simm.s32 @!p1 $0x0  }
0x14: {  	s2 =	sld [smem:$0x3F98];
	s0 =	simm.s32 @p1 $0x1  }
0x15: {  	[smem:$0x3FB5] =	sst s0;
	s0 =	simm.s32 @!p2 $0x0  }
0x16: {  	s3 =	sld [smem:$0x3FDB];
	s0 =	simm.s32 @p2 $0x1  }
0x17: {  	s4 =	simm.s32 $0x1BF5;
	[smem:$0x3FB7] =	sst s0  }
0x18: {  	s0 =	sld [smem:$0x3F9A];
	_ =	swait.ge [sflag:s4], $0x0  }
0x19: {  	s7 =	sld [smem:$0x3F9B]  }
0x1a: {  	s8 =	sadd.s32 $0xFFFFE003, lr  }
0x1b: {  	s9 =	sadd.s32 $0xFFFFFEF7, lr;
	s5 =	simm.s32 $0xFFFFFFFF;
	p2 =	slt.u32 s8, $0xFFFFF086  }
0x1c: {  	p1 =	slt.u32 s9, $0xF7A;
	s5 =	simm.s32 @!p2 $0x0  }
0x1d: {  	s5 =	simm.s32 @p1 $0x1;
	p0 =	seq.s32 s7, s2  }
0x1e: {  	s7 =	smul.u32 @!p0 $0xF7A, s2;
	p2 =	seq.s32 @!p0 s5, $0x0  }
0x1f: {  	s9 =	smul.u32 $0xF7A, s1;
	s8 =	simm.s32 @!p0 $0x1BF5;
	p2 =	por !p2, p0  }
0x20: {  	[sflag:s8] =	ssyncset.s32 @!p0 $0xFFFFF086;
	s6 =	sadd.s32 @!p0 s3, s7;
	s7 =	simm.s32 @!p0 $0x108  }
0x21: {  	s3 =	sadd.s32 s3, s9;
	s6 =	sadd.s32 @!p0 $0x88, s6;
	s7 =	simm.s32 @p2 $0x1082  }
0x22: {  	[simem:s7], [sflag:s8] =	dma.local @!p0 [hbm:s6], $0xF7A  }
0x23: {  	s9 =	sor.u32 $0xD0000000, s2;
	s6 =	simm.s32 $0x108;
	_ =	swait.ge @!p0 [sflag:s8], $0x0  }
0x24: {  	s3 =	sadd.s32 $0x88, s3;
	s6 =	simm.s32 @!p1 $0x1082;
	[sflag:s4] =	ssyncset.s32 $0xFFFFF086  }
0x25: {  	[simem:s6], [sflag:s4] =	dma.local [hbm:s3], $0xF7A  }
0x26: {  	[smem:$0x3F9B] =	sst s1;
	(tag) =	ssettag s2;
	_ =	strace s9  }
0x27: {  	s1 =	sld [smem:$0x3FAB]  }
0x28: {  	s2 =	sld [smem:$0x3FAC]  }
0x29: {  	s4 =	sld [smem:$0x3FAE]  }
0x2a: {  	p0 =	seq.s32 s5, $0x0;
	s5 =	sld [smem:$0x3FAF]  }
0x2b: {  	s6 =	sld [smem:$0x3FB0]  }
0x2c: {  	s7 =	sld [smem:$0x3FB1]  }
0x2d: {  	s3 =	simm.s32 $0x108;
	s8 =	sld [smem:$0x3FB2]  }
0x2e: {  	s3 =	simm.s32 @!p0 $0x1082;
	s9 =	sld [smem:$0x3FB3]  }
0x2f: {  	lr =	sadd.s32 s0, s3;
	s0 =	sld [smem:$0x3FAA]  }
0x30: {  	s3 =	sld [smem:$0x3FAD]  }
0x31: {  	[smem:$0x3FB6] =	sst s10  }
0x32: {  	s10 =	sld [smem:$0x3FB4];
	_ =	sdelay $0x3  }
0x33: {  	p0 =	seq.s32 s10, $0x1;
	s10 =	sld [smem:$0x3FB6];
	_ =	sdelay $0x3  }
0x34: {  	[smem:$0x3FB6] =	sst s10  }
0x35: {  	s10 =	sld [smem:$0x3FB5];
	_ =	sdelay $0x3  }
0x36: {  	p1 =	seq.s32 s10, $0x1;
	s10 =	sld [smem:$0x3FB6];
	_ =	sdelay $0x3  }
0x37: {  	[smem:$0x3FB6] =	sst s10  }
0x38: {  	s10 =	sld [smem:$0x3FB7]  }
0x39: {  	_ = 	snop;
	(pc) =	sbr.ind lr, $3  }
0x3a: {  	_ = 	snop  }
0x3b: {  	_ = 	snop  }
0x3c: {  	p2 =	seq.s32 s10, $0x1;
	s10 =	sld [smem:$0x3FB6]  }
0x3d: {  	_ =	shalt  }
0x3e: {  	_ =	shalt  }
0x3f: {  	_ =	shalt  }
0x40: {  	_ =	shalt  }
0x41: {  	_ =	shalt  }
0x42: {  	_ =	shalt  }
0x43: {  	_ =	shalt  }
0x44: {  	_ =	shalt  }
0x45: {  	_ =	shalt  }
0x46: {  	_ =	shalt  }
0x47: {  	_ =	shalt  }
0x48: {  	_ =	shalt  }
0x49: {  	_ =	shalt  }
0x4a: {  	_ =	shalt  }
0x4b: {  	_ =	shalt  }
0x4c: {  	_ =	shalt  }
0x4d: {  	_ =	shalt  }
0x4e: {  	_ =	shalt  }
0x4f: {  	_ =	shalt  }
0x50: {  	_ =	shalt  }
0x51: {  	_ =	shalt  }
0x52: {  	_ =	shalt  }
0x53: {  	_ =	shalt  }
0x54: {  	_ =	shalt  }
0x55: {  	_ =	shalt  }
0x56: {  	_ =	shalt  }
0x57: {  	_ =	shalt  }
0x58: {  	_ =	shalt  }
0x59: {  	_ =	shalt  }
0x5a: {  	_ =	shalt  }
0x5b: {  	_ =	shalt  }
0x5c: {  	_ =	shalt  }
0x5d: {  	_ =	shalt  }
0x5e: {  	_ =	shalt  }
0x5f: {  	_ =	shalt  }
0x60: {  	_ =	shalt  }
0x61: {  	_ =	shalt  }
0x62: {  	_ =	shalt  }
0x63: {  	_ =	shalt  }
0x64: {  	_ =	shalt  }
0x65: {  	_ =	shalt  }
0x66: {  	_ =	shalt  }
0x67: {  	_ =	shalt  }
0x68: {  	_ =	shalt  }
0x69: {  	_ =	shalt  }
0x6a: {  	_ =	shalt  }
0x6b: {  	_ =	shalt  }
0x6c: {  	_ =	shalt  }
0x6d: {  	_ =	shalt  }
0x6e: {  	_ =	shalt  }
0x6f: {  	_ =	shalt  }
0x70: {  	_ =	shalt  }
0x71: {  	_ =	shalt  }
0x72: {  	_ =	shalt  }
0x73: {  	_ =	shalt  }
0x74: {  	_ =	shalt  }
0x75: {  	_ =	shalt  }
0x76: {  	_ =	shalt  }
0x77: {  	_ =	shalt  }
0x78: {  	_ =	shalt  }
0x79: {  	_ =	shalt  }
0x7a: {  	_ =	shalt  }
0x7b: {  	_ =	shalt  }
0x7c: {  	_ =	shalt  }
0x7d: {  	_ =	shalt  }
0x7e: {  	_ =	shalt  }
0x7f: {  	_ =	shalt  }
0x80: {  	_ =	shalt  }
0x81: {  	_ =	shalt  }
0x82: {  	_ =	shalt  }
0x83: {  	_ =	shalt  }
0x84: {  	_ =	shalt  }
0x85: {  	_ =	shalt  }
0x86: {  	_ =	shalt  }
0x87: {  	_ =	shalt  }
.Lfunc_end0:
.L_simem_size_0:
called_computation.2_lowered:
.L_overlay_start_0:
0x88: {  	s2 =	sld [smem:$0x3FD9]  }
0x89: {  	s3 =	sld [smem:$0x3FFE];
	_ =	sdelay $0x1  }
0x8a: {  	s1 =	srdreg.scid  }
0x8b: {  	s0 =	sand.u32 $0x1, s1  }
0x8c: {  	s17 =	sshll.u32 s0, $0xA;
	s2 =	sadd.s32 s3, s2  }
0x8d: {  	s2 =	sadd.s32 s2, s17  }
0x8e: {  	[smem:$0x3FC2] =	sst s2  }
0x8f: {  	_ = 	snop  }
0x90: {  	s2 =	sld [smem:$0x3FD0];
	(tm) =	ssettm $0x1  }
0x91: {  	s18 =	sld [smem:$0x3FFB];
	_ =	sdelay $0x3  }
0x92: {  	_ =	strace s18  }
0x93: {  	s3 =	sld [smem:$0x3FFC];
	_ =	sdelay $0x3  }
0x94: {  	_ =	strace s3  }
0x95: {  	s3 =	sld [smem:$0x3FFD];
	_ =	sdelay $0x3  }
0x96: {  	_ =	strace s3  }
0x97: {  	_ =	strace $0x8FFFFFFF  }
0x98: {  	s19 =	sld [smem:$0x3FDB];
	_ =	sdelay $0x1  }
0x99: {  	s4 =	simm.s32 $_scs_section_size  }
0x9a: {  	s5 =	simm.s32 $_size__tile_overlayer_lowered;
	s6 =	simm.s32 $_tile_overlayer_lowered  }
0x9b: {  	s22 =	simm.s32 $0x1BFF;
	s21 =	sshll.u32 s6, $0x1;
	s3 =	sadd.s32 s4, s19  }
0x9c: {  	s7 =	simm.s32 $0x0;
	s20 =	sshll.u32 s5, $0x1;
	s5 =	sadd.s32 s21, s3  }
0x9d: {  	[timem:s7], [sflag:s22] =	dma.local [hbm:s5], s20  }
0x9e: {  	_ =	swait.ge [sflag:s22], s20  }
0x9f: {  	s4 =	ssub.s32 $0x0, s20;
	[sflag:s22] =	ssyncset.done $0x0  }
0xa0: {  	[sflag:s22] =	ssyncadd.s32 s4;
	_ =	sdelay $0x1  }
0xa1: {  	s23 =	simm.s32 $0x1B8B  }
0xa2: {  	_ =	swait.ge [sflag:s23], $0x1  }
0xa3: {  	[sflag:s23] =	ssyncset.done $0x0  }
0xa4: {  	s25 =	simm.s32 $0x1B8E;
	s24 =	sld [smem:$0x3FFE];
	[sflag:s23] =	ssyncadd.s32 $0xFFFFFFFF  }
0xa5: {  	s26 =	simm.s32 $execute0_lowered;
	[smem:$0x3FD2] =	sst s25  }
0xa6: {  	s5 =	sshll.u32 s26, $0x1;
	_ =	strace $0x8000004C;
	[dreg:$0x1] =	wrdreg $0xFFFFFFFF  }
0xa7: {  	s28 =	simm.s32 $_size_execute0_lowered;
	s3 =	sadd.s32 s3, s5;
	[dreg:$0x0] =	wrdreg $0x0  }
0xa8: {  	s5 =	sshll.u32 s28, $0x1;
	[dreg:$0x2] =	wrdreg s3  }
0xa9: {  	[dreg:$0x3] =	wrdreg s5  }
0xaa: {  	[dreg:$0x4] =	wrdreg $0xC0  }
0xab: {  	_ =	task [dreg:s7], $0x5FFFF  }
0xac: {  	[dreg:$0x1] =	wrdreg $0xFFFFFFFF  }
0xad: {  	[dreg:$0x0] =	wrdreg $0x60  }
0xae: {  	[dreg:$0x2] =	wrdreg s2  }
0xaf: {  	[dreg:$0x3] =	wrdreg s24  }
0xb0: {  	[dreg:$0x4] =	wrdreg $0xBC000  }
0xb1: {  	[dreg:$0x5] =	wrdreg $0x9  }
0xb2: {  	_ =	task.clear_ibuf [dreg:s7], $0x6FFFF;
	_ =	strace $0x9000004C  }
0xb3: {  	s29 =	simm.s32 $0x9;
	_ =	strace $0x8000004E  }
0xb4: {  	_ =	swait.ge [sflag:s29], $0x1  }
0xb5: {  	[sflag:s29] =	ssyncadd.s32 $0xFFFFFFFF  }
0xb6: {  	_ =	strace $0x9000004E  }
0xb7: {  	_ =	sfence  }
0xb8: {  	s30 =	sld [smem:$0x0];
	_ =	sdelay $0x2  }
0xb9: {  	s31 =	sshll.u32 s1, $0xD;
	s1 =	sshrl.u32 s1, $0x2  }
0xba: {  	s3 =	sand.u32 $0x4000, s31;
	s1 =	sadd.s32 s1, s30  }
0xbb: {  	s0 =	sor.u32 s3, s0;
	s1 =	sshll.u32 s1, $0x11  }
0xbc: {  	s0 =	sor.u32 s1, s0  }
0xbd: {  	s0 =	sadd.s32 $0x8F2B, s0  }
0xbe: {  	[sflag:s0] =	ssyncadd.remote.s32 $0x1  }
0xbf: {  	_ =	sfence.sel $0xFFFF  }
0xc0: {  	[dreg:$0x0] =	wrdreg $0xFFFFFFFF;
	(pc) =	sbr.abs _section_cstart, $3  }
0xc1: {  	[dreg:$0x1] =	wrdreg $0xFFFFFFFF  }
0xc2: {  	_ =	task.clear_ibuf [dreg:s7], $0x2FFFF;
	_ =	strace $0x9FFFFFFF  }
0xc3: {  	(tm) =	ssettm $0x7FFFFFFF  }
tec
execute0_lowered:
.L_overlay_start_1:
0x0: {  	(tag) =	ssettag $0x1  }
0x1: {  	s0 =	rddreg [dreg:$0x0]  }
0x2: {  	s1 =	rddreg [dreg:$0x1];
	s2 =	srdreg.scid  }
0x3: {  	s3 =	rddreg [dreg:$0x2];
	s9 =	stileid.u32;
	s6 =	simm.s32 $0x0  }
0x4: {  	s28 =	simm.s32 $0xA800;
	s29 =	simm.s32 $0x3;
	s30 =	simm.s32 $0x1400  }
0x5: {  	s31 =	simm.s32 $0x7D;
	s10 =	simm.s32 $0x0;
	s5 =	smul.u32 $0x13800, s9  }
0x6: {  	s2 =	sand.u32 $0x1, s2;
	[smem:$0x7FF] =	sst s6;
	s8 =	smul.u32 $0x4E000, s9  }
0x7: {  	s14 =	sadd.s32 $0x2E00, s1;
	s7 =	sadd.s32 $0x5B000, s1;
	s4 =	smul.u32 $0x138800, s2  }
0x8: {  	_ =	strace $0x8000004D;
	s15 =	ssub.s32 $0x2, s2;
	s17 =	sshrl.u32 s8, $0x2  }
0x9: {  	s2 =	sshll.u32 s2, $0x4;
	s16 =	sshrl.u32 s15, $0x1;
	s6 =	sadd.s32 s17, s3  }
0xa: {  	s2 =	sor.u32 s9, s2;
	s8 =	simm.s32 $0x2700;
	s19 =	sadd.s32 $0x1400, s6  }
0xb: {  	s9 =	simm.s32 $0x2780;
	s20 =	sadd.s32 $0x2800, s6;
	[dreg:$0x6] =	wrdreg s19  }
0xc: {  	s4 =	sadd.s32 s5, s4;
	s21 =	sadd.s32 $0x3C00, s6;
	[dreg:$0x7] =	wrdreg s20  }
0xd: {  	s2 =	smul.u32 $0x2800, s2;
	s22 =	sadd.s32 $0x5000, s6;
	[dreg:$0x8] =	wrdreg s21  }
0xe: {  	s5 =	simm.s32 $0x2;
	s23 =	sadd.s32 $0x6400, s6;
	[dreg:$0x9] =	wrdreg s22  }
0xf: {  	s4 =	sshrl.u32 s4, $0x3;
	s24 =	sadd.s32 $0x7800, s6;
	[dreg:$0xa] =	wrdreg s23  }
0x10: {  	s25 =	sadd.s32 $0x8C00, s6;
	s17 =	sadd.s32 $0xC800, s6;
	[dreg:$0xb] =	wrdreg s24  }
0x11: {  	s1 =	sadd.s32 s4, s1;
	s4 =	ssub.s32 s15, s16;
	[dreg:$0xc] =	wrdreg s25  }
0x12: {  	s15 =	sadd.s32 $0xA000, s6;
	s16 =	sadd.s32 $0xB400, s6;
	s26 =	sshrl.u32 s2, $0x3  }
0x13: {  	s19 =	sadd.s32 $0xF000, s6;
	s20 =	sadd.s32 $0x10400, s6;
	s25 =	sadd.s32 $0x11800, s6  }
0x14: {  	s1 =	sadd.s32 $0x65000, s1;
	s18 =	smax.u32 s4, $0x1;
	s2 =	sadd.s32 $0x280, s26  }
0x15: {  	s21 =	sadd.s32 s14, s26;
	s22 =	sadd.s32 s7, s26;
	[dreg:$0x4] =	wrdreg s1  }
0x16: {  	s26 =	sadd.s32 $0x12C00, s6;
	s4 =	simm.s32 $0x6800;
	[dreg:$0x5] =	wrdreg s18  }
0x17: {  	s18 =	sadd.s32 $0xDC00, s6;
	s23 =	sadd.s32 s14, s2;
	s24 =	sadd.s32 s7, s2  }
0x18: {  	v0 =	vimm.f32 $0.0e+00;
	s1 =	simm.s32 $0x2800;
	s2 =	simm.s32 $0x1;
	s7 =	simm.s32 $0x1380  }
.LBB2_1:
0x19: {  	s12 =	simm.s32 $0x0  }
0x1a: {  	s11 =	sand.u32 $0x7E00, s12  }
0x1b: {  	s12 =	sand.u32 $0x70, s12;
	s13 =	sshrl.u32 s11, $0x2  }
0x1c: {  	s11 =	simm.s32 $0x40;
	s13 =	sor.u32 s12, s13;
	s12 =	simm.s32 $0x0  }
.LBB2_2:
0x1d: {  	p0 =	sne.s32 s11, $0x4FC0  }
0x1e: {  	[tilespmem:s13+$0xA800] =	vst v0;
	s12 =	sadd.s32 $0x10, s12;
	s13 =	smov.u32 s11;
	s11 =	sadd.s32 $0x40, s11  }
.Ltmp0:
0x1f: {  	(pc) =	sbr.rel @p0 .LBB2_2-.Ltmp0, $4  }
0x20: {  	_ = 	snop  }
0x21: {  	s13 =	sand.u32 $0x7E00, s13  }
0x22: {  	s14 =	sand.u32 $0x70, s12;
	s13 =	sshrl.u32 s13, $0x2  }
0x23: {  	s13 =	sor.u32 s14, s13  }
0x24: {  	[tilespmem:s13+$0xA800] =	vst v0  }
0x25: {  	[spmem:s6] =	stream.linear.scatter [tilespmem:s28], [sflag:$0x3], $0x1400, $0x38;
	[tilespmem:$0x1F480] =	vst v63  }
0x26: {  	_ =	swait.ge [sflag:s29], $0x1400  }
0x27: {  	[sflag:s29] =	ssyncset.done $0x0  }
0x28: {  	s11 =	rddreg [dreg:$0x6];
	[sflag:s29] =	ssyncadd.s32 $0xFFFFEC00  }
0x29: {  	[spmem:s11] =	stream.linear.scatter [tilespmem:s28], [sflag:$0x3], $0x1400, $0x38;
	[tilespmem:$0x1F480] =	vst v63  }
0x2a: {  	_ =	swait.ge [sflag:s29], $0x1400  }
0x2b: {  	[sflag:s29] =	ssyncset.done $0x0  }
0x2c: {  	s13 =	rddreg [dreg:$0x7];
	[sflag:s29] =	ssyncadd.s32 $0xFFFFEC00  }
0x2d: {  	[spmem:s13] =	stream.linear.scatter [tilespmem:s28], [sflag:$0x3], $0x1400, $0x38;
	[tilespmem:$0x1F480] =	vst v63  }
0x2e: {  	_ =	swait.ge [sflag:s29], $0x1400  }
0x2f: {  	[sflag:s29] =	ssyncset.done $0x0  }
0x30: {  	s14 =	rddreg [dreg:$0x8];
	[sflag:s29] =	ssyncadd.s32 $0xFFFFEC00  }
0x31: {  	[spmem:s14] =	stream.linear.scatter [tilespmem:s28], [sflag:$0x3], $0x1400, $0x38;
	[tilespmem:$0x1F480] =	vst v63  }
0x32: {  	_ =	swait.ge [sflag:s29], $0x1400  }
0x33: {  	[sflag:s29] =	ssyncset.done $0x0  }
0x34: {  	s12 =	rddreg [dreg:$0x9];
	[sflag:s29] =	ssyncadd.s32 $0xFFFFEC00  }
0x35: {  	[spmem:s12] =	stream.linear.scatter [tilespmem:s28], [sflag:$0x3], $0x1400, $0x38;
	[tilespmem:$0x1F480] =	vst v63  }
0x36: {  	_ =	swait.ge [sflag:s29], $0x1400  }
0x37: {  	[sflag:s29] =	ssyncset.done $0x0  }
0x38: {  	s13 =	rddreg [dreg:$0xa];
	[sflag:s29] =	ssyncadd.s32 $0xFFFFEC00  }
0x39: {  	[spmem:s13] =	stream.linear.scatter [tilespmem:s28], [sflag:$0x3], $0x1400, $0x38;
	[tilespmem:$0x1F480] =	vst v63  }
0x3a: {  	_ =	swait.ge [sflag:s29], $0x1400  }
0x3b: {  	[sflag:s29] =	ssyncset.done $0x0  }
0x3c: {  	s14 =	rddreg [dreg:$0xb];
	[sflag:s29] =	ssyncadd.s32 $0xFFFFEC00  }
0x3d: {  	[spmem:s14] =	stream.linear.scatter [tilespmem:s28], [sflag:$0x3], $0x1400, $0x38;
	[tilespmem:$0x1F480] =	vst v63  }
0x3e: {  	_ =	swait.ge [sflag:s29], $0x1400  }
0x3f: {  	[sflag:s29] =	ssyncset.done $0x0  }
0x40: {  	s12 =	rddreg [dreg:$0xc];
	[sflag:s29] =	ssyncadd.s32 $0xFFFFEC00  }
0x41: {  	[spmem:s12] =	stream.linear.scatter [tilespmem:s28], [sflag:$0x3], $0x1400, $0x38;
	[tilespmem:$0x1F480] =	vst v63  }
0x42: {  	_ =	swait.ge [sflag:s29], $0x1400  }
0x43: {  	[sflag:s29] =	ssyncset.done $0x0  }
0x44: {  	[sflag:s29] =	ssyncadd.s32 $0xFFFFEC00  }
0x45: {  	[spmem:s15] =	stream.linear.scatter [tilespmem:s28], [sflag:$0x3], $0x1400, $0x38;
	[tilespmem:$0x1F480] =	vst v63  }
0x46: {  	_ =	swait.ge [sflag:s29], $0x1400  }
0x47: {  	[sflag:s29] =	ssyncset.done $0x0  }
0x48: {  	[sflag:s29] =	ssyncadd.s32 $0xFFFFEC00  }
0x49: {  	[spmem:s16] =	stream.linear.scatter [tilespmem:s28], [sflag:$0x3], $0x1400, $0x38;
	[tilespmem:$0x1F480] =	vst v63  }
0x4a: {  	_ =	swait.ge [sflag:s29], $0x1400  }
0x4b: {  	[sflag:s29] =	ssyncset.done $0x0  }
0x4c: {  	[sflag:s29] =	ssyncadd.s32 $0xFFFFEC00  }
0x4d: {  	[spmem:s17] =	stream.linear.scatter [tilespmem:s28], [sflag:$0x3], $0x1400, $0x38;
	[tilespmem:$0x1F480] =	vst v63  }
0x4e: {  	_ =	swait.ge [sflag:s29], $0x1400  }
0x4f: {  	[sflag:s29] =	ssyncset.done $0x0  }
0x50: {  	[sflag:s29] =	ssyncadd.s32 $0xFFFFEC00  }
0x51: {  	[spmem:s18] =	stream.linear.scatter [tilespmem:s28], [sflag:$0x3], $0x1400, $0x38;
	[tilespmem:$0x1F480] =	vst v63  }
0x52: {  	_ =	swait.ge [sflag:s29], $0x1400  }
0x53: {  	[sflag:s29] =	ssyncset.done $0x0  }
0x54: {  	[sflag:s29] =	ssyncadd.s32 $0xFFFFEC00  }
0x55: {  	[spmem:s19] =	stream.linear.scatter [tilespmem:s28], [sflag:$0x3], $0x1400, $0x38;
	[tilespmem:$0x1F480] =	vst v63  }
0x56: {  	_ =	swait.ge [sflag:s29], $0x1400  }
0x57: {  	[sflag:s29] =	ssyncset.done $0x0  }
0x58: {  	[sflag:s29] =	ssyncadd.s32 $0xFFFFEC00  }
0x59: {  	[spmem:s20] =	stream.linear.scatter [tilespmem:s28], [sflag:$0x3], $0x1400, $0x38;
	[tilespmem:$0x1F480] =	vst v63  }
0x5a: {  	_ =	swait.ge [sflag:s29], $0x1400  }
0x5b: {  	[sflag:s29] =	ssyncset.done $0x0  }
0x5c: {  	[sflag:s29] =	ssyncadd.s32 $0xFFFFEC00  }
0x5d: {  	[spmem:s25] =	stream.linear.scatter [tilespmem:s28], [sflag:$0x3], $0x1400, $0x38;
	[tilespmem:$0x1F480] =	vst v63  }
0x5e: {  	_ =	swait.ge [sflag:s29], $0x1400  }
0x5f: {  	[sflag:s29] =	ssyncset.done $0x0  }
0x60: {  	[sflag:s29] =	ssyncadd.s32 $0xFFFFEC00  }
0x61: {  	[spmem:s26] =	stream.linear.scatter [tilespmem:s28], [sflag:$0x3], $0x1400, $0x38;
	[tilespmem:$0x1F480] =	vst v63  }
0x62: {  	_ =	swait.ge [sflag:s29], $0x1400  }
0x63: {  	[sflag:s29] =	ssyncset.done $0x0  }
0x64: {  	[sflag:s29] =	ssyncadd.s32 $0xFFFFEC00  }
0x65: {  	s13 =	simm.s32 $0x0;
	[bflag:$0x0] =	sbarrier.arrive $0xFFFF  }
0x66: {  	[tilespmem:s13], [sflag:$0x3] =	stream.linear.gather [hbm4b:s21+s13], $0x1400, $0x38;
	[tilespmem:$0x1F480] =	vst v63  }
0x67: {  	_ =	swait.ge [sflag:s29], $0x1400  }
0x68: {  	[sflag:s29] =	ssyncset.done $0x0  }
0x69: {  	[sflag:s29] =	ssyncadd.s32 $0xFFFFEC00  }
0x6a: {  	[tilespmem:s30], [sflag:$0x3] =	stream.linear.gather [hbm4b:s22+s13], $0x1400, $0x38;
	[tilespmem:$0x1F480] =	vst v63  }
0x6b: {  	_ =	swait.ge [sflag:s29], $0x1400  }
0x6c: {  	[sflag:s29] =	ssyncset.done $0x0  }
0x6d: {  	[sflag:s29] =	ssyncadd.s32 $0xFFFFEC00  }
0x6e: {  	[tilespmem:s1], [sflag:$0x1] =	stream.indirect.gather [hbm4b:s0+s31], $0x80, s13, s31, $0xb8;
	[tilespmem:$0x1F480] =	vst v63  }
0x6f: {  	_ =	swait.ge [sflag:s2], $0x3E80  }
0x70: {  	[sflag:s2] =	ssyncset.done $0x0  }
0x71: {  	s14 =	simm.s32 $0x80;
	[sflag:s2] =	ssyncadd.s32 $0xFFFFC180  }
0x72: {  	[tilespmem:s4], [sflag:$0x2] =	stream.indirect.gather [hbm4b:s0+s31], $0x80, s14, s31, $0xb8;
	[tilespmem:$0x1F480] =	vst v63  }
0x73: {  	s12 =	simm.s32 $0x1400  }
0x74: {  	[spmem:s3] =	stream.indirect.scatter.add.f32 [tilespmem:s1], [sflag:$0x3], $0x80, s12, s31, $0xb8;
	[tilespmem:$0x1F480] =	vst v63  }
0x75: {  	_ =	swait.ge [sflag:s29], $0x3E80  }
0x76: {  	[sflag:s29] =	ssyncset.done $0x0  }
0x77: {  	[sflag:s29] =	ssyncadd.s32 $0xFFFFC180  }
0x78: {  	_ =	swait.ge [sflag:s5], $0x3E80  }
0x79: {  	[sflag:s5] =	ssyncset.done $0x0  }
0x7a: {  	s13 =	simm.s32 $0x100;
	[sflag:s5] =	ssyncadd.s32 $0xFFFFC180  }
0x7b: {  	[tilespmem:s1], [sflag:$0x1] =	stream.indirect.gather [hbm4b:s0+s31], $0x80, s13, s31, $0xb8;
	[tilespmem:$0x1F480] =	vst v63  }
0x7c: {  	s14 =	simm.s32 $0x1480  }
0x7d: {  	[spmem:s3] =	stream.indirect.scatter.add.f32 [tilespmem:s4], [sflag:$0x3], $0x80, s14, s31, $0xb8;
	[tilespmem:$0x1F480] =	vst v63  }
0x7e: {  	_ =	swait.ge [sflag:s29], $0x3E80  }
0x7f: {  	s11 =	simm.s32 $0x400;
	[sflag:s29] =	ssyncset.done $0x0  }
.LBB2_4:
0x80: {  	p0 =	sne.s32 s11, $0x4800  }
0x81: {  	[sflag:s29] =	ssyncadd.s32 $0xFFFFC180;
	s12 =	smov.u32 s11;
	s11 =	sadd.s32 $0x400, s11  }
0x82: {  	_ = 	snop  }
0x83: {  	_ =	swait.ge [sflag:s2], $0x3E80  }
0x84: {  	s12 =	sshra.s32 s12, $0x2;
	[sflag:s2] =	ssyncset.done $0x0  }
0x85: {  	s13 =	sadd.s32 $0x80, s12;
	[sflag:s2] =	ssyncadd.s32 $0xFFFFC180  }
0x86: {  	[tilespmem:s4], [sflag:$0x2] =	stream.indirect.gather [hbm4b:s0+s31], $0x80, s13, s31, $0xb8;
	[tilespmem:$0x1F480] =	vst v63  }
0x87: {  	s13 =	sadd.s32 $0x1400, s12  }
0x88: {  	[spmem:s3] =	stream.indirect.scatter.add.f32 [tilespmem:s1], [sflag:$0x3], $0x80, s13, s31, $0xb8;
	[tilespmem:$0x1F480] =	vst v63  }
0x89: {  	_ =	swait.ge [sflag:s29], $0x3E80  }
0x8a: {  	[sflag:s29] =	ssyncset.done $0x0  }
0x8b: {  	[sflag:s29] =	ssyncadd.s32 $0xFFFFC180  }
0x8c: {  	_ =	swait.ge [sflag:s5], $0x3E80  }
0x8d: {  	[sflag:s5] =	ssyncset.done $0x0  }
0x8e: {  	s13 =	sadd.s32 $0x100, s12;
	[sflag:s5] =	ssyncadd.s32 $0xFFFFC180  }
0x8f: {  	[tilespmem:s1], [sflag:$0x1] =	stream.indirect.gather [hbm4b:s0+s31], $0x80, s13, s31, $0xb8;
	[tilespmem:$0x1F480] =	vst v63  }
.Ltmp1:
0x90: {  	_ = 	snop;
	(pc) =	sbr.rel @p0 .LBB2_4-.Ltmp1, $4  }
0x91: {  	s12 =	sadd.s32 $0x1480, s12  }
0x92: {  	[spmem:s3] =	stream.indirect.scatter.add.f32 [tilespmem:s4], [sflag:$0x3], $0x80, s12, s31, $0xb8;
	[tilespmem:$0x1F480] =	vst v63  }
0x93: {  	_ =	swait.ge [sflag:s29], $0x3E80  }
0x94: {  	[sflag:s29] =	ssyncset.done $0x0  }
0x95: {  	[sflag:s29] =	ssyncadd.s32 $0xFFFFC180  }
0x96: {  	_ =	swait.ge [sflag:s2], $0x3E80  }
0x97: {  	[sflag:s2] =	ssyncset.done $0x0  }
0x98: {  	[sflag:s2] =	ssyncadd.s32 $0xFFFFC180  }
0x99: {  	[tilespmem:s4], [sflag:$0x2] =	stream.indirect.gather [hbm4b:s0+s31], $0x80, s7, s31, $0xb8;
	[tilespmem:$0x1F480] =	vst v63  }
0x9a: {  	_ = 	snop  }
0x9b: {  	[spmem:s3] =	stream.indirect.scatter.add.f32 [tilespmem:s1], [sflag:$0x3], $0x80, s8, s31, $0xb8;
	[tilespmem:$0x1F480] =	vst v63  }
0x9c: {  	_ =	swait.ge [sflag:s29], $0x3E80  }
0x9d: {  	[sflag:s29] =	ssyncset.done $0x0  }
0x9e: {  	[sflag:s29] =	ssyncadd.s32 $0xFFFFC180  }
0x9f: {  	_ =	swait.ge [sflag:s5], $0x3E80  }
0xa0: {  	[sflag:s5] =	ssyncset.done $0x0  }
0xa1: {  	[sflag:s5] =	ssyncadd.s32 $0xFFFFC180  }
0xa2: {  	[spmem:s3] =	stream.indirect.scatter.add.f32 [tilespmem:s4], [sflag:$0x3], $0x80, s9, s31, $0xb8;
	[tilespmem:$0x1F480] =	vst v63  }
0xa3: {  	_ =	swait.ge [sflag:s29], $0x3E80  }
0xa4: {  	[sflag:s29] =	ssyncset.done $0x0  }
0xa5: {  	s11 =	simm.s32 $0x0;
	[sflag:s29] =	ssyncadd.s32 $0xFFFFC180  }
0xa6: {  	[tilespmem:s11], [sflag:$0x3] =	stream.linear.gather [hbm4b:s23+s11], $0x1400, $0x38;
	[tilespmem:$0x1F480] =	vst v63  }
0xa7: {  	_ =	swait.ge [sflag:s29], $0x1400  }
0xa8: {  	[sflag:s29] =	ssyncset.done $0x0  }
0xa9: {  	[sflag:s29] =	ssyncadd.s32 $0xFFFFEC00  }
0xaa: {  	[tilespmem:s30], [sflag:$0x3] =	stream.linear.gather [hbm4b:s24+s11], $0x1400, $0x38;
	[tilespmem:$0x1F480] =	vst v63  }
0xab: {  	_ =	swait.ge [sflag:s29], $0x1400  }
0xac: {  	[sflag:s29] =	ssyncset.done $0x0  }
0xad: {  	[sflag:s29] =	ssyncadd.s32 $0xFFFFEC00  }
0xae: {  	[tilespmem:s1], [sflag:$0x1] =	stream.indirect.gather [hbm4b:s0+s31], $0x80, s11, s31, $0xb8;
	[tilespmem:$0x1F480] =	vst v63  }
0xaf: {  	_ =	swait.ge [sflag:s2], $0x3E80  }
0xb0: {  	[sflag:s2] =	ssyncset.done $0x0  }
0xb1: {  	s14 =	simm.s32 $0x80;
	[sflag:s2] =	ssyncadd.s32 $0xFFFFC180  }
0xb2: {  	[tilespmem:s4], [sflag:$0x2] =	stream.indirect.gather [hbm4b:s0+s31], $0x80, s14, s31, $0xb8;
	[tilespmem:$0x1F480] =	vst v63  }
0xb3: {  	s12 =	simm.s32 $0x1400  }
0xb4: {  	[spmem:s3] =	stream.indirect.scatter.add.f32 [tilespmem:s1], [sflag:$0x3], $0x80, s12, s31, $0xb8;
	[tilespmem:$0x1F480] =	vst v63  }
0xb5: {  	_ =	swait.ge [sflag:s29], $0x3E80  }
0xb6: {  	[sflag:s29] =	ssyncset.done $0x0  }
0xb7: {  	[sflag:s29] =	ssyncadd.s32 $0xFFFFC180  }
0xb8: {  	_ =	swait.ge [sflag:s5], $0x3E80  }
0xb9: {  	[sflag:s5] =	ssyncset.done $0x0  }
0xba: {  	s13 =	simm.s32 $0x100;
	[sflag:s5] =	ssyncadd.s32 $0xFFFFC180  }
0xbb: {  	[tilespmem:s1], [sflag:$0x1] =	stream.indirect.gather [hbm4b:s0+s31], $0x80, s13, s31, $0xb8;
	[tilespmem:$0x1F480] =	vst v63  }
0xbc: {  	s14 =	simm.s32 $0x1480  }
0xbd: {  	[spmem:s3] =	stream.indirect.scatter.add.f32 [tilespmem:s4], [sflag:$0x3], $0x80, s14, s31, $0xb8;
	[tilespmem:$0x1F480] =	vst v63  }
0xbe: {  	_ =	swait.ge [sflag:s29], $0x3E80  }
0xbf: {  	s11 =	simm.s32 $0x400;
	[sflag:s29] =	ssyncset.done $0x0  }
.LBB2_6:
0xc0: {  	p0 =	sne.s32 s11, $0x4800  }
0xc1: {  	[sflag:s29] =	ssyncadd.s32 $0xFFFFC180;
	s12 =	smov.u32 s11;
	s11 =	sadd.s32 $0x400, s11  }
0xc2: {  	_ = 	snop  }
0xc3: {  	_ =	swait.ge [sflag:s2], $0x3E80  }
0xc4: {  	s12 =	sshra.s32 s12, $0x2;
	[sflag:s2] =	ssyncset.done $0x0  }
0xc5: {  	s13 =	sadd.s32 $0x80, s12;
	[sflag:s2] =	ssyncadd.s32 $0xFFFFC180  }
0xc6: {  	[tilespmem:s4], [sflag:$0x2] =	stream.indirect.gather [hbm4b:s0+s31], $0x80, s13, s31, $0xb8;
	[tilespmem:$0x1F480] =	vst v63  }
0xc7: {  	s13 =	sadd.s32 $0x1400, s12  }
0xc8: {  	[spmem:s3] =	stream.indirect.scatter.add.f32 [tilespmem:s1], [sflag:$0x3], $0x80, s13, s31, $0xb8;
	[tilespmem:$0x1F480] =	vst v63  }
0xc9: {  	_ =	swait.ge [sflag:s29], $0x3E80  }
0xca: {  	[sflag:s29] =	ssyncset.done $0x0  }
0xcb: {  	[sflag:s29] =	ssyncadd.s32 $0xFFFFC180  }
0xcc: {  	_ =	swait.ge [sflag:s5], $0x3E80  }
0xcd: {  	[sflag:s5] =	ssyncset.done $0x0  }
0xce: {  	s13 =	sadd.s32 $0x100, s12;
	[sflag:s5] =	ssyncadd.s32 $0xFFFFC180  }
0xcf: {  	[tilespmem:s1], [sflag:$0x1] =	stream.indirect.gather [hbm4b:s0+s31], $0x80, s13, s31, $0xb8;
	[tilespmem:$0x1F480] =	vst v63  }
.Ltmp2:
0xd0: {  	_ = 	snop;
	(pc) =	sbr.rel @p0 .LBB2_6-.Ltmp2, $4  }
0xd1: {  	s12 =	sadd.s32 $0x1480, s12  }
0xd2: {  	[spmem:s3] =	stream.indirect.scatter.add.f32 [tilespmem:s4], [sflag:$0x3], $0x80, s12, s31, $0xb8;
	[tilespmem:$0x1F480] =	vst v63  }
0xd3: {  	_ =	swait.ge [sflag:s29], $0x3E80  }
0xd4: {  	[sflag:s29] =	ssyncset.done $0x0  }
0xd5: {  	[sflag:s29] =	ssyncadd.s32 $0xFFFFC180  }
0xd6: {  	_ =	swait.ge [sflag:s2], $0x3E80  }
0xd7: {  	[sflag:s2] =	ssyncset.done $0x0  }
0xd8: {  	[sflag:s2] =	ssyncadd.s32 $0xFFFFC180  }
0xd9: {  	[tilespmem:s4], [sflag:$0x2] =	stream.indirect.gather [hbm4b:s0+s31], $0x80, s7, s31, $0xb8;
	[tilespmem:$0x1F480] =	vst v63  }
0xda: {  	_ = 	snop  }
0xdb: {  	[spmem:s3] =	stream.indirect.scatter.add.f32 [tilespmem:s1], [sflag:$0x3], $0x80, s8, s31, $0xb8;
	[tilespmem:$0x1F480] =	vst v63  }
0xdc: {  	_ =	swait.ge [sflag:s29], $0x3E80  }
0xdd: {  	[sflag:s29] =	ssyncset.done $0x0  }
0xde: {  	[sflag:s29] =	ssyncadd.s32 $0xFFFFC180  }
0xdf: {  	_ =	swait.ge [sflag:s5], $0x3E80  }
0xe0: {  	[sflag:s5] =	ssyncset.done $0x0  }
0xe1: {  	[sflag:s5] =	ssyncadd.s32 $0xFFFFC180  }
0xe2: {  	[spmem:s3] =	stream.indirect.scatter.add.f32 [tilespmem:s4], [sflag:$0x3], $0x80, s9, s31, $0xb8;
	[tilespmem:$0x1F480] =	vst v63  }
0xe3: {  	_ =	swait.ge [sflag:s29], $0x3E80  }
0xe4: {  	[sflag:s29] =	ssyncset.done $0x0  }
0xe5: {  	s11 =	stileid.u32;
	[sflag:s29] =	ssyncadd.s32 $0xFFFFC180  }
0xe6: {  	s11 =	sshll.u32 s11, $0x6;
	[bflag:$0x0] =	sbarrier.arrive $0xFFFF  }
0xe7: {  	s12 =	sshrl.u32 s6, $0x3;
	s11 =	sor.u32 $0x1C03, s11;
	s13 =	rddreg [dreg:$0x4]  }
0xe8: {  	[hbm:s13], [sflag:s11] =	dma.local [spmem:s12], $0x2800  }
0xe9: {  	_ =	swait.ge [sflag:s29], $0x2800  }
0xea: {  	s10 =	sadd.s32 $0x1, s10;
	s14 =	rddreg [dreg:$0x5]  }
0xeb: {  	p0 =	sne.s32 s10, s14  }
.Ltmp3:
0xec: {  	_ = 	snop;
	(pc) =	sbr.rel @p0 .LBB2_1-.Ltmp3, $3  }
0xed: {  	_ =	sdelay $0x1  }
0xee: {  	[sflag:s29] =	ssyncset.done $0x0  }
0xef: {  	[sflag:s29] =	ssyncadd.s32 $0xFFFFD800  }
0xf0: {  	_ =	sfence.sel $0x180000  }
0xf1: {  	[bflag:$0x0] =	sbarrier.arrive $0xFFFF  }
0xf2: {  	_ =	strace $0x9000004D  }
0xf3: {  	s0 =	stileid.u32;
	[bflag:$0x2] =	sbarrier.arrive $0xFFFF  }
0xf4: {  	p0 =	sne.s32 s0, $0x0;
	s0 =	rddreg [dreg:$0x3]  }
0xf5: {  	s0 =	sadd.s32 @!p0 $0x100000, s0  }
0xf6: {  	[sflag:s0] =	ssyncadd.tile.s32 @!p0 $0x1;
	_ =	shalt  }
.Lfunc_end2:
_tile_overlayer_lowered:
.L_overlay_start_2:
0xf7: {  	(tag) =	ssettag $0x2  }
0xf8: {  	s0 =	rddreg [dreg:$0x0];
	s2 =	stileid.u32  }
0xf9: {  	s1 =	rddreg [dreg:$0x1];
	p0 =	sne.s32 s2, $0x0  }
0xfa: {  	s3 =	rddreg [dreg:$0x2];
	[bflag:$0x3] =	sbarrier.arrive $0xFFFF;
	s2 =	simm.s32 @!p0 $0x1C03  }
0xfb: {  	[timem:s3], [sflag:s2] =	dma.local @!p0 [hbm:s0], s1  }
0xfc: {  	s0 =	simm.s32 @!p0 $0x3  }
0xfd: {  	_ =	swait.ge @!p0 [sflag:s0], s1  }
0xfe: {  	s1 =	ssub.s32 @!p0 $0x0, s1;
	[sflag:s0] =	ssyncset.done @!p0 $0x0  }
0xff: {  	[sflag:s0] =	ssyncadd.s32 @!p0 s1  }
0x100: {  	[bflag:$0x3] =	sbarrier.arrive $0xFFFF  }
0x101: {  	_ =	shalt  }

// kernel: kernel.23.cloned.1.call-start
scs
__scs_entry_jumppad:
0x0: {  	(pc) =	sbr.rel $0x88, $3  }
0x1: {  	(tag) =	ssettag $0x0;
	lr =	simm.s32 $0x1  }
0x2: {  	[smem:$0x3F9B] =	sst lr;
	_ =	strace $0xD0000000  }
0x3: {  	_ = 	snop  }
0x4: {  	_ = 	snop  }
0x5: {  	_ = 	snop  }
0x6: {  	_ = 	snop  }
0x7: {  	_ = 	snop  }
__scs_overlays_trampoline_lowered:
0x8: {  	[smem:$0x3FAA] =	sst s0  }
0x9: {  	[smem:$0x3FAB] =	sst s1  }
0xa: {  	[smem:$0x3FAC] =	sst s2  }
0xb: {  	[smem:$0x3FAD] =	sst s3  }
0xc: {  	[smem:$0x3FAE] =	sst s4  }
0xd: {  	[smem:$0x3FAF] =	sst s5  }
0xe: {  	[smem:$0x3FB0] =	sst s6  }
0xf: {  	[smem:$0x3FB1] =	sst s7  }
0x10: {  	[smem:$0x3FB2] =	sst s8  }
0x11: {  	[smem:$0x3FB3] =	sst s9;
	s0 =	simm.s32 @!p0 $0x0  }
0x12: {  	s1 =	sld [smem:$0x3F99];
	s0 =	simm.s32 @p0 $0x1  }
0x13: {  	[smem:$0x3FB4] =	sst s0;
	s0 =	simm.s32 @!p1 $0x0  }
0x14: {  	s2 =	sld [smem:$0x3F98];
	s0 =	simm.s32 @p1 $0x1  }
0x15: {  	[smem:$0x3FB5] =	sst s0;
	s0 =	simm.s32 @!p2 $0x0  }
0x16: {  	s3 =	sld [smem:$0x3FDB];
	s0 =	simm.s32 @p2 $0x1  }
0x17: {  	s4 =	simm.s32 $0x1BF5;
	[smem:$0x3FB7] =	sst s0  }
0x18: {  	s0 =	sld [smem:$0x3F9A];
	_ =	swait.ge [sflag:s4], $0x0  }
0x19: {  	s7 =	sld [smem:$0x3F9B]  }
0x1a: {  	s8 =	sadd.s32 $0xFFFFE003, lr  }
0x1b: {  	s9 =	sadd.s32 $0xFFFFFEF7, lr;
	s5 =	simm.s32 $0xFFFFFFFF;
	p2 =	slt.u32 s8, $0xFFFFF086  }
0x1c: {  	p1 =	slt.u32 s9, $0xF7A;
	s5 =	simm.s32 @!p2 $0x0  }
0x1d: {  	s5 =	simm.s32 @p1 $0x1;
	p0 =	seq.s32 s7, s2  }
0x1e: {  	s7 =	smul.u32 @!p0 $0xF7A, s2;
	p2 =	seq.s32 @!p0 s5, $0x0  }
0x1f: {  	s9 =	smul.u32 $0xF7A, s1;
	s8 =	simm.s32 @!p0 $0x1BF5;
	p2 =	por !p2, p0  }
0x20: {  	[sflag:s8] =	ssyncset.s32 @!p0 $0xFFFFF086;
	s6 =	sadd.s32 @!p0 s3, s7;
	s7 =	simm.s32 @!p0 $0x108  }
0x21: {  	s3 =	sadd.s32 s3, s9;
	s6 =	sadd.s32 @!p0 $0x88, s6;
	s7 =	simm.s32 @p2 $0x1082  }
0x22: {  	[simem:s7], [sflag:s8] =	dma.local @!p0 [hbm:s6], $0xF7A  }
0x23: {  	s9 =	sor.u32 $0xD0000000, s2;
	s6 =	simm.s32 $0x108;
	_ =	swait.ge @!p0 [sflag:s8], $0x0  }
0x24: {  	s3 =	sadd.s32 $0x88, s3;
	s6 =	simm.s32 @!p1 $0x1082;
	[sflag:s4] =	ssyncset.s32 $0xFFFFF086  }
0x25: {  	[simem:s6], [sflag:s4] =	dma.local [hbm:s3], $0xF7A  }
0x26: {  	[smem:$0x3F9B] =	sst s1;
	(tag) =	ssettag s2;
	_ =	strace s9  }
0x27: {  	s1 =	sld [smem:$0x3FAB]  }
0x28: {  	s2 =	sld [smem:$0x3FAC]  }
0x29: {  	s4 =	sld [smem:$0x3FAE]  }
0x2a: {  	p0 =	seq.s32 s5, $0x0;
	s5 =	sld [smem:$0x3FAF]  }
0x2b: {  	s6 =	sld [smem:$0x3FB0]  }
0x2c: {  	s7 =	sld [smem:$0x3FB1]  }
0x2d: {  	s3 =	simm.s32 $0x108;
	s8 =	sld [smem:$0x3FB2]  }
0x2e: {  	s3 =	simm.s32 @!p0 $0x1082;
	s9 =	sld [smem:$0x3FB3]  }
0x2f: {  	lr =	sadd.s32 s0, s3;
	s0 =	sld [smem:$0x3FAA]  }
0x30: {  	s3 =	sld [smem:$0x3FAD]  }
0x31: {  	[smem:$0x3FB6] =	sst s10  }
0x32: {  	s10 =	sld [smem:$0x3FB4];
	_ =	sdelay $0x3  }
0x33: {  	p0 =	seq.s32 s10, $0x1;
	s10 =	sld [smem:$0x3FB6];
	_ =	sdelay $0x3  }
0x34: {  	[smem:$0x3FB6] =	sst s10  }
0x35: {  	s10 =	sld [smem:$0x3FB5];
	_ =	sdelay $0x3  }
0x36: {  	p1 =	seq.s32 s10, $0x1;
	s10 =	sld [smem:$0x3FB6];
	_ =	sdelay $0x3  }
0x37: {  	[smem:$0x3FB6] =	sst s10  }
0x38: {  	s10 =	sld [smem:$0x3FB7]  }
0x39: {  	_ = 	snop;
	(pc) =	sbr.ind lr, $3  }
0x3a: {  	_ = 	snop  }
0x3b: {  	_ = 	snop  }
0x3c: {  	p2 =	seq.s32 s10, $0x1;
	s10 =	sld [smem:$0x3FB6]  }
0x3d: {  	_ =	shalt  }
0x3e: {  	_ =	shalt  }
0x3f: {  	_ =	shalt  }
0x40: {  	_ =	shalt  }
0x41: {  	_ =	shalt  }
0x42: {  	_ =	shalt  }
0x43: {  	_ =	shalt  }
0x44: {  	_ =	shalt  }
0x45: {  	_ =	shalt  }
0x46: {  	_ =	shalt  }
0x47: {  	_ =	shalt  }
0x48: {  	_ =	shalt  }
0x49: {  	_ =	shalt  }
0x4a: {  	_ =	shalt  }
0x4b: {  	_ =	shalt  }
0x4c: {  	_ =	shalt  }
0x4d: {  	_ =	shalt  }
0x4e: {  	_ =	shalt  }
0x4f: {  	_ =	shalt  }
0x50: {  	_ =	shalt  }
0x51: {  	_ =	shalt  }
0x52: {  	_ =	shalt  }
0x53: {  	_ =	shalt  }
0x54: {  	_ =	shalt  }
0x55: {  	_ =	shalt  }
0x56: {  	_ =	shalt  }
0x57: {  	_ =	shalt  }
0x58: {  	_ =	shalt  }
0x59: {  	_ =	shalt  }
0x5a: {  	_ =	shalt  }
0x5b: {  	_ =	shalt  }
0x5c: {  	_ =	shalt  }
0x5d: {  	_ =	shalt  }
0x5e: {  	_ =	shalt  }
0x5f: {  	_ =	shalt  }
0x60: {  	_ =	shalt  }
0x61: {  	_ =	shalt  }
0x62: {  	_ =	shalt  }
0x63: {  	_ =	shalt  }
0x64: {  	_ =	shalt  }
0x65: {  	_ =	shalt  }
0x66: {  	_ =	shalt  }
0x67: {  	_ =	shalt  }
0x68: {  	_ =	shalt  }
0x69: {  	_ =	shalt  }
0x6a: {  	_ =	shalt  }
0x6b: {  	_ =	shalt  }
0x6c: {  	_ =	shalt  }
0x6d: {  	_ =	shalt  }
0x6e: {  	_ =	shalt  }
0x6f: {  	_ =	shalt  }
0x70: {  	_ =	shalt  }
0x71: {  	_ =	shalt  }
0x72: {  	_ =	shalt  }
0x73: {  	_ =	shalt  }
0x74: {  	_ =	shalt  }
0x75: {  	_ =	shalt  }
0x76: {  	_ =	shalt  }
0x77: {  	_ =	shalt  }
0x78: {  	_ =	shalt  }
0x79: {  	_ =	shalt  }
0x7a: {  	_ =	shalt  }
0x7b: {  	_ =	shalt  }
0x7c: {  	_ =	shalt  }
0x7d: {  	_ =	shalt  }
0x7e: {  	_ =	shalt  }
0x7f: {  	_ =	shalt  }
0x80: {  	_ =	shalt  }
0x81: {  	_ =	shalt  }
0x82: {  	_ =	shalt  }
0x83: {  	_ =	shalt  }
0x84: {  	_ =	shalt  }
0x85: {  	_ =	shalt  }
0x86: {  	_ =	shalt  }
0x87: {  	_ =	shalt  }
.Lfunc_end0:
.L_simem_size_0:
called_computation.3_lowered:
.L_overlay_start_0:
0x88: {  	s2 =	sld [smem:$0x3FD9]  }
0x89: {  	s3 =	sld [smem:$0x3FFE];
	_ =	sdelay $0x1  }
0x8a: {  	s1 =	srdreg.scid  }
0x8b: {  	s0 =	sand.u32 $0x1, s1  }
0x8c: {  	s17 =	sshll.u32 s0, $0xA;
	s2 =	sadd.s32 s3, s2  }
0x8d: {  	s2 =	sadd.s32 s2, s17  }
0x8e: {  	[smem:$0x3FC2] =	sst s2  }
0x8f: {  	_ = 	snop  }
0x90: {  	s2 =	sld [smem:$0x3FD0];
	(tm) =	ssettm $0x1  }
0x91: {  	s18 =	sld [smem:$0x3FFB];
	_ =	sdelay $0x3  }
0x92: {  	_ =	strace s18  }
0x93: {  	s3 =	sld [smem:$0x3FFC];
	_ =	sdelay $0x3  }
0x94: {  	_ =	strace s3  }
0x95: {  	s3 =	sld [smem:$0x3FFD];
	_ =	sdelay $0x3  }
0x96: {  	_ =	strace s3  }
0x97: {  	_ =	strace $0x8FFFFFFF  }
0x98: {  	s19 =	sld [smem:$0x3FDB];
	_ =	sdelay $0x1  }
0x99: {  	s4 =	simm.s32 $_scs_section_size  }
0x9a: {  	s5 =	simm.s32 $_size__tile_overlayer_lowered;
	s6 =	simm.s32 $_tile_overlayer_lowered  }
0x9b: {  	s22 =	simm.s32 $0x1BFF;
	s21 =	sshll.u32 s6, $0x1;
	s3 =	sadd.s32 s4, s19  }
0x9c: {  	s7 =	simm.s32 $0x0;
	s20 =	sshll.u32 s5, $0x1;
	s5 =	sadd.s32 s21, s3  }
0x9d: {  	[timem:s7], [sflag:s22] =	dma.local [hbm:s5], s20  }
0x9e: {  	_ =	swait.ge [sflag:s22], s20  }
0x9f: {  	s4 =	ssub.s32 $0x0, s20;
	[sflag:s22] =	ssyncset.done $0x0  }
0xa0: {  	[sflag:s22] =	ssyncadd.s32 s4;
	_ =	sdelay $0x1  }
0xa1: {  	s23 =	simm.s32 $0x1B8B  }
0xa2: {  	_ =	swait.ge [sflag:s23], $0x1  }
0xa3: {  	[sflag:s23] =	ssyncset.done $0x0  }
0xa4: {  	s25 =	simm.s32 $0x1B8E;
	s24 =	sld [smem:$0x3FFE];
	[sflag:s23] =	ssyncadd.s32 $0xFFFFFFFF  }
0xa5: {  	s26 =	simm.s32 $execute0_lowered;
	[smem:$0x3FD2] =	sst s25  }
0xa6: {  	s5 =	sshll.u32 s26, $0x1;
	_ =	strace $0x8000004F;
	[dreg:$0x1] =	wrdreg $0xFFFFFFFF  }
0xa7: {  	s28 =	simm.s32 $_size_execute0_lowered;
	s3 =	sadd.s32 s3, s5;
	[dreg:$0x0] =	wrdreg $0x0  }
0xa8: {  	s5 =	sshll.u32 s28, $0x1;
	[dreg:$0x2] =	wrdreg s3  }
0xa9: {  	[dreg:$0x3] =	wrdreg s5  }
0xaa: {  	[dreg:$0x4] =	wrdreg $0xC0  }
0xab: {  	_ =	task [dreg:s7], $0x5FFFF  }
0xac: {  	[dreg:$0x1] =	wrdreg $0xFFFFFFFF  }
0xad: {  	[dreg:$0x0] =	wrdreg $0x60  }
0xae: {  	[dreg:$0x2] =	wrdreg s2  }
0xaf: {  	[dreg:$0x3] =	wrdreg s24  }
0xb0: {  	[dreg:$0x4] =	wrdreg $0xBC000  }
0xb1: {  	[dreg:$0x5] =	wrdreg $0x9  }
0xb2: {  	_ =	task.clear_ibuf [dreg:s7], $0x6FFFF;
	_ =	strace $0x9000004F  }
0xb3: {  	s29 =	simm.s32 $0x9;
	_ =	strace $0x80000051  }
0xb4: {  	_ =	swait.ge [sflag:s29], $0x1  }
0xb5: {  	[sflag:s29] =	ssyncadd.s32 $0xFFFFFFFF  }
0xb6: {  	_ =	strace $0x90000051  }
0xb7: {  	_ =	sfence  }
0xb8: {  	s30 =	sld [smem:$0x0];
	_ =	sdelay $0x2  }
0xb9: {  	s31 =	sshll.u32 s1, $0xD;
	s1 =	sshrl.u32 s1, $0x2  }
0xba: {  	s3 =	sand.u32 $0x4000, s31;
	s1 =	sadd.s32 s1, s30  }
0xbb: {  	s0 =	sor.u32 s3, s0;
	s1 =	sshll.u32 s1, $0x11  }
0xbc: {  	s0 =	sor.u32 s1, s0  }
0xbd: {  	s0 =	sadd.s32 $0x8F2B, s0  }
0xbe: {  	[sflag:s0] =	ssyncadd.remote.s32 $0x1  }
0xbf: {  	_ =	sfence.sel $0xFFFF  }
0xc0: {  	[dreg:$0x0] =	wrdreg $0xFFFFFFFF;
	(pc) =	sbr.abs _section_cstart, $3  }
0xc1: {  	[dreg:$0x1] =	wrdreg $0xFFFFFFFF  }
0xc2: {  	_ =	task.clear_ibuf [dreg:s7], $0x2FFFF;
	_ =	strace $0x9FFFFFFF  }
0xc3: {  	(tm) =	ssettm $0x7FFFFFFF  }
tec
execute0_lowered:
.L_overlay_start_1:
0x0: {  	(tag) =	ssettag $0x1  }
0x1: {  	s0 =	rddreg [dreg:$0x0]  }
0x2: {  	s1 =	rddreg [dreg:$0x1];
	s2 =	srdreg.scid  }
0x3: {  	s3 =	rddreg [dreg:$0x2];
	s9 =	stileid.u32;
	s6 =	simm.s32 $0x0  }
0x4: {  	s28 =	simm.s32 $0xA800;
	s29 =	simm.s32 $0x3;
	s30 =	simm.s32 $0x1400  }
0x5: {  	s31 =	simm.s32 $0x7D;
	s10 =	simm.s32 $0x0;
	s5 =	smul.u32 $0x13800, s9  }
0x6: {  	s2 =	sand.u32 $0x1, s2;
	[smem:$0x7FF] =	sst s6;
	s8 =	smul.u32 $0x4E000, s9  }
0x7: {  	s14 =	sadd.s32 $0x2E00, s1;
	s7 =	sadd.s32 $0x5B000, s1;
	s4 =	smul.u32 $0x138800, s2  }
0x8: {  	_ =	strace $0x80000050;
	s15 =	ssub.s32 $0x2, s2;
	s17 =	sshrl.u32 s8, $0x2  }
0x9: {  	s2 =	sshll.u32 s2, $0x4;
	s16 =	sshrl.u32 s15, $0x1;
	s6 =	sadd.s32 s17, s3  }
0xa: {  	s2 =	sor.u32 s9, s2;
	s8 =	simm.s32 $0x2700;
	s19 =	sadd.s32 $0x1400, s6  }
0xb: {  	s9 =	simm.s32 $0x2780;
	s20 =	sadd.s32 $0x2800, s6;
	[dreg:$0x6] =	wrdreg s19  }
0xc: {  	s4 =	sadd.s32 s5, s4;
	s21 =	sadd.s32 $0x3C00, s6;
	[dreg:$0x7] =	wrdreg s20  }
0xd: {  	s2 =	smul.u32 $0x2800, s2;
	s22 =	sadd.s32 $0x5000, s6;
	[dreg:$0x8] =	wrdreg s21  }
0xe: {  	s5 =	simm.s32 $0x2;
	s23 =	sadd.s32 $0x6400, s6;
	[dreg:$0x9] =	wrdreg s22  }
0xf: {  	s4 =	sshrl.u32 s4, $0x3;
	s24 =	sadd.s32 $0x7800, s6;
	[dreg:$0xa] =	wrdreg s23  }
0x10: {  	s25 =	sadd.s32 $0x8C00, s6;
	s17 =	sadd.s32 $0xC800, s6;
	[dreg:$0xb] =	wrdreg s24  }
0x11: {  	s1 =	sadd.s32 s4, s1;
	s4 =	ssub.s32 s15, s16;
	[dreg:$0xc] =	wrdreg s25  }
0x12: {  	s15 =	sadd.s32 $0xA000, s6;
	s16 =	sadd.s32 $0xB400, s6;
	s26 =	sshrl.u32 s2, $0x3  }
0x13: {  	s19 =	sadd.s32 $0xF000, s6;
	s20 =	sadd.s32 $0x10400, s6;
	s25 =	sadd.s32 $0x11800, s6  }
0x14: {  	s1 =	sadd.s32 $0xCE00, s1;
	s18 =	smax.u32 s4, $0x1;
	s2 =	sadd.s32 $0x280, s26  }
0x15: {  	s21 =	sadd.s32 s14, s26;
	s22 =	sadd.s32 s7, s26;
	[dreg:$0x4] =	wrdreg s1  }
0x16: {  	s26 =	sadd.s32 $0x12C00, s6;
	s4 =	simm.s32 $0x6800;
	[dreg:$0x5] =	wrdreg s18  }
0x17: {  	s18 =	sadd.s32 $0xDC00, s6;
	s23 =	sadd.s32 s14, s2;
	s24 =	sadd.s32 s7, s2  }
0x18: {  	v0 =	vimm.f32 $0.0e+00;
	s1 =	simm.s32 $0x2800;
	s2 =	simm.s32 $0x1;
	s7 =	simm.s32 $0x1380  }
.LBB2_1:
0x19: {  	s12 =	simm.s32 $0x0  }
0x1a: {  	s11 =	sand.u32 $0x7E00, s12  }
0x1b: {  	s12 =	sand.u32 $0x70, s12;
	s13 =	sshrl.u32 s11, $0x2  }
0x1c: {  	s11 =	simm.s32 $0x40;
	s13 =	sor.u32 s12, s13;
	s12 =	simm.s32 $0x0  }
.LBB2_2:
0x1d: {  	p0 =	sne.s32 s11, $0x4FC0  }
0x1e: {  	[tilespmem:s13+$0xA800] =	vst v0;
	s12 =	sadd.s32 $0x10, s12;
	s13 =	smov.u32 s11;
	s11 =	sadd.s32 $0x40, s11  }
.Ltmp0:
0x1f: {  	(pc) =	sbr.rel @p0 .LBB2_2-.Ltmp0, $4  }
0x20: {  	_ = 	snop  }
0x21: {  	s13 =	sand.u32 $0x7E00, s13  }
0x22: {  	s14 =	sand.u32 $0x70, s12;
	s13 =	sshrl.u32 s13, $0x2  }
0x23: {  	s13 =	sor.u32 s14, s13  }
0x24: {  	[tilespmem:s13+$0xA800] =	vst v0  }
0x25: {  	[spmem:s6] =	stream.linear.scatter [tilespmem:s28], [sflag:$0x3], $0x1400, $0x38;
	[tilespmem:$0x1F480] =	vst v63  }
0x26: {  	_ =	swait.ge [sflag:s29], $0x1400  }
0x27: {  	[sflag:s29] =	ssyncset.done $0x0  }
0x28: {  	s11 =	rddreg [dreg:$0x6];
	[sflag:s29] =	ssyncadd.s32 $0xFFFFEC00  }
0x29: {  	[spmem:s11] =	stream.linear.scatter [tilespmem:s28], [sflag:$0x3], $0x1400, $0x38;
	[tilespmem:$0x1F480] =	vst v63  }
0x2a: {  	_ =	swait.ge [sflag:s29], $0x1400  }
0x2b: {  	[sflag:s29] =	ssyncset.done $0x0  }
0x2c: {  	s13 =	rddreg [dreg:$0x7];
	[sflag:s29] =	ssyncadd.s32 $0xFFFFEC00  }
0x2d: {  	[spmem:s13] =	stream.linear.scatter [tilespmem:s28], [sflag:$0x3], $0x1400, $0x38;
	[tilespmem:$0x1F480] =	vst v63  }
0x2e: {  	_ =	swait.ge [sflag:s29], $0x1400  }
0x2f: {  	[sflag:s29] =	ssyncset.done $0x0  }
0x30: {  	s14 =	rddreg [dreg:$0x8];
	[sflag:s29] =	ssyncadd.s32 $0xFFFFEC00  }
0x31: {  	[spmem:s14] =	stream.linear.scatter [tilespmem:s28], [sflag:$0x3], $0x1400, $0x38;
	[tilespmem:$0x1F480] =	vst v63  }
0x32: {  	_ =	swait.ge [sflag:s29], $0x1400  }
0x33: {  	[sflag:s29] =	ssyncset.done $0x0  }
0x34: {  	s12 =	rddreg [dreg:$0x9];
	[sflag:s29] =	ssyncadd.s32 $0xFFFFEC00  }
0x35: {  	[spmem:s12] =	stream.linear.scatter [tilespmem:s28], [sflag:$0x3], $0x1400, $0x38;
	[tilespmem:$0x1F480] =	vst v63  }
0x36: {  	_ =	swait.ge [sflag:s29], $0x1400  }
0x37: {  	[sflag:s29] =	ssyncset.done $0x0  }
0x38: {  	s13 =	rddreg [dreg:$0xa];
	[sflag:s29] =	ssyncadd.s32 $0xFFFFEC00  }
0x39: {  	[spmem:s13] =	stream.linear.scatter [tilespmem:s28], [sflag:$0x3], $0x1400, $0x38;
	[tilespmem:$0x1F480] =	vst v63  }
0x3a: {  	_ =	swait.ge [sflag:s29], $0x1400  }
0x3b: {  	[sflag:s29] =	ssyncset.done $0x0  }
0x3c: {  	s14 =	rddreg [dreg:$0xb];
	[sflag:s29] =	ssyncadd.s32 $0xFFFFEC00  }
0x3d: {  	[spmem:s14] =	stream.linear.scatter [tilespmem:s28], [sflag:$0x3], $0x1400, $0x38;
	[tilespmem:$0x1F480] =	vst v63  }
0x3e: {  	_ =	swait.ge [sflag:s29], $0x1400  }
0x3f: {  	[sflag:s29] =	ssyncset.done $0x0  }
0x40: {  	s12 =	rddreg [dreg:$0xc];
	[sflag:s29] =	ssyncadd.s32 $0xFFFFEC00  }
0x41: {  	[spmem:s12] =	stream.linear.scatter [tilespmem:s28], [sflag:$0x3], $0x1400, $0x38;
	[tilespmem:$0x1F480] =	vst v63  }
0x42: {  	_ =	swait.ge [sflag:s29], $0x1400  }
0x43: {  	[sflag:s29] =	ssyncset.done $0x0  }
0x44: {  	[sflag:s29] =	ssyncadd.s32 $0xFFFFEC00  }
0x45: {  	[spmem:s15] =	stream.linear.scatter [tilespmem:s28], [sflag:$0x3], $0x1400, $0x38;
	[tilespmem:$0x1F480] =	vst v63  }
0x46: {  	_ =	swait.ge [sflag:s29], $0x1400  }
0x47: {  	[sflag:s29] =	ssyncset.done $0x0  }
0x48: {  	[sflag:s29] =	ssyncadd.s32 $0xFFFFEC00  }
0x49: {  	[spmem:s16] =	stream.linear.scatter [tilespmem:s28], [sflag:$0x3], $0x1400, $0x38;
	[tilespmem:$0x1F480] =	vst v63  }
0x4a: {  	_ =	swait.ge [sflag:s29], $0x1400  }
0x4b: {  	[sflag:s29] =	ssyncset.done $0x0  }
0x4c: {  	[sflag:s29] =	ssyncadd.s32 $0xFFFFEC00  }
0x4d: {  	[spmem:s17] =	stream.linear.scatter [tilespmem:s28], [sflag:$0x3], $0x1400, $0x38;
	[tilespmem:$0x1F480] =	vst v63  }
0x4e: {  	_ =	swait.ge [sflag:s29], $0x1400  }
0x4f: {  	[sflag:s29] =	ssyncset.done $0x0  }
0x50: {  	[sflag:s29] =	ssyncadd.s32 $0xFFFFEC00  }
0x51: {  	[spmem:s18] =	stream.linear.scatter [tilespmem:s28], [sflag:$0x3], $0x1400, $0x38;
	[tilespmem:$0x1F480] =	vst v63  }
0x52: {  	_ =	swait.ge [sflag:s29], $0x1400  }
0x53: {  	[sflag:s29] =	ssyncset.done $0x0  }
0x54: {  	[sflag:s29] =	ssyncadd.s32 $0xFFFFEC00  }
0x55: {  	[spmem:s19] =	stream.linear.scatter [tilespmem:s28], [sflag:$0x3], $0x1400, $0x38;
	[tilespmem:$0x1F480] =	vst v63  }
0x56: {  	_ =	swait.ge [sflag:s29], $0x1400  }
0x57: {  	[sflag:s29] =	ssyncset.done $0x0  }
0x58: {  	[sflag:s29] =	ssyncadd.s32 $0xFFFFEC00  }
0x59: {  	[spmem:s20] =	stream.linear.scatter [tilespmem:s28], [sflag:$0x3], $0x1400, $0x38;
	[tilespmem:$0x1F480] =	vst v63  }
0x5a: {  	_ =	swait.ge [sflag:s29], $0x1400  }
0x5b: {  	[sflag:s29] =	ssyncset.done $0x0  }
0x5c: {  	[sflag:s29] =	ssyncadd.s32 $0xFFFFEC00  }
0x5d: {  	[spmem:s25] =	stream.linear.scatter [tilespmem:s28], [sflag:$0x3], $0x1400, $0x38;
	[tilespmem:$0x1F480] =	vst v63  }
0x5e: {  	_ =	swait.ge [sflag:s29], $0x1400  }
0x5f: {  	[sflag:s29] =	ssyncset.done $0x0  }
0x60: {  	[sflag:s29] =	ssyncadd.s32 $0xFFFFEC00  }
0x61: {  	[spmem:s26] =	stream.linear.scatter [tilespmem:s28], [sflag:$0x3], $0x1400, $0x38;
	[tilespmem:$0x1F480] =	vst v63  }
0x62: {  	_ =	swait.ge [sflag:s29], $0x1400  }
0x63: {  	[sflag:s29] =	ssyncset.done $0x0  }
0x64: {  	[sflag:s29] =	ssyncadd.s32 $0xFFFFEC00  }
0x65: {  	s13 =	simm.s32 $0x0;
	[bflag:$0x0] =	sbarrier.arrive $0xFFFF  }
0x66: {  	[tilespmem:s13], [sflag:$0x3] =	stream.linear.gather [hbm4b:s21+s13], $0x1400, $0x38;
	[tilespmem:$0x1F480] =	vst v63  }
0x67: {  	_ =	swait.ge [sflag:s29], $0x1400  }
0x68: {  	[sflag:s29] =	ssyncset.done $0x0  }
0x69: {  	[sflag:s29] =	ssyncadd.s32 $0xFFFFEC00  }
0x6a: {  	[tilespmem:s30], [sflag:$0x3] =	stream.linear.gather [hbm4b:s22+s13], $0x1400, $0x38;
	[tilespmem:$0x1F480] =	vst v63  }
0x6b: {  	_ =	swait.ge [sflag:s29], $0x1400  }
0x6c: {  	[sflag:s29] =	ssyncset.done $0x0  }
0x6d: {  	[sflag:s29] =	ssyncadd.s32 $0xFFFFEC00  }
0x6e: {  	[tilespmem:s1], [sflag:$0x1] =	stream.indirect.gather [hbm4b:s0+s31], $0x80, s13, s31, $0xb8;
	[tilespmem:$0x1F480] =	vst v63  }
0x6f: {  	_ =	swait.ge [sflag:s2], $0x3E80  }
0x70: {  	[sflag:s2] =	ssyncset.done $0x0  }
0x71: {  	s14 =	simm.s32 $0x80;
	[sflag:s2] =	ssyncadd.s32 $0xFFFFC180  }
0x72: {  	[tilespmem:s4], [sflag:$0x2] =	stream.indirect.gather [hbm4b:s0+s31], $0x80, s14, s31, $0xb8;
	[tilespmem:$0x1F480] =	vst v63  }
0x73: {  	s12 =	simm.s32 $0x1400  }
0x74: {  	[spmem:s3] =	stream.indirect.scatter.add.f32 [tilespmem:s1], [sflag:$0x3], $0x80, s12, s31, $0xb8;
	[tilespmem:$0x1F480] =	vst v63  }
0x75: {  	_ =	swait.ge [sflag:s29], $0x3E80  }
0x76: {  	[sflag:s29] =	ssyncset.done $0x0  }
0x77: {  	[sflag:s29] =	ssyncadd.s32 $0xFFFFC180  }
0x78: {  	_ =	swait.ge [sflag:s5], $0x3E80  }
0x79: {  	[sflag:s5] =	ssyncset.done $0x0  }
0x7a: {  	s13 =	simm.s32 $0x100;
	[sflag:s5] =	ssyncadd.s32 $0xFFFFC180  }
0x7b: {  	[tilespmem:s1], [sflag:$0x1] =	stream.indirect.gather [hbm4b:s0+s31], $0x80, s13, s31, $0xb8;
	[tilespmem:$0x1F480] =	vst v63  }
0x7c: {  	s14 =	simm.s32 $0x1480  }
0x7d: {  	[spmem:s3] =	stream.indirect.scatter.add.f32 [tilespmem:s4], [sflag:$0x3], $0x80, s14, s31, $0xb8;
	[tilespmem:$0x1F480] =	vst v63  }
0x7e: {  	_ =	swait.ge [sflag:s29], $0x3E80  }
0x7f: {  	s11 =	simm.s32 $0x400;
	[sflag:s29] =	ssyncset.done $0x0  }
.LBB2_4:
0x80: {  	p0 =	sne.s32 s11, $0x4800  }
0x81: {  	[sflag:s29] =	ssyncadd.s32 $0xFFFFC180;
	s12 =	smov.u32 s11;
	s11 =	sadd.s32 $0x400, s11  }
0x82: {  	_ = 	snop  }
0x83: {  	_ =	swait.ge [sflag:s2], $0x3E80  }
0x84: {  	s12 =	sshra.s32 s12, $0x2;
	[sflag:s2] =	ssyncset.done $0x0  }
0x85: {  	s13 =	sadd.s32 $0x80, s12;
	[sflag:s2] =	ssyncadd.s32 $0xFFFFC180  }
0x86: {  	[tilespmem:s4], [sflag:$0x2] =	stream.indirect.gather [hbm4b:s0+s31], $0x80, s13, s31, $0xb8;
	[tilespmem:$0x1F480] =	vst v63  }
0x87: {  	s13 =	sadd.s32 $0x1400, s12  }
0x88: {  	[spmem:s3] =	stream.indirect.scatter.add.f32 [tilespmem:s1], [sflag:$0x3], $0x80, s13, s31, $0xb8;
	[tilespmem:$0x1F480] =	vst v63  }
0x89: {  	_ =	swait.ge [sflag:s29], $0x3E80  }
0x8a: {  	[sflag:s29] =	ssyncset.done $0x0  }
0x8b: {  	[sflag:s29] =	ssyncadd.s32 $0xFFFFC180  }
0x8c: {  	_ =	swait.ge [sflag:s5], $0x3E80  }
0x8d: {  	[sflag:s5] =	ssyncset.done $0x0  }
0x8e: {  	s13 =	sadd.s32 $0x100, s12;
	[sflag:s5] =	ssyncadd.s32 $0xFFFFC180  }
0x8f: {  	[tilespmem:s1], [sflag:$0x1] =	stream.indirect.gather [hbm4b:s0+s31], $0x80, s13, s31, $0xb8;
	[tilespmem:$0x1F480] =	vst v63  }
.Ltmp1:
0x90: {  	_ = 	snop;
	(pc) =	sbr.rel @p0 .LBB2_4-.Ltmp1, $4  }
0x91: {  	s12 =	sadd.s32 $0x1480, s12  }
0x92: {  	[spmem:s3] =	stream.indirect.scatter.add.f32 [tilespmem:s4], [sflag:$0x3], $0x80, s12, s31, $0xb8;
	[tilespmem:$0x1F480] =	vst v63  }
0x93: {  	_ =	swait.ge [sflag:s29], $0x3E80  }
0x94: {  	[sflag:s29] =	ssyncset.done $0x0  }
0x95: {  	[sflag:s29] =	ssyncadd.s32 $0xFFFFC180  }
0x96: {  	_ =	swait.ge [sflag:s2], $0x3E80  }
0x97: {  	[sflag:s2] =	ssyncset.done $0x0  }
0x98: {  	[sflag:s2] =	ssyncadd.s32 $0xFFFFC180  }
0x99: {  	[tilespmem:s4], [sflag:$0x2] =	stream.indirect.gather [hbm4b:s0+s31], $0x80, s7, s31, $0xb8;
	[tilespmem:$0x1F480] =	vst v63  }
0x9a: {  	_ = 	snop  }
0x9b: {  	[spmem:s3] =	stream.indirect.scatter.add.f32 [tilespmem:s1], [sflag:$0x3], $0x80, s8, s31, $0xb8;
	[tilespmem:$0x1F480] =	vst v63  }
0x9c: {  	_ =	swait.ge [sflag:s29], $0x3E80  }
0x9d: {  	[sflag:s29] =	ssyncset.done $0x0  }
0x9e: {  	[sflag:s29] =	ssyncadd.s32 $0xFFFFC180  }
0x9f: {  	_ =	swait.ge [sflag:s5], $0x3E80  }
0xa0: {  	[sflag:s5] =	ssyncset.done $0x0  }
0xa1: {  	[sflag:s5] =	ssyncadd.s32 $0xFFFFC180  }
0xa2: {  	[spmem:s3] =	stream.indirect.scatter.add.f32 [tilespmem:s4], [sflag:$0x3], $0x80, s9, s31, $0xb8;
	[tilespmem:$0x1F480] =	vst v63  }
0xa3: {  	_ =	swait.ge [sflag:s29], $0x3E80  }
0xa4: {  	[sflag:s29] =	ssyncset.done $0x0  }
0xa5: {  	s11 =	simm.s32 $0x0;
	[sflag:s29] =	ssyncadd.s32 $0xFFFFC180  }
0xa6: {  	[tilespmem:s11], [sflag:$0x3] =	stream.linear.gather [hbm4b:s23+s11], $0x1400, $0x38;
	[tilespmem:$0x1F480] =	vst v63  }
0xa7: {  	_ =	swait.ge [sflag:s29], $0x1400  }
0xa8: {  	[sflag:s29] =	ssyncset.done $0x0  }
0xa9: {  	[sflag:s29] =	ssyncadd.s32 $0xFFFFEC00  }
0xaa: {  	[tilespmem:s30], [sflag:$0x3] =	stream.linear.gather [hbm4b:s24+s11], $0x1400, $0x38;
	[tilespmem:$0x1F480] =	vst v63  }
0xab: {  	_ =	swait.ge [sflag:s29], $0x1400  }
0xac: {  	[sflag:s29] =	ssyncset.done $0x0  }
0xad: {  	[sflag:s29] =	ssyncadd.s32 $0xFFFFEC00  }
0xae: {  	[tilespmem:s1], [sflag:$0x1] =	stream.indirect.gather [hbm4b:s0+s31], $0x80, s11, s31, $0xb8;
	[tilespmem:$0x1F480] =	vst v63  }
0xaf: {  	_ =	swait.ge [sflag:s2], $0x3E80  }
0xb0: {  	[sflag:s2] =	ssyncset.done $0x0  }
0xb1: {  	s14 =	simm.s32 $0x80;
	[sflag:s2] =	ssyncadd.s32 $0xFFFFC180  }
0xb2: {  	[tilespmem:s4], [sflag:$0x2] =	stream.indirect.gather [hbm4b:s0+s31], $0x80, s14, s31, $0xb8;
	[tilespmem:$0x1F480] =	vst v63  }
0xb3: {  	s12 =	simm.s32 $0x1400  }
0xb4: {  	[spmem:s3] =	stream.indirect.scatter.add.f32 [tilespmem:s1], [sflag:$0x3], $0x80, s12, s31, $0xb8;
	[tilespmem:$0x1F480] =	vst v63  }
0xb5: {  	_ =	swait.ge [sflag:s29], $0x3E80  }
0xb6: {  	[sflag:s29] =	ssyncset.done $0x0  }
0xb7: {  	[sflag:s29] =	ssyncadd.s32 $0xFFFFC180  }
0xb8: {  	_ =	swait.ge [sflag:s5], $0x3E80  }
0xb9: {  	[sflag:s5] =	ssyncset.done $0x0  }
0xba: {  	s13 =	simm.s32 $0x100;
	[sflag:s5] =	ssyncadd.s32 $0xFFFFC180  }
0xbb: {  	[tilespmem:s1], [sflag:$0x1] =	stream.indirect.gather [hbm4b:s0+s31], $0x80, s13, s31, $0xb8;
	[tilespmem:$0x1F480] =	vst v63  }
0xbc: {  	s14 =	simm.s32 $0x1480  }
0xbd: {  	[spmem:s3] =	stream.indirect.scatter.add.f32 [tilespmem:s4], [sflag:$0x3], $0x80, s14, s31, $0xb8;
	[tilespmem:$0x1F480] =	vst v63  }
0xbe: {  	_ =	swait.ge [sflag:s29], $0x3E80  }
0xbf: {  	s11 =	simm.s32 $0x400;
	[sflag:s29] =	ssyncset.done $0x0  }
.LBB2_6:
0xc0: {  	p0 =	sne.s32 s11, $0x4800  }
0xc1: {  	[sflag:s29] =	ssyncadd.s32 $0xFFFFC180;
	s12 =	smov.u32 s11;
	s11 =	sadd.s32 $0x400, s11  }
0xc2: {  	_ = 	snop  }
0xc3: {  	_ =	swait.ge [sflag:s2], $0x3E80  }
0xc4: {  	s12 =	sshra.s32 s12, $0x2;
	[sflag:s2] =	ssyncset.done $0x0  }
0xc5: {  	s13 =	sadd.s32 $0x80, s12;
	[sflag:s2] =	ssyncadd.s32 $0xFFFFC180  }
0xc6: {  	[tilespmem:s4], [sflag:$0x2] =	stream.indirect.gather [hbm4b:s0+s31], $0x80, s13, s31, $0xb8;
	[tilespmem:$0x1F480] =	vst v63  }
0xc7: {  	s13 =	sadd.s32 $0x1400, s12  }
0xc8: {  	[spmem:s3] =	stream.indirect.scatter.add.f32 [tilespmem:s1], [sflag:$0x3], $0x80, s13, s31, $0xb8;
	[tilespmem:$0x1F480] =	vst v63  }
0xc9: {  	_ =	swait.ge [sflag:s29], $0x3E80  }
0xca: {  	[sflag:s29] =	ssyncset.done $0x0  }
0xcb: {  	[sflag:s29] =	ssyncadd.s32 $0xFFFFC180  }
0xcc: {  	_ =	swait.ge [sflag:s5], $0x3E80  }
0xcd: {  	[sflag:s5] =	ssyncset.done $0x0  }
0xce: {  	s13 =	sadd.s32 $0x100, s12;
	[sflag:s5] =	ssyncadd.s32 $0xFFFFC180  }
0xcf: {  	[tilespmem:s1], [sflag:$0x1] =	stream.indirect.gather [hbm4b:s0+s31], $0x80, s13, s31, $0xb8;
	[tilespmem:$0x1F480] =	vst v63  }
.Ltmp2:
0xd0: {  	_ = 	snop;
	(pc) =	sbr.rel @p0 .LBB2_6-.Ltmp2, $4  }
0xd1: {  	s12 =	sadd.s32 $0x1480, s12  }
0xd2: {  	[spmem:s3] =	stream.indirect.scatter.add.f32 [tilespmem:s4], [sflag:$0x3], $0x80, s12, s31, $0xb8;
	[tilespmem:$0x1F480] =	vst v63  }
0xd3: {  	_ =	swait.ge [sflag:s29], $0x3E80  }
0xd4: {  	[sflag:s29] =	ssyncset.done $0x0  }
0xd5: {  	[sflag:s29] =	ssyncadd.s32 $0xFFFFC180  }
0xd6: {  	_ =	swait.ge [sflag:s2], $0x3E80  }
0xd7: {  	[sflag:s2] =	ssyncset.done $0x0  }
0xd8: {  	[sflag:s2] =	ssyncadd.s32 $0xFFFFC180  }
0xd9: {  	[tilespmem:s4], [sflag:$0x2] =	stream.indirect.gather [hbm4b:s0+s31], $0x80, s7, s31, $0xb8;
	[tilespmem:$0x1F480] =	vst v63  }
0xda: {  	_ = 	snop  }
0xdb: {  	[spmem:s3] =	stream.indirect.scatter.add.f32 [tilespmem:s1], [sflag:$0x3], $0x80, s8, s31, $0xb8;
	[tilespmem:$0x1F480] =	vst v63  }
0xdc: {  	_ =	swait.ge [sflag:s29], $0x3E80  }
0xdd: {  	[sflag:s29] =	ssyncset.done $0x0  }
0xde: {  	[sflag:s29] =	ssyncadd.s32 $0xFFFFC180  }
0xdf: {  	_ =	swait.ge [sflag:s5], $0x3E80  }
0xe0: {  	[sflag:s5] =	ssyncset.done $0x0  }
0xe1: {  	[sflag:s5] =	ssyncadd.s32 $0xFFFFC180  }
0xe2: {  	[spmem:s3] =	stream.indirect.scatter.add.f32 [tilespmem:s4], [sflag:$0x3], $0x80, s9, s31, $0xb8;
	[tilespmem:$0x1F480] =	vst v63  }
0xe3: {  	_ =	swait.ge [sflag:s29], $0x3E80  }
0xe4: {  	[sflag:s29] =	ssyncset.done $0x0  }
0xe5: {  	s11 =	stileid.u32;
	[sflag:s29] =	ssyncadd.s32 $0xFFFFC180  }
0xe6: {  	s11 =	sshll.u32 s11, $0x6;
	[bflag:$0x0] =	sbarrier.arrive $0xFFFF  }
0xe7: {  	s12 =	sshrl.u32 s6, $0x3;
	s11 =	sor.u32 $0x1C03, s11;
	s13 =	rddreg [dreg:$0x4]  }
0xe8: {  	[hbm:s13], [sflag:s11] =	dma.local [spmem:s12], $0x2800  }
0xe9: {  	_ =	swait.ge [sflag:s29], $0x2800  }
0xea: {  	s10 =	sadd.s32 $0x1, s10;
	s14 =	rddreg [dreg:$0x5]  }
0xeb: {  	p0 =	sne.s32 s10, s14  }
.Ltmp3:
0xec: {  	_ = 	snop;
	(pc) =	sbr.rel @p0 .LBB2_1-.Ltmp3, $3  }
0xed: {  	_ =	sdelay $0x1  }
0xee: {  	[sflag:s29] =	ssyncset.done $0x0  }
0xef: {  	[sflag:s29] =	ssyncadd.s32 $0xFFFFD800  }
0xf0: {  	_ =	sfence.sel $0x180000  }
0xf1: {  	[bflag:$0x0] =	sbarrier.arrive $0xFFFF  }
0xf2: {  	_ =	strace $0x90000050  }
0xf3: {  	s0 =	stileid.u32;
	[bflag:$0x2] =	sbarrier.arrive $0xFFFF  }
0xf4: {  	p0 =	sne.s32 s0, $0x0;
	s0 =	rddreg [dreg:$0x3]  }
0xf5: {  	s0 =	sadd.s32 @!p0 $0x100000, s0  }
0xf6: {  	[sflag:s0] =	ssyncadd.tile.s32 @!p0 $0x1;
	_ =	shalt  }
.Lfunc_end2:
_tile_overlayer_lowered:
.L_overlay_start_2:
0xf7: {  	(tag) =	ssettag $0x2  }
0xf8: {  	s0 =	rddreg [dreg:$0x0];
	s2 =	stileid.u32  }
0xf9: {  	s1 =	rddreg [dreg:$0x1];
	p0 =	sne.s32 s2, $0x0  }
0xfa: {  	s3 =	rddreg [dreg:$0x2];
	[bflag:$0x3] =	sbarrier.arrive $0xFFFF;
	s2 =	simm.s32 @!p0 $0x1C03  }
0xfb: {  	[timem:s3], [sflag:s2] =	dma.local @!p0 [hbm:s0], s1  }
0xfc: {  	s0 =	simm.s32 @!p0 $0x3  }
0xfd: {  	_ =	swait.ge @!p0 [sflag:s0], s1  }
0xfe: {  	s1 =	ssub.s32 @!p0 $0x0, s1;
	[sflag:s0] =	ssyncset.done @!p0 $0x0  }
0xff: {  	[sflag:s0] =	ssyncadd.s32 @!p0 s1  }
0x100: {  	[bflag:$0x3] =	sbarrier.arrive $0xFFFF  }
0x101: {  	_ =	shalt  }

// kernel: kernel.26.cloned.1.call-start
scs
__scs_entry_jumppad:
0x0: {  	(pc) =	sbr.rel $0x88, $3  }
0x1: {  	(tag) =	ssettag $0x0;
	lr =	simm.s32 $0x1  }
0x2: {  	[smem:$0x3F9B] =	sst lr;
	_ =	strace $0xD0000000  }
0x3: {  	_ = 	snop  }
0x4: {  	_ = 	snop  }
0x5: {  	_ = 	snop  }
0x6: {  	_ = 	snop  }
0x7: {  	_ = 	snop  }
__scs_overlays_trampoline_lowered:
0x8: {  	[smem:$0x3FAA] =	sst s0  }
0x9: {  	[smem:$0x3FAB] =	sst s1  }
0xa: {  	[smem:$0x3FAC] =	sst s2  }
0xb: {  	[smem:$0x3FAD] =	sst s3  }
0xc: {  	[smem:$0x3FAE] =	sst s4  }
0xd: {  	[smem:$0x3FAF] =	sst s5  }
0xe: {  	[smem:$0x3FB0] =	sst s6  }
0xf: {  	[smem:$0x3FB1] =	sst s7  }
0x10: {  	[smem:$0x3FB2] =	sst s8  }
0x11: {  	[smem:$0x3FB3] =	sst s9;
	s0 =	simm.s32 @!p0 $0x0  }
0x12: {  	s1 =	sld [smem:$0x3F99];
	s0 =	simm.s32 @p0 $0x1  }
0x13: {  	[smem:$0x3FB4] =	sst s0;
	s0 =	simm.s32 @!p1 $0x0  }
0x14: {  	s2 =	sld [smem:$0x3F98];
	s0 =	simm.s32 @p1 $0x1  }
0x15: {  	[smem:$0x3FB5] =	sst s0;
	s0 =	simm.s32 @!p2 $0x0  }
0x16: {  	s3 =	sld [smem:$0x3FDB];
	s0 =	simm.s32 @p2 $0x1  }
0x17: {  	s4 =	simm.s32 $0x1BF5;
	[smem:$0x3FB7] =	sst s0  }
0x18: {  	s0 =	sld [smem:$0x3F9A];
	_ =	swait.ge [sflag:s4], $0x0  }
0x19: {  	s7 =	sld [smem:$0x3F9B]  }
0x1a: {  	s8 =	sadd.s32 $0xFFFFE003, lr  }
0x1b: {  	s9 =	sadd.s32 $0xFFFFFEF7, lr;
	s5 =	simm.s32 $0xFFFFFFFF;
	p2 =	slt.u32 s8, $0xFFFFF086  }
0x1c: {  	p1 =	slt.u32 s9, $0xF7A;
	s5 =	simm.s32 @!p2 $0x0  }
0x1d: {  	s5 =	simm.s32 @p1 $0x1;
	p0 =	seq.s32 s7, s2  }
0x1e: {  	s7 =	smul.u32 @!p0 $0xF7A, s2;
	p2 =	seq.s32 @!p0 s5, $0x0  }
0x1f: {  	s9 =	smul.u32 $0xF7A, s1;
	s8 =	simm.s32 @!p0 $0x1BF5;
	p2 =	por !p2, p0  }
0x20: {  	[sflag:s8] =	ssyncset.s32 @!p0 $0xFFFFF086;
	s6 =	sadd.s32 @!p0 s3, s7;
	s7 =	simm.s32 @!p0 $0x108  }
0x21: {  	s3 =	sadd.s32 s3, s9;
	s6 =	sadd.s32 @!p0 $0x88, s6;
	s7 =	simm.s32 @p2 $0x1082  }
0x22: {  	[simem:s7], [sflag:s8] =	dma.local @!p0 [hbm:s6], $0xF7A  }
0x23: {  	s9 =	sor.u32 $0xD0000000, s2;
	s6 =	simm.s32 $0x108;
	_ =	swait.ge @!p0 [sflag:s8], $0x0  }
0x24: {  	s3 =	sadd.s32 $0x88, s3;
	s6 =	simm.s32 @!p1 $0x1082;
	[sflag:s4] =	ssyncset.s32 $0xFFFFF086  }
0x25: {  	[simem:s6], [sflag:s4] =	dma.local [hbm:s3], $0xF7A  }
0x26: {  	[smem:$0x3F9B] =	sst s1;
	(tag) =	ssettag s2;
	_ =	strace s9  }
0x27: {  	s1 =	sld [smem:$0x3FAB]  }
0x28: {  	s2 =	sld [smem:$0x3FAC]  }
0x29: {  	s4 =	sld [smem:$0x3FAE]  }
0x2a: {  	p0 =	seq.s32 s5, $0x0;
	s5 =	sld [smem:$0x3FAF]  }
0x2b: {  	s6 =	sld [smem:$0x3FB0]  }
0x2c: {  	s7 =	sld [smem:$0x3FB1]  }
0x2d: {  	s3 =	simm.s32 $0x108;
	s8 =	sld [smem:$0x3FB2]  }
0x2e: {  	s3 =	simm.s32 @!p0 $0x1082;
	s9 =	sld [smem:$0x3FB3]  }
0x2f: {  	lr =	sadd.s32 s0, s3;
	s0 =	sld [smem:$0x3FAA]  }
0x30: {  	s3 =	sld [smem:$0x3FAD]  }
0x31: {  	[smem:$0x3FB6] =	sst s10  }
0x32: {  	s10 =	sld [smem:$0x3FB4];
	_ =	sdelay $0x3  }
0x33: {  	p0 =	seq.s32 s10, $0x1;
	s10 =	sld [smem:$0x3FB6];
	_ =	sdelay $0x3  }
0x34: {  	[smem:$0x3FB6] =	sst s10  }
0x35: {  	s10 =	sld [smem:$0x3FB5];
	_ =	sdelay $0x3  }
0x36: {  	p1 =	seq.s32 s10, $0x1;
	s10 =	sld [smem:$0x3FB6];
	_ =	sdelay $0x3  }
0x37: {  	[smem:$0x3FB6] =	sst s10  }
0x38: {  	s10 =	sld [smem:$0x3FB7]  }
0x39: {  	_ = 	snop;
	(pc) =	sbr.ind lr, $3  }
0x3a: {  	_ = 	snop  }
0x3b: {  	_ = 	snop  }
0x3c: {  	p2 =	seq.s32 s10, $0x1;
	s10 =	sld [smem:$0x3FB6]  }
0x3d: {  	_ =	shalt  }
0x3e: {  	_ =	shalt  }
0x3f: {  	_ =	shalt  }
0x40: {  	_ =	shalt  }
0x41: {  	_ =	shalt  }
0x42: {  	_ =	shalt  }
0x43: {  	_ =	shalt  }
0x44: {  	_ =	shalt  }
0x45: {  	_ =	shalt  }
0x46: {  	_ =	shalt  }
0x47: {  	_ =	shalt  }
0x48: {  	_ =	shalt  }
0x49: {  	_ =	shalt  }
0x4a: {  	_ =	shalt  }
0x4b: {  	_ =	shalt  }
0x4c: {  	_ =	shalt  }
0x4d: {  	_ =	shalt  }
0x4e: {  	_ =	shalt  }
0x4f: {  	_ =	shalt  }
0x50: {  	_ =	shalt  }
0x51: {  	_ =	shalt  }
0x52: {  	_ =	shalt  }
0x53: {  	_ =	shalt  }
0x54: {  	_ =	shalt  }
0x55: {  	_ =	shalt  }
0x56: {  	_ =	shalt  }
0x57: {  	_ =	shalt  }
0x58: {  	_ =	shalt  }
0x59: {  	_ =	shalt  }
0x5a: {  	_ =	shalt  }
0x5b: {  	_ =	shalt  }
0x5c: {  	_ =	shalt  }
0x5d: {  	_ =	shalt  }
0x5e: {  	_ =	shalt  }
0x5f: {  	_ =	shalt  }
0x60: {  	_ =	shalt  }
0x61: {  	_ =	shalt  }
0x62: {  	_ =	shalt  }
0x63: {  	_ =	shalt  }
0x64: {  	_ =	shalt  }
0x65: {  	_ =	shalt  }
0x66: {  	_ =	shalt  }
0x67: {  	_ =	shalt  }
0x68: {  	_ =	shalt  }
0x69: {  	_ =	shalt  }
0x6a: {  	_ =	shalt  }
0x6b: {  	_ =	shalt  }
0x6c: {  	_ =	shalt  }
0x6d: {  	_ =	shalt  }
0x6e: {  	_ =	shalt  }
0x6f: {  	_ =	shalt  }
0x70: {  	_ =	shalt  }
0x71: {  	_ =	shalt  }
0x72: {  	_ =	shalt  }
0x73: {  	_ =	shalt  }
0x74: {  	_ =	shalt  }
0x75: {  	_ =	shalt  }
0x76: {  	_ =	shalt  }
0x77: {  	_ =	shalt  }
0x78: {  	_ =	shalt  }
0x79: {  	_ =	shalt  }
0x7a: {  	_ =	shalt  }
0x7b: {  	_ =	shalt  }
0x7c: {  	_ =	shalt  }
0x7d: {  	_ =	shalt  }
0x7e: {  	_ =	shalt  }
0x7f: {  	_ =	shalt  }
0x80: {  	_ =	shalt  }
0x81: {  	_ =	shalt  }
0x82: {  	_ =	shalt  }
0x83: {  	_ =	shalt  }
0x84: {  	_ =	shalt  }
0x85: {  	_ =	shalt  }
0x86: {  	_ =	shalt  }
0x87: {  	_ =	shalt  }
.Lfunc_end0:
.L_simem_size_0:
called_computation.4_lowered:
.L_overlay_start_0:
0x88: {  	s2 =	sld [smem:$0x3FD9]  }
0x89: {  	s3 =	sld [smem:$0x3FFE];
	_ =	sdelay $0x1  }
0x8a: {  	s1 =	srdreg.scid  }
0x8b: {  	s0 =	sand.u32 $0x1, s1  }
0x8c: {  	s17 =	sshll.u32 s0, $0xA;
	s2 =	sadd.s32 s3, s2  }
0x8d: {  	s2 =	sadd.s32 s2, s17  }
0x8e: {  	[smem:$0x3FC2] =	sst s2  }
0x8f: {  	_ = 	snop  }
0x90: {  	s2 =	sld [smem:$0x3FD0];
	(tm) =	ssettm $0x1  }
0x91: {  	s18 =	sld [smem:$0x3FFB];
	_ =	sdelay $0x3  }
0x92: {  	_ =	strace s18  }
0x93: {  	s3 =	sld [smem:$0x3FFC];
	_ =	sdelay $0x3  }
0x94: {  	_ =	strace s3  }
0x95: {  	s3 =	sld [smem:$0x3FFD];
	_ =	sdelay $0x3  }
0x96: {  	_ =	strace s3  }
0x97: {  	_ =	strace $0x8FFFFFFF  }
0x98: {  	s19 =	sld [smem:$0x3FDB];
	_ =	sdelay $0x1  }
0x99: {  	s4 =	simm.s32 $_scs_section_size  }
0x9a: {  	s5 =	simm.s32 $_size__tile_overlayer_lowered;
	s6 =	simm.s32 $_tile_overlayer_lowered  }
0x9b: {  	s22 =	simm.s32 $0x1BFF;
	s21 =	sshll.u32 s6, $0x1;
	s3 =	sadd.s32 s4, s19  }
0x9c: {  	s7 =	simm.s32 $0x0;
	s20 =	sshll.u32 s5, $0x1;
	s5 =	sadd.s32 s21, s3  }
0x9d: {  	[timem:s7], [sflag:s22] =	dma.local [hbm:s5], s20  }
0x9e: {  	_ =	swait.ge [sflag:s22], s20  }
0x9f: {  	s4 =	ssub.s32 $0x0, s20;
	[sflag:s22] =	ssyncset.done $0x0  }
0xa0: {  	[sflag:s22] =	ssyncadd.s32 s4;
	_ =	sdelay $0x1  }
0xa1: {  	s23 =	simm.s32 $0x1B8B  }
0xa2: {  	_ =	swait.ge [sflag:s23], $0x1  }
0xa3: {  	[sflag:s23] =	ssyncset.done $0x0  }
0xa4: {  	s25 =	simm.s32 $0x1B8E;
	s24 =	sld [smem:$0x3FFE];
	[sflag:s23] =	ssyncadd.s32 $0xFFFFFFFF  }
0xa5: {  	s26 =	simm.s32 $execute0_lowered;
	[smem:$0x3FD2] =	sst s25  }
0xa6: {  	s5 =	sshll.u32 s26, $0x1;
	_ =	strace $0x80000052;
	[dreg:$0x1] =	wrdreg $0xFFFFFFFF  }
0xa7: {  	s28 =	simm.s32 $_size_execute0_lowered;
	s3 =	sadd.s32 s3, s5;
	[dreg:$0x0] =	wrdreg $0x0  }
0xa8: {  	s5 =	sshll.u32 s28, $0x1;
	[dreg:$0x2] =	wrdreg s3  }
0xa9: {  	[dreg:$0x3] =	wrdreg s5  }
0xaa: {  	[dreg:$0x4] =	wrdreg $0xC0  }
0xab: {  	_ =	task [dreg:s7], $0x5FFFF  }
0xac: {  	[dreg:$0x1] =	wrdreg $0xFFFFFFFF  }
0xad: {  	[dreg:$0x0] =	wrdreg $0x60  }
0xae: {  	[dreg:$0x2] =	wrdreg s2  }
0xaf: {  	[dreg:$0x3] =	wrdreg s24  }
0xb0: {  	[dreg:$0x4] =	wrdreg $0xBC000  }
0xb1: {  	[dreg:$0x5] =	wrdreg $0x9  }
0xb2: {  	_ =	task.clear_ibuf [dreg:s7], $0x6FFFF;
	_ =	strace $0x90000052  }
0xb3: {  	s29 =	simm.s32 $0x9;
	_ =	strace $0x80000054  }
0xb4: {  	_ =	swait.ge [sflag:s29], $0x1  }
0xb5: {  	[sflag:s29] =	ssyncadd.s32 $0xFFFFFFFF  }
0xb6: {  	_ =	strace $0x90000054  }
0xb7: {  	_ =	sfence  }
0xb8: {  	s30 =	sld [smem:$0x0];
	_ =	sdelay $0x2  }
0xb9: {  	s31 =	sshll.u32 s1, $0xD;
	s1 =	sshrl.u32 s1, $0x2  }
0xba: {  	s3 =	sand.u32 $0x4000, s31;
	s1 =	sadd.s32 s1, s30  }
0xbb: {  	s0 =	sor.u32 s3, s0;
	s1 =	sshll.u32 s1, $0x11  }
0xbc: {  	s0 =	sor.u32 s1, s0  }
0xbd: {  	s0 =	sadd.s32 $0x8F2B, s0  }
0xbe: {  	[sflag:s0] =	ssyncadd.remote.s32 $0x1  }
0xbf: {  	_ =	sfence.sel $0xFFFF  }
0xc0: {  	[dreg:$0x0] =	wrdreg $0xFFFFFFFF;
	(pc) =	sbr.abs _section_cstart, $3  }
0xc1: {  	[dreg:$0x1] =	wrdreg $0xFFFFFFFF  }
0xc2: {  	_ =	task.clear_ibuf [dreg:s7], $0x2FFFF;
	_ =	strace $0x9FFFFFFF  }
0xc3: {  	(tm) =	ssettm $0x7FFFFFFF  }
tec
execute0_lowered:
.L_overlay_start_1:
0x0: {  	(tag) =	ssettag $0x1  }
0x1: {  	s0 =	rddreg [dreg:$0x0]  }
0x2: {  	s1 =	rddreg [dreg:$0x1];
	s2 =	srdreg.scid  }
0x3: {  	s3 =	rddreg [dreg:$0x2];
	s9 =	stileid.u32;
	s6 =	simm.s32 $0x0  }
0x4: {  	s28 =	simm.s32 $0xA800;
	s29 =	simm.s32 $0x3;
	s30 =	simm.s32 $0x1400  }
0x5: {  	s31 =	simm.s32 $0x7D;
	s10 =	simm.s32 $0x0;
	s5 =	smul.u32 $0x13800, s9  }
0x6: {  	s2 =	sand.u32 $0x1, s2;
	[smem:$0x7FF] =	sst s6;
	s8 =	smul.u32 $0x4E000, s9  }
0x7: {  	s14 =	sadd.s32 $0x2E00, s1;
	s7 =	sadd.s32 $0x5B000, s1;
	s4 =	smul.u32 $0x138800, s2  }
0x8: {  	_ =	strace $0x80000053;
	s15 =	ssub.s32 $0x2, s2;
	s17 =	sshrl.u32 s8, $0x2  }
0x9: {  	s2 =	sshll.u32 s2, $0x4;
	s16 =	sshrl.u32 s15, $0x1;
	s6 =	sadd.s32 s17, s3  }
0xa: {  	s2 =	sor.u32 s9, s2;
	s8 =	simm.s32 $0x2700;
	s19 =	sadd.s32 $0x1400, s6  }
0xb: {  	s9 =	simm.s32 $0x2780;
	s20 =	sadd.s32 $0x2800, s6;
	[dreg:$0x6] =	wrdreg s19  }
0xc: {  	s4 =	sadd.s32 s5, s4;
	s21 =	sadd.s32 $0x3C00, s6;
	[dreg:$0x7] =	wrdreg s20  }
0xd: {  	s2 =	smul.u32 $0x2800, s2;
	s22 =	sadd.s32 $0x5000, s6;
	[dreg:$0x8] =	wrdreg s21  }
0xe: {  	s5 =	simm.s32 $0x2;
	s23 =	sadd.s32 $0x6400, s6;
	[dreg:$0x9] =	wrdreg s22  }
0xf: {  	s4 =	sshrl.u32 s4, $0x3;
	s24 =	sadd.s32 $0x7800, s6;
	[dreg:$0xa] =	wrdreg s23  }
0x10: {  	s25 =	sadd.s32 $0x8C00, s6;
	s17 =	sadd.s32 $0xC800, s6;
	[dreg:$0xb] =	wrdreg s24  }
0x11: {  	s1 =	sadd.s32 s4, s1;
	s4 =	ssub.s32 s15, s16;
	[dreg:$0xc] =	wrdreg s25  }
0x12: {  	s15 =	sadd.s32 $0xA000, s6;
	s16 =	sadd.s32 $0xB400, s6;
	s26 =	sshrl.u32 s2, $0x3  }
0x13: {  	s19 =	sadd.s32 $0xF000, s6;
	s20 =	sadd.s32 $0x10400, s6;
	s25 =	sadd.s32 $0x11800, s6  }
0x14: {  	s1 =	sadd.s32 $0x65000, s1;
	s18 =	smax.u32 s4, $0x1;
	s2 =	sadd.s32 $0x280, s26  }
0x15: {  	s21 =	sadd.s32 s14, s26;
	s22 =	sadd.s32 s7, s26;
	[dreg:$0x4] =	wrdreg s1  }
0x16: {  	s26 =	sadd.s32 $0x12C00, s6;
	s4 =	simm.s32 $0x6800;
	[dreg:$0x5] =	wrdreg s18  }
0x17: {  	s18 =	sadd.s32 $0xDC00, s6;
	s23 =	sadd.s32 s14, s2;
	s24 =	sadd.s32 s7, s2  }
0x18: {  	v0 =	vimm.f32 $0.0e+00;
	s1 =	simm.s32 $0x2800;
	s2 =	simm.s32 $0x1;
	s7 =	simm.s32 $0x1380  }
.LBB2_1:
0x19: {  	s12 =	simm.s32 $0x0  }
0x1a: {  	s11 =	sand.u32 $0x7E00, s12  }
0x1b: {  	s12 =	sand.u32 $0x70, s12;
	s13 =	sshrl.u32 s11, $0x2  }
0x1c: {  	s11 =	simm.s32 $0x40;
	s13 =	sor.u32 s12, s13;
	s12 =	simm.s32 $0x0  }
.LBB2_2:
0x1d: {  	p0 =	sne.s32 s11, $0x4FC0  }
0x1e: {  	[tilespmem:s13+$0xA800] =	vst v0;
	s12 =	sadd.s32 $0x10, s12;
	s13 =	smov.u32 s11;
	s11 =	sadd.s32 $0x40, s11  }
.Ltmp0:
0x1f: {  	(pc) =	sbr.rel @p0 .LBB2_2-.Ltmp0, $4  }
0x20: {  	_ = 	snop  }
0x21: {  	s13 =	sand.u32 $0x7E00, s13  }
0x22: {  	s14 =	sand.u32 $0x70, s12;
	s13 =	sshrl.u32 s13, $0x2  }
0x23: {  	s13 =	sor.u32 s14, s13  }
0x24: {  	[tilespmem:s13+$0xA800] =	vst v0  }
0x25: {  	[spmem:s6] =	stream.linear.scatter [tilespmem:s28], [sflag:$0x3], $0x1400, $0x38;
	[tilespmem:$0x1F480] =	vst v63  }
0x26: {  	_ =	swait.ge [sflag:s29], $0x1400  }
0x27: {  	[sflag:s29] =	ssyncset.done $0x0  }
0x28: {  	s11 =	rddreg [dreg:$0x6];
	[sflag:s29] =	ssyncadd.s32 $0xFFFFEC00  }
0x29: {  	[spmem:s11] =	stream.linear.scatter [tilespmem:s28], [sflag:$0x3], $0x1400, $0x38;
	[tilespmem:$0x1F480] =	vst v63  }
0x2a: {  	_ =	swait.ge [sflag:s29], $0x1400  }
0x2b: {  	[sflag:s29] =	ssyncset.done $0x0  }
0x2c: {  	s13 =	rddreg [dreg:$0x7];
	[sflag:s29] =	ssyncadd.s32 $0xFFFFEC00  }
0x2d: {  	[spmem:s13] =	stream.linear.scatter [tilespmem:s28], [sflag:$0x3], $0x1400, $0x38;
	[tilespmem:$0x1F480] =	vst v63  }
0x2e: {  	_ =	swait.ge [sflag:s29], $0x1400  }
0x2f: {  	[sflag:s29] =	ssyncset.done $0x0  }
0x30: {  	s14 =	rddreg [dreg:$0x8];
	[sflag:s29] =	ssyncadd.s32 $0xFFFFEC00  }
0x31: {  	[spmem:s14] =	stream.linear.scatter [tilespmem:s28], [sflag:$0x3], $0x1400, $0x38;
	[tilespmem:$0x1F480] =	vst v63  }
0x32: {  	_ =	swait.ge [sflag:s29], $0x1400  }
0x33: {  	[sflag:s29] =	ssyncset.done $0x0  }
0x34: {  	s12 =	rddreg [dreg:$0x9];
	[sflag:s29] =	ssyncadd.s32 $0xFFFFEC00  }
0x35: {  	[spmem:s12] =	stream.linear.scatter [tilespmem:s28], [sflag:$0x3], $0x1400, $0x38;
	[tilespmem:$0x1F480] =	vst v63  }
0x36: {  	_ =	swait.ge [sflag:s29], $0x1400  }
0x37: {  	[sflag:s29] =	ssyncset.done $0x0  }
0x38: {  	s13 =	rddreg [dreg:$0xa];
	[sflag:s29] =	ssyncadd.s32 $0xFFFFEC00  }
0x39: {  	[spmem:s13] =	stream.linear.scatter [tilespmem:s28], [sflag:$0x3], $0x1400, $0x38;
	[tilespmem:$0x1F480] =	vst v63  }
0x3a: {  	_ =	swait.ge [sflag:s29], $0x1400  }
0x3b: {  	[sflag:s29] =	ssyncset.done $0x0  }
0x3c: {  	s14 =	rddreg [dreg:$0xb];
	[sflag:s29] =	ssyncadd.s32 $0xFFFFEC00  }
0x3d: {  	[spmem:s14] =	stream.linear.scatter [tilespmem:s28], [sflag:$0x3], $0x1400, $0x38;
	[tilespmem:$0x1F480] =	vst v63  }
0x3e: {  	_ =	swait.ge [sflag:s29], $0x1400  }
0x3f: {  	[sflag:s29] =	ssyncset.done $0x0  }
0x40: {  	s12 =	rddreg [dreg:$0xc];
	[sflag:s29] =	ssyncadd.s32 $0xFFFFEC00  }
0x41: {  	[spmem:s12] =	stream.linear.scatter [tilespmem:s28], [sflag:$0x3], $0x1400, $0x38;
	[tilespmem:$0x1F480] =	vst v63  }
0x42: {  	_ =	swait.ge [sflag:s29], $0x1400  }
0x43: {  	[sflag:s29] =	ssyncset.done $0x0  }
0x44: {  	[sflag:s29] =	ssyncadd.s32 $0xFFFFEC00  }
0x45: {  	[spmem:s15] =	stream.linear.scatter [tilespmem:s28], [sflag:$0x3], $0x1400, $0x38;
	[tilespmem:$0x1F480] =	vst v63  }
0x46: {  	_ =	swait.ge [sflag:s29], $0x1400  }
0x47: {  	[sflag:s29] =	ssyncset.done $0x0  }
0x48: {  	[sflag:s29] =	ssyncadd.s32 $0xFFFFEC00  }
0x49: {  	[spmem:s16] =	stream.linear.scatter [tilespmem:s28], [sflag:$0x3], $0x1400, $0x38;
	[tilespmem:$0x1F480] =	vst v63  }
0x4a: {  	_ =	swait.ge [sflag:s29], $0x1400  }
0x4b: {  	[sflag:s29] =	ssyncset.done $0x0  }
0x4c: {  	[sflag:s29] =	ssyncadd.s32 $0xFFFFEC00  }
0x4d: {  	[spmem:s17] =	stream.linear.scatter [tilespmem:s28], [sflag:$0x3], $0x1400, $0x38;
	[tilespmem:$0x1F480] =	vst v63  }
0x4e: {  	_ =	swait.ge [sflag:s29], $0x1400  }
0x4f: {  	[sflag:s29] =	ssyncset.done $0x0  }
0x50: {  	[sflag:s29] =	ssyncadd.s32 $0xFFFFEC00  }
0x51: {  	[spmem:s18] =	stream.linear.scatter [tilespmem:s28], [sflag:$0x3], $0x1400, $0x38;
	[tilespmem:$0x1F480] =	vst v63  }
0x52: {  	_ =	swait.ge [sflag:s29], $0x1400  }
0x53: {  	[sflag:s29] =	ssyncset.done $0x0  }
0x54: {  	[sflag:s29] =	ssyncadd.s32 $0xFFFFEC00  }
0x55: {  	[spmem:s19] =	stream.linear.scatter [tilespmem:s28], [sflag:$0x3], $0x1400, $0x38;
	[tilespmem:$0x1F480] =	vst v63  }
0x56: {  	_ =	swait.ge [sflag:s29], $0x1400  }
0x57: {  	[sflag:s29] =	ssyncset.done $0x0  }
0x58: {  	[sflag:s29] =	ssyncadd.s32 $0xFFFFEC00  }
0x59: {  	[spmem:s20] =	stream.linear.scatter [tilespmem:s28], [sflag:$0x3], $0x1400, $0x38;
	[tilespmem:$0x1F480] =	vst v63  }
0x5a: {  	_ =	swait.ge [sflag:s29], $0x1400  }
0x5b: {  	[sflag:s29] =	ssyncset.done $0x0  }
0x5c: {  	[sflag:s29] =	ssyncadd.s32 $0xFFFFEC00  }
0x5d: {  	[spmem:s25] =	stream.linear.scatter [tilespmem:s28], [sflag:$0x3], $0x1400, $0x38;
	[tilespmem:$0x1F480] =	vst v63  }
0x5e: {  	_ =	swait.ge [sflag:s29], $0x1400  }
0x5f: {  	[sflag:s29] =	ssyncset.done $0x0  }
0x60: {  	[sflag:s29] =	ssyncadd.s32 $0xFFFFEC00  }
0x61: {  	[spmem:s26] =	stream.linear.scatter [tilespmem:s28], [sflag:$0x3], $0x1400, $0x38;
	[tilespmem:$0x1F480] =	vst v63  }
0x62: {  	_ =	swait.ge [sflag:s29], $0x1400  }
0x63: {  	[sflag:s29] =	ssyncset.done $0x0  }
0x64: {  	[sflag:s29] =	ssyncadd.s32 $0xFFFFEC00  }
0x65: {  	s13 =	simm.s32 $0x0;
	[bflag:$0x0] =	sbarrier.arrive $0xFFFF  }
0x66: {  	[tilespmem:s13], [sflag:$0x3] =	stream.linear.gather [hbm4b:s21+s13], $0x1400, $0x38;
	[tilespmem:$0x1F480] =	vst v63  }
0x67: {  	_ =	swait.ge [sflag:s29], $0x1400  }
0x68: {  	[sflag:s29] =	ssyncset.done $0x0  }
0x69: {  	[sflag:s29] =	ssyncadd.s32 $0xFFFFEC00  }
0x6a: {  	[tilespmem:s30], [sflag:$0x3] =	stream.linear.gather [hbm4b:s22+s13], $0x1400, $0x38;
	[tilespmem:$0x1F480] =	vst v63  }
0x6b: {  	_ =	swait.ge [sflag:s29], $0x1400  }
0x6c: {  	[sflag:s29] =	ssyncset.done $0x0  }
0x6d: {  	[sflag:s29] =	ssyncadd.s32 $0xFFFFEC00  }
0x6e: {  	[tilespmem:s1], [sflag:$0x1] =	stream.indirect.gather [hbm4b:s0+s31], $0x80, s13, s31, $0xb8;
	[tilespmem:$0x1F480] =	vst v63  }
0x6f: {  	_ =	swait.ge [sflag:s2], $0x3E80  }
0x70: {  	[sflag:s2] =	ssyncset.done $0x0  }
0x71: {  	s14 =	simm.s32 $0x80;
	[sflag:s2] =	ssyncadd.s32 $0xFFFFC180  }
0x72: {  	[tilespmem:s4], [sflag:$0x2] =	stream.indirect.gather [hbm4b:s0+s31], $0x80, s14, s31, $0xb8;
	[tilespmem:$0x1F480] =	vst v63  }
0x73: {  	s12 =	simm.s32 $0x1400  }
0x74: {  	[spmem:s3] =	stream.indirect.scatter.add.f32 [tilespmem:s1], [sflag:$0x3], $0x80, s12, s31, $0xb8;
	[tilespmem:$0x1F480] =	vst v63  }
0x75: {  	_ =	swait.ge [sflag:s29], $0x3E80  }
0x76: {  	[sflag:s29] =	ssyncset.done $0x0  }
0x77: {  	[sflag:s29] =	ssyncadd.s32 $0xFFFFC180  }
0x78: {  	_ =	swait.ge [sflag:s5], $0x3E80  }
0x79: {  	[sflag:s5] =	ssyncset.done $0x0  }
0x7a: {  	s13 =	simm.s32 $0x100;
	[sflag:s5] =	ssyncadd.s32 $0xFFFFC180  }
0x7b: {  	[tilespmem:s1], [sflag:$0x1] =	stream.indirect.gather [hbm4b:s0+s31], $0x80, s13, s31, $0xb8;
	[tilespmem:$0x1F480] =	vst v63  }
0x7c: {  	s14 =	simm.s32 $0x1480  }
0x7d: {  	[spmem:s3] =	stream.indirect.scatter.add.f32 [tilespmem:s4], [sflag:$0x3], $0x80, s14, s31, $0xb8;
	[tilespmem:$0x1F480] =	vst v63  }
0x7e: {  	_ =	swait.ge [sflag:s29], $0x3E80  }
0x7f: {  	s11 =	simm.s32 $0x400;
	[sflag:s29] =	ssyncset.done $0x0  }
.LBB2_4:
0x80: {  	p0 =	sne.s32 s11, $0x4800  }
0x81: {  	[sflag:s29] =	ssyncadd.s32 $0xFFFFC180;
	s12 =	smov.u32 s11;
	s11 =	sadd.s32 $0x400, s11  }
0x82: {  	_ = 	snop  }
0x83: {  	_ =	swait.ge [sflag:s2], $0x3E80  }
0x84: {  	s12 =	sshra.s32 s12, $0x2;
	[sflag:s2] =	ssyncset.done $0x0  }
0x85: {  	s13 =	sadd.s32 $0x80, s12;
	[sflag:s2] =	ssyncadd.s32 $0xFFFFC180  }
0x86: {  	[tilespmem:s4], [sflag:$0x2] =	stream.indirect.gather [hbm4b:s0+s31], $0x80, s13, s31, $0xb8;
	[tilespmem:$0x1F480] =	vst v63  }
0x87: {  	s13 =	sadd.s32 $0x1400, s12  }
0x88: {  	[spmem:s3] =	stream.indirect.scatter.add.f32 [tilespmem:s1], [sflag:$0x3], $0x80, s13, s31, $0xb8;
	[tilespmem:$0x1F480] =	vst v63  }
0x89: {  	_ =	swait.ge [sflag:s29], $0x3E80  }
0x8a: {  	[sflag:s29] =	ssyncset.done $0x0  }
0x8b: {  	[sflag:s29] =	ssyncadd.s32 $0xFFFFC180  }
0x8c: {  	_ =	swait.ge [sflag:s5], $0x3E80  }
0x8d: {  	[sflag:s5] =	ssyncset.done $0x0  }
0x8e: {  	s13 =	sadd.s32 $0x100, s12;
	[sflag:s5] =	ssyncadd.s32 $0xFFFFC180  }
0x8f: {  	[tilespmem:s1], [sflag:$0x1] =	stream.indirect.gather [hbm4b:s0+s31], $0x80, s13, s31, $0xb8;
	[tilespmem:$0x1F480] =	vst v63  }
.Ltmp1:
0x90: {  	_ = 	snop;
	(pc) =	sbr.rel @p0 .LBB2_4-.Ltmp1, $4  }
0x91: {  	s12 =	sadd.s32 $0x1480, s12  }
0x92: {  	[spmem:s3] =	stream.indirect.scatter.add.f32 [tilespmem:s4], [sflag:$0x3], $0x80, s12, s31, $0xb8;
	[tilespmem:$0x1F480] =	vst v63  }
0x93: {  	_ =	swait.ge [sflag:s29], $0x3E80  }
0x94: {  	[sflag:s29] =	ssyncset.done $0x0  }
0x95: {  	[sflag:s29] =	ssyncadd.s32 $0xFFFFC180  }
0x96: {  	_ =	swait.ge [sflag:s2], $0x3E80  }
0x97: {  	[sflag:s2] =	ssyncset.done $0x0  }
0x98: {  	[sflag:s2] =	ssyncadd.s32 $0xFFFFC180  }
0x99: {  	[tilespmem:s4], [sflag:$0x2] =	stream.indirect.gather [hbm4b:s0+s31], $0x80, s7, s31, $0xb8;
	[tilespmem:$0x1F480] =	vst v63  }
0x9a: {  	_ = 	snop  }
0x9b: {  	[spmem:s3] =	stream.indirect.scatter.add.f32 [tilespmem:s1], [sflag:$0x3], $0x80, s8, s31, $0xb8;
	[tilespmem:$0x1F480] =	vst v63  }
0x9c: {  	_ =	swait.ge [sflag:s29], $0x3E80  }
0x9d: {  	[sflag:s29] =	ssyncset.done $0x0  }
0x9e: {  	[sflag:s29] =	ssyncadd.s32 $0xFFFFC180  }
0x9f: {  	_ =	swait.ge [sflag:s5], $0x3E80  }
0xa0: {  	[sflag:s5] =	ssyncset.done $0x0  }
0xa1: {  	[sflag:s5] =	ssyncadd.s32 $0xFFFFC180  }
0xa2: {  	[spmem:s3] =	stream.indirect.scatter.add.f32 [tilespmem:s4], [sflag:$0x3], $0x80, s9, s31, $0xb8;
	[tilespmem:$0x1F480] =	vst v63  }
0xa3: {  	_ =	swait.ge [sflag:s29], $0x3E80  }
0xa4: {  	[sflag:s29] =	ssyncset.done $0x0  }
0xa5: {  	s11 =	simm.s32 $0x0;
	[sflag:s29] =	ssyncadd.s32 $0xFFFFC180  }
0xa6: {  	[tilespmem:s11], [sflag:$0x3] =	stream.linear.gather [hbm4b:s23+s11], $0x1400, $0x38;
	[tilespmem:$0x1F480] =	vst v63  }
0xa7: {  	_ =	swait.ge [sflag:s29], $0x1400  }
0xa8: {  	[sflag:s29] =	ssyncset.done $0x0  }
0xa9: {  	[sflag:s29] =	ssyncadd.s32 $0xFFFFEC00  }
0xaa: {  	[tilespmem:s30], [sflag:$0x3] =	stream.linear.gather [hbm4b:s24+s11], $0x1400, $0x38;
	[tilespmem:$0x1F480] =	vst v63  }
0xab: {  	_ =	swait.ge [sflag:s29], $0x1400  }
0xac: {  	[sflag:s29] =	ssyncset.done $0x0  }
0xad: {  	[sflag:s29] =	ssyncadd.s32 $0xFFFFEC00  }
0xae: {  	[tilespmem:s1], [sflag:$0x1] =	stream.indirect.gather [hbm4b:s0+s31], $0x80, s11, s31, $0xb8;
	[tilespmem:$0x1F480] =	vst v63  }
0xaf: {  	_ =	swait.ge [sflag:s2], $0x3E80  }
0xb0: {  	[sflag:s2] =	ssyncset.done $0x0  }
0xb1: {  	s14 =	simm.s32 $0x80;
	[sflag:s2] =	ssyncadd.s32 $0xFFFFC180  }
0xb2: {  	[tilespmem:s4], [sflag:$0x2] =	stream.indirect.gather [hbm4b:s0+s31], $0x80, s14, s31, $0xb8;
	[tilespmem:$0x1F480] =	vst v63  }
0xb3: {  	s12 =	simm.s32 $0x1400  }
0xb4: {  	[spmem:s3] =	stream.indirect.scatter.add.f32 [tilespmem:s1], [sflag:$0x3], $0x80, s12, s31, $0xb8;
	[tilespmem:$0x1F480] =	vst v63  }
0xb5: {  	_ =	swait.ge [sflag:s29], $0x3E80  }
0xb6: {  	[sflag:s29] =	ssyncset.done $0x0  }
0xb7: {  	[sflag:s29] =	ssyncadd.s32 $0xFFFFC180  }
0xb8: {  	_ =	swait.ge [sflag:s5], $0x3E80  }
0xb9: {  	[sflag:s5] =	ssyncset.done $0x0  }
0xba: {  	s13 =	simm.s32 $0x100;
	[sflag:s5] =	ssyncadd.s32 $0xFFFFC180  }
0xbb: {  	[tilespmem:s1], [sflag:$0x1] =	stream.indirect.gather [hbm4b:s0+s31], $0x80, s13, s31, $0xb8;
	[tilespmem:$0x1F480] =	vst v63  }
0xbc: {  	s14 =	simm.s32 $0x1480  }
0xbd: {  	[spmem:s3] =	stream.indirect.scatter.add.f32 [tilespmem:s4], [sflag:$0x3], $0x80, s14, s31, $0xb8;
	[tilespmem:$0x1F480] =	vst v63  }
0xbe: {  	_ =	swait.ge [sflag:s29], $0x3E80  }
0xbf: {  	s11 =	simm.s32 $0x400;
	[sflag:s29] =	ssyncset.done $0x0  }
.LBB2_6:
0xc0: {  	p0 =	sne.s32 s11, $0x4800  }
0xc1: {  	[sflag:s29] =	ssyncadd.s32 $0xFFFFC180;
	s12 =	smov.u32 s11;
	s11 =	sadd.s32 $0x400, s11  }
0xc2: {  	_ = 	snop  }
0xc3: {  	_ =	swait.ge [sflag:s2], $0x3E80  }
0xc4: {  	s12 =	sshra.s32 s12, $0x2;
	[sflag:s2] =	ssyncset.done $0x0  }
0xc5: {  	s13 =	sadd.s32 $0x80, s12;
	[sflag:s2] =	ssyncadd.s32 $0xFFFFC180  }
0xc6: {  	[tilespmem:s4], [sflag:$0x2] =	stream.indirect.gather [hbm4b:s0+s31], $0x80, s13, s31, $0xb8;
	[tilespmem:$0x1F480] =	vst v63  }
0xc7: {  	s13 =	sadd.s32 $0x1400, s12  }
0xc8: {  	[spmem:s3] =	stream.indirect.scatter.add.f32 [tilespmem:s1], [sflag:$0x3], $0x80, s13, s31, $0xb8;
	[tilespmem:$0x1F480] =	vst v63  }
0xc9: {  	_ =	swait.ge [sflag:s29], $0x3E80  }
0xca: {  	[sflag:s29] =	ssyncset.done $0x0  }
0xcb: {  	[sflag:s29] =	ssyncadd.s32 $0xFFFFC180  }
0xcc: {  	_ =	swait.ge [sflag:s5], $0x3E80  }
0xcd: {  	[sflag:s5] =	ssyncset.done $0x0  }
0xce: {  	s13 =	sadd.s32 $0x100, s12;
	[sflag:s5] =	ssyncadd.s32 $0xFFFFC180  }
0xcf: {  	[tilespmem:s1], [sflag:$0x1] =	stream.indirect.gather [hbm4b:s0+s31], $0x80, s13, s31, $0xb8;
	[tilespmem:$0x1F480] =	vst v63  }
.Ltmp2:
0xd0: {  	_ = 	snop;
	(pc) =	sbr.rel @p0 .LBB2_6-.Ltmp2, $4  }
0xd1: {  	s12 =	sadd.s32 $0x1480, s12  }
0xd2: {  	[spmem:s3] =	stream.indirect.scatter.add.f32 [tilespmem:s4], [sflag:$0x3], $0x80, s12, s31, $0xb8;
	[tilespmem:$0x1F480] =	vst v63  }
0xd3: {  	_ =	swait.ge [sflag:s29], $0x3E80  }
0xd4: {  	[sflag:s29] =	ssyncset.done $0x0  }
0xd5: {  	[sflag:s29] =	ssyncadd.s32 $0xFFFFC180  }
0xd6: {  	_ =	swait.ge [sflag:s2], $0x3E80  }
0xd7: {  	[sflag:s2] =	ssyncset.done $0x0  }
0xd8: {  	[sflag:s2] =	ssyncadd.s32 $0xFFFFC180  }
0xd9: {  	[tilespmem:s4], [sflag:$0x2] =	stream.indirect.gather [hbm4b:s0+s31], $0x80, s7, s31, $0xb8;
	[tilespmem:$0x1F480] =	vst v63  }
0xda: {  	_ = 	snop  }
0xdb: {  	[spmem:s3] =	stream.indirect.scatter.add.f32 [tilespmem:s1], [sflag:$0x3], $0x80, s8, s31, $0xb8;
	[tilespmem:$0x1F480] =	vst v63  }
0xdc: {  	_ =	swait.ge [sflag:s29], $0x3E80  }
0xdd: {  	[sflag:s29] =	ssyncset.done $0x0  }
0xde: {  	[sflag:s29] =	ssyncadd.s32 $0xFFFFC180  }
0xdf: {  	_ =	swait.ge [sflag:s5], $0x3E80  }
0xe0: {  	[sflag:s5] =	ssyncset.done $0x0  }
0xe1: {  	[sflag:s5] =	ssyncadd.s32 $0xFFFFC180  }
0xe2: {  	[spmem:s3] =	stream.indirect.scatter.add.f32 [tilespmem:s4], [sflag:$0x3], $0x80, s9, s31, $0xb8;
	[tilespmem:$0x1F480] =	vst v63  }
0xe3: {  	_ =	swait.ge [sflag:s29], $0x3E80  }
0xe4: {  	[sflag:s29] =	ssyncset.done $0x0  }
0xe5: {  	s11 =	stileid.u32;
	[sflag:s29] =	ssyncadd.s32 $0xFFFFC180  }
0xe6: {  	s11 =	sshll.u32 s11, $0x6;
	[bflag:$0x0] =	sbarrier.arrive $0xFFFF  }
0xe7: {  	s12 =	sshrl.u32 s6, $0x3;
	s11 =	sor.u32 $0x1C03, s11;
	s13 =	rddreg [dreg:$0x4]  }
0xe8: {  	[hbm:s13], [sflag:s11] =	dma.local [spmem:s12], $0x2800  }
0xe9: {  	_ =	swait.ge [sflag:s29], $0x2800  }
0xea: {  	s10 =	sadd.s32 $0x1, s10;
	s14 =	rddreg [dreg:$0x5]  }
0xeb: {  	p0 =	sne.s32 s10, s14  }
.Ltmp3:
0xec: {  	_ = 	snop;
	(pc) =	sbr.rel @p0 .LBB2_1-.Ltmp3, $3  }
0xed: {  	_ =	sdelay $0x1  }
0xee: {  	[sflag:s29] =	ssyncset.done $0x0  }
0xef: {  	[sflag:s29] =	ssyncadd.s32 $0xFFFFD800  }
0xf0: {  	_ =	sfence.sel $0x180000  }
0xf1: {  	[bflag:$0x0] =	sbarrier.arrive $0xFFFF  }
0xf2: {  	_ =	strace $0x90000053  }
0xf3: {  	s0 =	stileid.u32;
	[bflag:$0x2] =	sbarrier.arrive $0xFFFF  }
0xf4: {  	p0 =	sne.s32 s0, $0x0;
	s0 =	rddreg [dreg:$0x3]  }
0xf5: {  	s0 =	sadd.s32 @!p0 $0x100000, s0  }
0xf6: {  	[sflag:s0] =	ssyncadd.tile.s32 @!p0 $0x1;
	_ =	shalt  }
.Lfunc_end2:
_tile_overlayer_lowered:
.L_overlay_start_2:
0xf7: {  	(tag) =	ssettag $0x2  }
0xf8: {  	s0 =	rddreg [dreg:$0x0];
	s2 =	stileid.u32  }
0xf9: {  	s1 =	rddreg [dreg:$0x1];
	p0 =	sne.s32 s2, $0x0  }
0xfa: {  	s3 =	rddreg [dreg:$0x2];
	[bflag:$0x3] =	sbarrier.arrive $0xFFFF;
	s2 =	simm.s32 @!p0 $0x1C03  }
0xfb: {  	[timem:s3], [sflag:s2] =	dma.local @!p0 [hbm:s0], s1  }
0xfc: {  	s0 =	simm.s32 @!p0 $0x3  }
0xfd: {  	_ =	swait.ge @!p0 [sflag:s0], s1  }
0xfe: {  	s1 =	ssub.s32 @!p0 $0x0, s1;
	[sflag:s0] =	ssyncset.done @!p0 $0x0  }
0xff: {  	[sflag:s0] =	ssyncadd.s32 @!p0 s1  }
0x100: {  	[bflag:$0x3] =	sbarrier.arrive $0xFFFF  }
0x101: {  	_ =	shalt  }

</sc_bundles>
